<compile_context>
chip_gen: v7x
topology: tpu7x:2x2x1
jax: 0.10.2.dev20260603
libtpu: 0.0.44.dev20260713+nightly
codegen_flags: <defaults>
</compile_context>

<pallas_src>
import functools

import jax
import jax.numpy as jnp
from jax import lax
from jax.experimental import pallas as pl
from jax.experimental.pallas import tpu as pltpu
from jax.experimental.pallas import tpu_sc as plsc

N = 10000
E = 320000
D = 128
R = 16
LANES = 16
NC = 2
NS = 16
NW = NC * NS
CHUNK = 128
NCHUNKS = 2560
CPT = NCHUNKS // NW
E_PAD = NCHUNKS * CHUNK
DUMP_ROWS = 256
ROWS_PER_TILE = 624
ZROWS = 104
TAIL_ROWS = N - NS * ROWS_PER_TILE


def _zero_spmem(sid, agg_s, zbuf):
    rbase = sid * ROWS_PER_TILE
    for k in range(ROWS_PER_TILE // ZROWS):
        pltpu.sync_copy(zbuf, agg_s.at[pl.ds(rbase + k * ZROWS, ZROWS)])

    @pl.when(sid == 0)
    def _zero_tail():
        t0 = NS * ROWS_PER_TILE
        pltpu.sync_copy(zbuf.at[pl.ds(0, TAIL_ROWS)], agg_s.at[pl.ds(t0, TAIL_ROWS)])


def _export_spmem(cid, sid, agg_s, zbuf, out_hbm):
    rbase = sid * ROWS_PER_TILE
    pltpu.sync_copy(agg_s.at[pl.ds(rbase, ROWS_PER_TILE)],
                    out_hbm.at[cid, pl.ds(rbase, ROWS_PER_TILE)])

    @pl.when(sid == 0)
    def _export_tail():
        t0 = NS * ROWS_PER_TILE
        pltpu.sync_copy(agg_s.at[pl.ds(t0, TAIL_ROWS)],
                        out_hbm.at[cid, pl.ds(t0, TAIL_ROWS)])


def _zero_zbuf_loop(zbuf):
    def _zero_zbuf(i, _):
        for cb in range(D // LANES):
            zbuf[i, pl.ds(cb * LANES, LANES)] = jnp.zeros((LANES,), jnp.float32)
        return _
    lax.fori_loop(0, ZROWS, _zero_zbuf, None)


def _sc_agg_body(gtab_hbm, fd_hbm, agg_out, agg_s, fd4, rows2, zbuf,
                 gsem0, gsem1, isem0, isem1, ssem0, ssem1):
    gsems = (gsem0, gsem1)
    isems = (isem0, isem1)
    ssems = (ssem0, ssem1)
    cid = lax.axis_index("c")
    sid = lax.axis_index("s")
    wid = cid * NS + sid

    _zero_zbuf_loop(zbuf)
    _zero_spmem(sid, agg_s, zbuf)
    plsc.subcore_barrier()

    pltpu.sync_copy(fd_hbm.at[wid], fd4.at[0])
    pltpu.async_copy(fd_hbm.at[wid + NW], fd4.at[1], isems[1])
    pltpu.async_copy(gtab_hbm.at[fd4.at[0, 0]], rows2.at[0], gsems[0])

    def _pipe(g2, _):
        k0 = g2 * 2
        for b in range(2):
            k = k0 + b
            b1 = 1 - b
            f = k % 4
            f1 = (k + 1) % 4
            pltpu.make_async_copy(gtab_hbm.at[fd4.at[f, 0]], rows2.at[b],
                                  gsems[b]).wait()

            @pl.when(k + 1 < CPT)
            def _next_gather():
                pltpu.make_async_copy(fd_hbm.at[wid], fd4.at[f1],
                                      isems[b1]).wait()

                @pl.when(k >= 1)
                def _free_rows():
                    pltpu.make_async_copy(
                        rows2.at[b1], agg_s.at[fd4.at[(k + 3) % 4, 1]],
                        ssems[b1]).wait()

                pltpu.async_copy(gtab_hbm.at[fd4.at[f1, 0]], rows2.at[b1],
                                 gsems[b1])

            pltpu.async_copy(rows2.at[b], agg_s.at[fd4.at[f, 1]], ssems[b],
                             add=True)

            @pl.when(k + 2 < CPT)
            def _prefetch_idx():
                pltpu.async_copy(fd_hbm.at[wid + (k + 2) * NW],
                                 fd4.at[(k + 2) % 4], isems[b])
        return _
    lax.fori_loop(0, CPT // 2, _pipe, None)

    for b in range(2):
        pltpu.make_async_copy(rows2.at[b], agg_s.at[fd4.at[b, 1]],
                              ssems[b]).wait()

    plsc.subcore_barrier()
    _export_spmem(cid, sid, agg_s, zbuf, agg_out)


def _sc_deg_body(fd_hbm, deg_out, agg_s, fd2, rows2, zbuf, isem0, isem1):
    isems = (isem0, isem1)
    cid = lax.axis_index("c")
    sid = lax.axis_index("s")
    wid = cid * NS + sid

    _zero_zbuf_loop(zbuf)
    _zero_spmem(sid, agg_s, zbuf)

    def _ones(i, _):
        for cb in range(D // LANES):
            rows2[0, i, pl.ds(cb * LANES, LANES)] = jnp.ones((LANES,), jnp.float32)
        return _
    lax.fori_loop(0, CHUNK, _ones, None)
    plsc.subcore_barrier()

    pltpu.sync_copy(fd_hbm.at[wid], fd2.at[0])
    pltpu.sync_copy(fd_hbm.at[wid + NW], fd2.at[1])

    def _pipe(g2, _):
        k0 = g2 * 2
        for b in range(2):
            k = k0 + b

            @pl.when(k >= 2)
            def _wait_idx():
                pltpu.make_async_copy(fd_hbm.at[wid], fd2.at[b],
                                      isems[b]).wait()

            pltpu.sync_copy(rows2.at[0], agg_s.at[fd2.at[b, 1]], add=True)

            @pl.when(k + 2 < CPT)
            def _prefetch_idx():
                pltpu.async_copy(fd_hbm.at[wid + (k + 2) * NW], fd2.at[b],
                                 isems[b])
        return _
    lax.fori_loop(0, CPT // 2, _pipe, None)

    plsc.subcore_barrier()
    _export_spmem(cid, sid, agg_s, zbuf, deg_out)


def _make_sc(body, fd_depth, n_sems):
    mesh = plsc.VectorSubcoreMesh(core_axis_name="c", subcore_axis_name="s")
    agg_t = jax.ShapeDtypeStruct((NC, N, D), jnp.float32)
    return pl.kernel(
        body,
        mesh=mesh,
        out_type=agg_t,
        scratch_types=[
            pltpu.VMEM_SHARED((N + DUMP_ROWS, D), jnp.float32),
            pltpu.VMEM((fd_depth, 2, CHUNK), jnp.int32),
            pltpu.VMEM((2, CHUNK, D), jnp.float32),
            pltpu.VMEM((ZROWS, D), jnp.float32),
        ] + [pltpu.SemaphoreType.DMA] * n_sems,
    )


def _fd_body(src_ref, rel_ref, dst_ref, o_ref):
    o_ref[:, 0, :] = rel_ref[...] * N + src_ref[...]
    o_ref[:, 1, :] = dst_ref[...]


def _make_fd():
    B = 256
    return pl.pallas_call(
        _fd_body,
        grid=(NCHUNKS // B,),
        in_specs=[
            pl.BlockSpec((B, CHUNK), lambda i: (i, 0)),
            pl.BlockSpec((B, CHUNK), lambda i: (i, 0)),
            pl.BlockSpec((B, CHUNK), lambda i: (i, 0)),
        ],
        out_specs=pl.BlockSpec((B, 2, CHUNK), lambda i: (i, 0, 0)),
        out_shape=jax.ShapeDtypeStruct((NCHUNKS, 2, CHUNK), jnp.int32),
    )


def _pregate_body(h_ref, g_ref, o_ref):
    o_ref[...] = g_ref[...][:, None, :] * h_ref[...][None, :, :]


def _make_pregate():
    B = 1000
    return pl.pallas_call(
        _pregate_body,
        grid=(N // B,),
        in_specs=[
            pl.BlockSpec((B, D), lambda i: (i, 0)),
            pl.BlockSpec((R, D), lambda i: (0, 0)),
        ],
        out_specs=pl.BlockSpec((R, B, D), lambda i: (0, i, 0)),
        out_shape=jax.ShapeDtypeStruct((R, N, D), jnp.float32),
    )


def _dense_body(final, agg_ref, deg_ref, h_ref, w_ref, b_ref, g_ref, bb_ref,
                ng_ref, nb_ref, *out_refs):
    deg = deg_ref[0, :, 0:1] + deg_ref[1, :, 0:1]
    deg = jnp.maximum(deg, 1.0)
    agg = (agg_ref[0] + agg_ref[1]) / deg
    upd = jnp.dot(agg, w_ref[...], preferred_element_type=jnp.float32)
    upd = jnp.maximum(upd + b_ref[...], 0.0)
    x = h_ref[...] + upd
    mu = jnp.mean(x, axis=-1, keepdims=True)
    var = jnp.mean((x - mu) ** 2, axis=-1, keepdims=True)
    x = (x - mu) * lax.rsqrt(var + 1e-5) * g_ref[...] + bb_ref[...]
    if final:
        mu = jnp.mean(x, axis=-1, keepdims=True)
        var = jnp.mean((x - mu) ** 2, axis=-1, keepdims=True)
        x = (x - mu) * lax.rsqrt(var + 1e-5) * ng_ref[...] + nb_ref[...]
        out_refs[0][...] = x
    else:
        out_refs[0][...] = x
        out_refs[1][...] = ng_ref[...][:, None, :] * x[None, :, :]


def _make_dense(final):
    B = 1000
    if final:
        out_specs = pl.BlockSpec((B, D), lambda i: (i, 0))
        out_shape = jax.ShapeDtypeStruct((N, D), jnp.float32)
        gate_spec = pl.BlockSpec((1, D), lambda i: (0, 0))
    else:
        out_specs = (pl.BlockSpec((B, D), lambda i: (i, 0)),
                     pl.BlockSpec((R, B, D), lambda i: (0, i, 0)))
        out_shape = (jax.ShapeDtypeStruct((N, D), jnp.float32),
                     jax.ShapeDtypeStruct((R, N, D), jnp.float32))
        gate_spec = pl.BlockSpec((R, D), lambda i: (0, 0))
    return pl.pallas_call(
        functools.partial(_dense_body, final),
        grid=(N // B,),
        in_specs=[
            pl.BlockSpec((NC, B, D), lambda i: (0, i, 0)),
            pl.BlockSpec((NC, B, D), lambda i: (0, i, 0)),
            pl.BlockSpec((B, D), lambda i: (i, 0)),
            pl.BlockSpec((D, D), lambda i: (0, 0)),
            pl.BlockSpec((1, D), lambda i: (0, 0)),
            pl.BlockSpec((1, D), lambda i: (0, 0)),
            pl.BlockSpec((1, D), lambda i: (0, 0)),
            gate_spec,
            pl.BlockSpec((1, D), lambda i: (0, 0)),
        ],
        out_specs=out_specs,
        out_shape=out_shape,
    )


def kernel(V, edge_index, rel_ids, rel_gate, W_out, b_out, ln_g, ln_b,
           norm_g, norm_b):
    npad = E_PAD - E
    ppos = jnp.arange(npad, dtype=jnp.int32)
    src = jnp.concatenate([edge_index[0], (ppos * 37) % N])
    dst = jnp.concatenate([edge_index[1], N + (ppos % DUMP_ROWS)])
    rel = jnp.concatenate([rel_ids, ppos % R])
    src = src.reshape(NCHUNKS, CHUNK)
    dst = dst.reshape(NCHUNKS, CHUNK)
    rel = rel.reshape(NCHUNKS, CHUNK)

    fd = _make_fd()(src, rel, dst)
    sc_agg = _make_sc(_sc_agg_body, 4, 6)
    sc_deg = _make_sc(_sc_deg_body, 2, 2)
    dense_mid = _make_dense(False)
    dense_fin = _make_dense(True)

    deg = sc_deg(fd)
    gtab = _make_pregate()(V, rel_gate[0]).reshape(R * N, D)
    agg2 = sc_agg(gtab, fd)
    h, gtab = dense_mid(agg2, deg, V,
                        W_out[0], b_out[0][None, :], ln_g[0][None, :],
                        ln_b[0][None, :], rel_gate[1], norm_b[None, :])
    agg2 = sc_agg(gtab.reshape(R * N, D), fd)
    h = dense_fin(agg2, deg, h,
                  W_out[1], b_out[1][None, :], ln_g[1][None, :],
                  ln_b[1][None, :], norm_g[None, :], norm_b[None, :])
    return h

# --- scband reference (transcript-rebuilt; emitter-appended) ---
"""Pipeline reference for scband-geometric-transformer-v2-43327630082144 (READ-ONLY COPY).

The authoritative reference and input builder live on the scoring server;
editing this copy changes nothing except your own understanding.
"""

import jax, jax.numpy as jnp
import numpy as np

N = 10000
E = 320000
D = 128
DEPTH = 2
R = 16


def _ln(x, g, b):
    mu = jnp.mean(x, axis=-1, keepdims=True)
    var = jnp.mean((x - mu) ** 2, axis=-1, keepdims=True)
    return (x - mu) / jnp.sqrt(var + 1e-5) * g + b


def setup_inputs(seed: int = 0) -> dict:
    key = jax.random.key(seed)
    ks = jax.random.split(key, 8)
    V = jax.random.normal(ks[0], (N, D), dtype=jnp.float32)
    edge_index = jax.random.randint(ks[1], (2, E), 0, N, dtype=jnp.int32)
    rel_ids = jax.random.randint(ks[2], (E,), 0, R, dtype=jnp.int32)
    # per-layer params of SimplicialMessagePassing
    rel_gate = jax.random.normal(ks[3], (DEPTH, R, D), dtype=jnp.float32) * 0.1 + 1.0
    W_out = jax.random.normal(ks[4], (DEPTH, D, D), dtype=jnp.float32) / np.sqrt(D)
    b_out = jnp.zeros((DEPTH, D), dtype=jnp.float32)
    ln_g = jnp.ones((DEPTH, D), dtype=jnp.float32)
    ln_b = jnp.zeros((DEPTH, D), dtype=jnp.float32)
    # final nn.LayerNorm of GeometricTransformerV2
    norm_g = jnp.ones((D,), dtype=jnp.float32)
    norm_b = jnp.zeros((D,), dtype=jnp.float32)
    return {
        "V": V,
        "edge_index": edge_index,
        "rel_ids": rel_ids,
        "rel_gate": rel_gate,
        "W_out": W_out,
        "b_out": b_out,
        "ln_g": ln_g,
        "ln_b": ln_b,
        "norm_g": norm_g,
        "norm_b": norm_b,
    }


def reference(V, edge_index, rel_ids, rel_gate, W_out, b_out, ln_g, ln_b, norm_g, norm_b):
    src = edge_index[0]
    dst = edge_index[1]
    deg = jax.ops.segment_sum(jnp.ones((E,), dtype=V.dtype), dst, num_segments=N)
    deg = jnp.clip(deg, 1.0, None)[:, None]
    h = V
    for l in range(DEPTH):
        # relation-gated message on each edge (gather)
        m = h[src] * rel_gate[l][rel_ids]
        # mean-aggregate into destination nodes (scatter-add)
        agg = jax.ops.segment_sum(m, dst, num_segments=N) / deg
        # node-level update + residual + layer norm
        upd = jax.nn.relu(agg @ W_out[l] + b_out[l])
        h = _ln(h + upd, ln_g[l], ln_b[l])
    return _ln(h, norm_g, norm_b)

if __name__ == "__main__":
    import jax
    _d = setup_inputs()
    print(jax.jit(kernel)(*tuple(_d.values())))

</pallas_src>

<mosaic_0001>
#map = affine_map<(d0, d1) -> (0, 0)>
#map1 = affine_map<(d0, d1) -> (0, 0, 0)>
module attributes {stable_mosaic.version = 14 : i64} {
  func.func @_sc_agg_body(%arg0: i32, %arg1: i32, %arg2: memref<160000x128xf32, #tpu.memory_space<hbm>>, %arg3: memref<2560x2x128xi32, #tpu.memory_space<hbm>>, %arg4: memref<2x10000x128xf32, #tpu.memory_space<hbm>>, %arg5: memref<10256x128xf32, #tpu.memory_space<vmem_shared>>, %arg6: memref<4x2x128xi32, #tpu.memory_space<vmem>>, %arg7: memref<2x128x128xf32, #tpu.memory_space<vmem>>, %arg8: memref<104x128xf32, #tpu.memory_space<vmem>>, %arg9: memref<!tpu.dma_semaphore, #tpu.memory_space<semaphore_mem>>, %arg10: memref<!tpu.dma_semaphore, #tpu.memory_space<semaphore_mem>>, %arg11: memref<!tpu.dma_semaphore, #tpu.memory_space<semaphore_mem>>, %arg12: memref<!tpu.dma_semaphore, #tpu.memory_space<semaphore_mem>>, %arg13: memref<!tpu.dma_semaphore, #tpu.memory_space<semaphore_mem>>, %arg14: memref<!tpu.dma_semaphore, #tpu.memory_space<semaphore_mem>>) attributes {dimension_semantics = [#tpu.dimension_semantics<core_parallel>, #tpu.dimension_semantics<subcore_parallel>], iteration_bounds = array<i64: 2, 16>, scalar_prefetch = 0 : i64, scratch_operands = 10 : i64, tpu.core_type = #tpu.core_type<sc_vector_subcore>, window_params = [{transform_indices = #map}, {transform_indices = #map1}, {transform_indices = #map1}]} {
    %mul3A = arith.constant 16 : i32
    %mul3A_0 = arith.muli %arg0, %mul3A : i32
    %add3A = arith.addi %mul3A_0, %arg1 : i32
    %scan3A = arith.constant 0 : i32
    %scan3A_1 = arith.constant 104 : i32
    %scan3A_2 = arith.addi %scan3A, %scan3A_1 : i32
    %scan3A_3 = arith.constant 1 : i32
    scf.for %scan3A_90 = %scan3A to %scan3A_2 step %scan3A_3  : i32 {
      %broadcast_in_dim3A = arith.constant 0.000000e+00 : f32
      %broadcast_in_dim3A_91 = vector.broadcast %broadcast_in_dim3A : f32 to vector<16xf32>
      %swap3A = arith.index_cast %scan3A_90 : i32 to index
      %swap3A_92 = arith.constant 0 : index
      %swap3A_93 = tpu.vector_load %arg8[%swap3A, %swap3A_92] {strides = array<i32>} : memref<104x128xf32, #tpu.memory_space<vmem>>, vector<1x16xf32>,
      %swap3A_94 = vector.shape_cast %swap3A_93 : vector<1x16xf32> to vector<16xf32>
      %swap3A_95 = vector.shape_cast %broadcast_in_dim3A_91 : vector<16xf32> to vector<1x16xf32>
      tpu.vector_store %arg8[%swap3A, %swap3A_92], %swap3A_95 {strides = array<i32>} : memref<104x128xf32, #tpu.memory_space<vmem>>, vector<1x16xf32>,
      %broadcast_in_dim3A_96 = arith.constant 0.000000e+00 : f32
      %broadcast_in_dim3A_97 = vector.broadcast %broadcast_in_dim3A_96 : f32 to vector<16xf32>
      %swap3A_98 = arith.index_cast %scan3A_90 : i32 to index
      %swap3A_99 = arith.constant 16 : index
      %swap3A_100 = tpu.vector_load %arg8[%swap3A_98, %swap3A_99] {strides = array<i32>} : memref<104x128xf32, #tpu.memory_space<vmem>>, vector<1x16xf32>,
      %swap3A_101 = vector.shape_cast %swap3A_100 : vector<1x16xf32> to vector<16xf32>
      %swap3A_102 = vector.shape_cast %broadcast_in_dim3A_97 : vector<16xf32> to vector<1x16xf32>
      tpu.vector_store %arg8[%swap3A_98, %swap3A_99], %swap3A_102 {strides = array<i32>} : memref<104x128xf32, #tpu.memory_space<vmem>>, vector<1x16xf32>,
      %broadcast_in_dim3A_103 = arith.constant 0.000000e+00 : f32
      %broadcast_in_dim3A_104 = vector.broadcast %broadcast_in_dim3A_103 : f32 to vector<16xf32>
      %swap3A_105 = arith.index_cast %scan3A_90 : i32 to index
      %swap3A_106 = arith.constant 32 : index
      %swap3A_107 = tpu.vector_load %arg8[%swap3A_105, %swap3A_106] {strides = array<i32>} : memref<104x128xf32, #tpu.memory_space<vmem>>, vector<1x16xf32>,
      %swap3A_108 = vector.shape_cast %swap3A_107 : vector<1x16xf32> to vector<16xf32>
      %swap3A_109 = vector.shape_cast %broadcast_in_dim3A_104 : vector<16xf32> to vector<1x16xf32>
      tpu.vector_store %arg8[%swap3A_105, %swap3A_106], %swap3A_109 {strides = array<i32>} : memref<104x128xf32, #tpu.memory_space<vmem>>, vector<1x16xf32>,
      %broadcast_in_dim3A_110 = arith.constant 0.000000e+00 : f32
      %broadcast_in_dim3A_111 = vector.broadcast %broadcast_in_dim3A_110 : f32 to vector<16xf32>
      %swap3A_112 = arith.index_cast %scan3A_90 : i32 to index
      %swap3A_113 = arith.constant 48 : index
      %swap3A_114 = tpu.vector_load %arg8[%swap3A_112, %swap3A_113] {strides = array<i32>} : memref<104x128xf32, #tpu.memory_space<vmem>>, vector<1x16xf32>,
      %swap3A_115 = vector.shape_cast %swap3A_114 : vector<1x16xf32> to vector<16xf32>
      %swap3A_116 = vector.shape_cast %broadcast_in_dim3A_111 : vector<16xf32> to vector<1x16xf32>
      tpu.vector_store %arg8[%swap3A_112, %swap3A_113], %swap3A_116 {strides = array<i32>} : memref<104x128xf32, #tpu.memory_space<vmem>>, vector<1x16xf32>,
      %broadcast_in_dim3A_117 = arith.constant 0.000000e+00 : f32
      %broadcast_in_dim3A_118 = vector.broadcast %broadcast_in_dim3A_117 : f32 to vector<16xf32>
      %swap3A_119 = arith.index_cast %scan3A_90 : i32 to index
      %swap3A_120 = arith.constant 64 : index
      %swap3A_121 = tpu.vector_load %arg8[%swap3A_119, %swap3A_120] {strides = array<i32>} : memref<104x128xf32, #tpu.memory_space<vmem>>, vector<1x16xf32>,
      %swap3A_122 = vector.shape_cast %swap3A_121 : vector<1x16xf32> to vector<16xf32>
      %swap3A_123 = vector.shape_cast %broadcast_in_dim3A_118 : vector<16xf32> to vector<1x16xf32>
      tpu.vector_store %arg8[%swap3A_119, %swap3A_120], %swap3A_123 {strides = array<i32>} : memref<104x128xf32, #tpu.memory_space<vmem>>, vector<1x16xf32>,
      %broadcast_in_dim3A_124 = arith.constant 0.000000e+00 : f32
      %broadcast_in_dim3A_125 = vector.broadcast %broadcast_in_dim3A_124 : f32 to vector<16xf32>
      %swap3A_126 = arith.index_cast %scan3A_90 : i32 to index
      %swap3A_127 = arith.constant 80 : index
      %swap3A_128 = tpu.vector_load %arg8[%swap3A_126, %swap3A_127] {strides = array<i32>} : memref<104x128xf32, #tpu.memory_space<vmem>>, vector<1x16xf32>,
      %swap3A_129 = vector.shape_cast %swap3A_128 : vector<1x16xf32> to vector<16xf32>
      %swap3A_130 = vector.shape_cast %broadcast_in_dim3A_125 : vector<16xf32> to vector<1x16xf32>
      tpu.vector_store %arg8[%swap3A_126, %swap3A_127], %swap3A_130 {strides = array<i32>} : memref<104x128xf32, #tpu.memory_space<vmem>>, vector<1x16xf32>,
      %broadcast_in_dim3A_131 = arith.constant 0.000000e+00 : f32
      %broadcast_in_dim3A_132 = vector.broadcast %broadcast_in_dim3A_131 : f32 to vector<16xf32>
      %swap3A_133 = arith.index_cast %scan3A_90 : i32 to index
      %swap3A_134 = arith.constant 96 : index
      %swap3A_135 = tpu.vector_load %arg8[%swap3A_133, %swap3A_134] {strides = array<i32>} : memref<104x128xf32, #tpu.memory_space<vmem>>, vector<1x16xf32>,
      %swap3A_136 = vector.shape_cast %swap3A_135 : vector<1x16xf32> to vector<16xf32>
      %swap3A_137 = vector.shape_cast %broadcast_in_dim3A_132 : vector<16xf32> to vector<1x16xf32>
      tpu.vector_store %arg8[%swap3A_133, %swap3A_134], %swap3A_137 {strides = array<i32>} : memref<104x128xf32, #tpu.memory_space<vmem>>, vector<1x16xf32>,
      %broadcast_in_dim3A_138 = arith.constant 0.000000e+00 : f32
      %broadcast_in_dim3A_139 = vector.broadcast %broadcast_in_dim3A_138 : f32 to vector<16xf32>
      %swap3A_140 = arith.index_cast %scan3A_90 : i32 to index
      %swap3A_141 = arith.constant 112 : index
      %swap3A_142 = tpu.vector_load %arg8[%swap3A_140, %swap3A_141] {strides = array<i32>} : memref<104x128xf32, #tpu.memory_space<vmem>>, vector<1x16xf32>,
      %swap3A_143 = vector.shape_cast %swap3A_142 : vector<1x16xf32> to vector<16xf32>
      %swap3A_144 = vector.shape_cast %broadcast_in_dim3A_139 : vector<16xf32> to vector<1x16xf32>
      tpu.vector_store %arg8[%swap3A_140, %swap3A_141], %swap3A_144 {strides = array<i32>} : memref<104x128xf32, #tpu.memory_space<vmem>>, vector<1x16xf32>,
    }
    %scan3A_4 = arith.constant 104 : i32
    %mul3A_5 = arith.constant 624 : i32
    %mul3A_6 = arith.muli %arg1, %mul3A_5 : i32
    %add3A_7 = arith.constant 0 : i32
    %add3A_8 = arith.addi %mul3A_6, %add3A_7 : i32
    "tpu.region"() ({
      %run_scoped3A_90 = tpu.sem_alloc : memref<!tpu.dma_semaphore, #tpu.memory_space<semaphore_mem>>
      %dma_start3A_91 = arith.constant 0 : i32
      %dma_start3A_92 = tpu.memref_slice %arg5[%add3A_8, %dma_start3A_91] : memref<10256x128xf32, #tpu.memory_space<vmem_shared>> -> memref<104x128xf32, #tpu.memory_space<vmem_shared>>
      %dma_start3A_93 = arith.constant 0 : i32
      %dma_start3A_94 = tpu.memref_slice %arg5[%add3A_8, %dma_start3A_93] : memref<10256x128xf32, #tpu.memory_space<vmem_shared>> -> memref<104x128xf32, #tpu.memory_space<vmem_shared>>
      tpu.enqueue_dma source(%arg8 : memref<104x128xf32, #tpu.memory_space<vmem>>) target(%dma_start3A_94 : memref<104x128xf32, #tpu.memory_space<vmem_shared>>) target_semaphore(%run_scoped3A_90 : memref<!tpu.dma_semaphore, #tpu.memory_space<semaphore_mem>>)
      %dma_wait3A_95 = arith.constant 0 : i32
      %dma_wait3A_96 = tpu.memref_slice %arg5[%add3A_8, %dma_wait3A_95] : memref<10256x128xf32, #tpu.memory_space<vmem_shared>> -> memref<104x128xf32, #tpu.memory_space<vmem_shared>>
      %dma_wait3A_97 = arith.constant 0 : i32
      %dma_wait3A_98 = tpu.memref_slice %arg5[%add3A_8, %dma_wait3A_97] : memref<10256x128xf32, #tpu.memory_space<vmem_shared>> -> memref<104x128xf32, #tpu.memory_space<vmem_shared>>
      tpu.wait_dma2 semaphore(%run_scoped3A_90 : memref<!tpu.dma_semaphore, #tpu.memory_space<semaphore_mem>>) src(%arg8 : memref<104x128xf32, #tpu.memory_space<vmem>>) dst(%dma_wait3A_98 : memref<104x128xf32, #tpu.memory_space<vmem_shared>>)
      tpu.yield
    }) : () -> ()
    %add3A_9 = arith.constant 104 : i32
    %add3A_10 = arith.addi %mul3A_6, %add3A_9 : i32
    "tpu.region"() ({
      %run_scoped3A_90 = tpu.sem_alloc : memref<!tpu.dma_semaphore, #tpu.memory_space<semaphore_mem>>
      %dma_start3A_91 = arith.constant 0 : i32
      %dma_start3A_92 = tpu.memref_slice %arg5[%add3A_10, %dma_start3A_91] : memref<10256x128xf32, #tpu.memory_space<vmem_shared>> -> memref<104x128xf32, #tpu.memory_space<vmem_shared>>
      %dma_start3A_93 = arith.constant 0 : i32
      %dma_start3A_94 = tpu.memref_slice %arg5[%add3A_10, %dma_start3A_93] : memref<10256x128xf32, #tpu.memory_space<vmem_shared>> -> memref<104x128xf32, #tpu.memory_space<vmem_shared>>
      tpu.enqueue_dma source(%arg8 : memref<104x128xf32, #tpu.memory_space<vmem>>) target(%dma_start3A_94 : memref<104x128xf32, #tpu.memory_space<vmem_shared>>) target_semaphore(%run_scoped3A_90 : memref<!tpu.dma_semaphore, #tpu.memory_space<semaphore_mem>>)
      %dma_wait3A_95 = arith.constant 0 : i32
      %dma_wait3A_96 = tpu.memref_slice %arg5[%add3A_10, %dma_wait3A_95] : memref<10256x128xf32, #tpu.memory_space<vmem_shared>> -> memref<104x128xf32, #tpu.memory_space<vmem_shared>>
      %dma_wait3A_97 = arith.constant 0 : i32
      %dma_wait3A_98 = tpu.memref_slice %arg5[%add3A_10, %dma_wait3A_97] : memref<10256x128xf32, #tpu.memory_space<vmem_shared>> -> memref<104x128xf32, #tpu.memory_space<vmem_shared>>
      tpu.wait_dma2 semaphore(%run_scoped3A_90 : memref<!tpu.dma_semaphore, #tpu.memory_space<semaphore_mem>>) src(%arg8 : memref<104x128xf32, #tpu.memory_space<vmem>>) dst(%dma_wait3A_98 : memref<104x128xf32, #tpu.memory_space<vmem_shared>>)
      tpu.yield
    }) : () -> ()
    %add3A_11 = arith.constant 208 : i32
    %add3A_12 = arith.addi %mul3A_6, %add3A_11 : i32
    "tpu.region"() ({
      %run_scoped3A_90 = tpu.sem_alloc : memref<!tpu.dma_semaphore, #tpu.memory_space<semaphore_mem>>
      %dma_start3A_91 = arith.constant 0 : i32
      %dma_start3A_92 = tpu.memref_slice %arg5[%add3A_12, %dma_start3A_91] : memref<10256x128xf32, #tpu.memory_space<vmem_shared>> -> memref<104x128xf32, #tpu.memory_space<vmem_shared>>
      %dma_start3A_93 = arith.constant 0 : i32
      %dma_start3A_94 = tpu.memref_slice %arg5[%add3A_12, %dma_start3A_93] : memref<10256x128xf32, #tpu.memory_space<vmem_shared>> -> memref<104x128xf32, #tpu.memory_space<vmem_shared>>
      tpu.enqueue_dma source(%arg8 : memref<104x128xf32, #tpu.memory_space<vmem>>) target(%dma_start3A_94 : memref<104x128xf32, #tpu.memory_space<vmem_shared>>) target_semaphore(%run_scoped3A_90 : memref<!tpu.dma_semaphore, #tpu.memory_space<semaphore_mem>>)
      %dma_wait3A_95 = arith.constant 0 : i32
      %dma_wait3A_96 = tpu.memref_slice %arg5[%add3A_12, %dma_wait3A_95] : memref<10256x128xf32, #tpu.memory_space<vmem_shared>> -> memref<104x128xf32, #tpu.memory_space<vmem_shared>>
      %dma_wait3A_97 = arith.constant 0 : i32
      %dma_wait3A_98 = tpu.memref_slice %arg5[%add3A_12, %dma_wait3A_97] : memref<10256x128xf32, #tpu.memory_space<vmem_shared>> -> memref<104x128xf32, #tpu.memory_space<vmem_shared>>
      tpu.wait_dma2 semaphore(%run_scoped3A_90 : memref<!tpu.dma_semaphore, #tpu.memory_space<semaphore_mem>>) src(%arg8 : memref<104x128xf32, #tpu.memory_space<vmem>>) dst(%dma_wait3A_98 : memref<104x128xf32, #tpu.memory_space<vmem_shared>>)
      tpu.yield
    }) : () -> ()
    %add3A_13 = arith.constant 312 : i32
    %add3A_14 = arith.addi %mul3A_6, %add3A_13 : i32
    "tpu.region"() ({
      %run_scoped3A_90 = tpu.sem_alloc : memref<!tpu.dma_semaphore, #tpu.memory_space<semaphore_mem>>
      %dma_start3A_91 = arith.constant 0 : i32
      %dma_start3A_92 = tpu.memref_slice %arg5[%add3A_14, %dma_start3A_91] : memref<10256x128xf32, #tpu.memory_space<vmem_shared>> -> memref<104x128xf32, #tpu.memory_space<vmem_shared>>
      %dma_start3A_93 = arith.constant 0 : i32
      %dma_start3A_94 = tpu.memref_slice %arg5[%add3A_14, %dma_start3A_93] : memref<10256x128xf32, #tpu.memory_space<vmem_shared>> -> memref<104x128xf32, #tpu.memory_space<vmem_shared>>
      tpu.enqueue_dma source(%arg8 : memref<104x128xf32, #tpu.memory_space<vmem>>) target(%dma_start3A_94 : memref<104x128xf32, #tpu.memory_space<vmem_shared>>) target_semaphore(%run_scoped3A_90 : memref<!tpu.dma_semaphore, #tpu.memory_space<semaphore_mem>>)
      %dma_wait3A_95 = arith.constant 0 : i32
      %dma_wait3A_96 = tpu.memref_slice %arg5[%add3A_14, %dma_wait3A_95] : memref<10256x128xf32, #tpu.memory_space<vmem_shared>> -> memref<104x128xf32, #tpu.memory_space<vmem_shared>>
      %dma_wait3A_97 = arith.constant 0 : i32
      %dma_wait3A_98 = tpu.memref_slice %arg5[%add3A_14, %dma_wait3A_97] : memref<10256x128xf32, #tpu.memory_space<vmem_shared>> -> memref<104x128xf32, #tpu.memory_space<vmem_shared>>
      tpu.wait_dma2 semaphore(%run_scoped3A_90 : memref<!tpu.dma_semaphore, #tpu.memory_space<semaphore_mem>>) src(%arg8 : memref<104x128xf32, #tpu.memory_space<vmem>>) dst(%dma_wait3A_98 : memref<104x128xf32, #tpu.memory_space<vmem_shared>>)
      tpu.yield
    }) : () -> ()
    %add3A_15 = arith.constant 416 : i32
    %add3A_16 = arith.addi %mul3A_6, %add3A_15 : i32
    "tpu.region"() ({
      %run_scoped3A_90 = tpu.sem_alloc : memref<!tpu.dma_semaphore, #tpu.memory_space<semaphore_mem>>
      %dma_start3A_91 = arith.constant 0 : i32
      %dma_start3A_92 = tpu.memref_slice %arg5[%add3A_16, %dma_start3A_91] : memref<10256x128xf32, #tpu.memory_space<vmem_shared>> -> memref<104x128xf32, #tpu.memory_space<vmem_shared>>
      %dma_start3A_93 = arith.constant 0 : i32
      %dma_start3A_94 = tpu.memref_slice %arg5[%add3A_16, %dma_start3A_93] : memref<10256x128xf32, #tpu.memory_space<vmem_shared>> -> memref<104x128xf32, #tpu.memory_space<vmem_shared>>
      tpu.enqueue_dma source(%arg8 : memref<104x128xf32, #tpu.memory_space<vmem>>) target(%dma_start3A_94 : memref<104x128xf32, #tpu.memory_space<vmem_shared>>) target_semaphore(%run_scoped3A_90 : memref<!tpu.dma_semaphore, #tpu.memory_space<semaphore_mem>>)
      %dma_wait3A_95 = arith.constant 0 : i32
      %dma_wait3A_96 = tpu.memref_slice %arg5[%add3A_16, %dma_wait3A_95] : memref<10256x128xf32, #tpu.memory_space<vmem_shared>> -> memref<104x128xf32, #tpu.memory_space<vmem_shared>>
      %dma_wait3A_97 = arith.constant 0 : i32
      %dma_wait3A_98 = tpu.memref_slice %arg5[%add3A_16, %dma_wait3A_97] : memref<10256x128xf32, #tpu.memory_space<vmem_shared>> -> memref<104x128xf32, #tpu.memory_space<vmem_shared>>
      tpu.wait_dma2 semaphore(%run_scoped3A_90 : memref<!tpu.dma_semaphore, #tpu.memory_space<semaphore_mem>>) src(%arg8 : memref<104x128xf32, #tpu.memory_space<vmem>>) dst(%dma_wait3A_98 : memref<104x128xf32, #tpu.memory_space<vmem_shared>>)
      tpu.yield
    }) : () -> ()
    %add3A_17 = arith.constant 520 : i32
    %add3A_18 = arith.addi %mul3A_6, %add3A_17 : i32
    "tpu.region"() ({
      %run_scoped3A_90 = tpu.sem_alloc : memref<!tpu.dma_semaphore, #tpu.memory_space<semaphore_mem>>
      %dma_start3A_91 = arith.constant 0 : i32
      %dma_start3A_92 = tpu.memref_slice %arg5[%add3A_18, %dma_start3A_91] : memref<10256x128xf32, #tpu.memory_space<vmem_shared>> -> memref<104x128xf32, #tpu.memory_space<vmem_shared>>
      %dma_start3A_93 = arith.constant 0 : i32
      %dma_start3A_94 = tpu.memref_slice %arg5[%add3A_18, %dma_start3A_93] : memref<10256x128xf32, #tpu.memory_space<vmem_shared>> -> memref<104x128xf32, #tpu.memory_space<vmem_shared>>
      tpu.enqueue_dma source(%arg8 : memref<104x128xf32, #tpu.memory_space<vmem>>) target(%dma_start3A_94 : memref<104x128xf32, #tpu.memory_space<vmem_shared>>) target_semaphore(%run_scoped3A_90 : memref<!tpu.dma_semaphore, #tpu.memory_space<semaphore_mem>>)
      %dma_wait3A_95 = arith.constant 0 : i32
      %dma_wait3A_96 = tpu.memref_slice %arg5[%add3A_18, %dma_wait3A_95] : memref<10256x128xf32, #tpu.memory_space<vmem_shared>> -> memref<104x128xf32, #tpu.memory_space<vmem_shared>>
      %dma_wait3A_97 = arith.constant 0 : i32
      %dma_wait3A_98 = tpu.memref_slice %arg5[%add3A_18, %dma_wait3A_97] : memref<10256x128xf32, #tpu.memory_space<vmem_shared>> -> memref<104x128xf32, #tpu.memory_space<vmem_shared>>
      tpu.wait_dma2 semaphore(%run_scoped3A_90 : memref<!tpu.dma_semaphore, #tpu.memory_space<semaphore_mem>>) src(%arg8 : memref<104x128xf32, #tpu.memory_space<vmem>>) dst(%dma_wait3A_98 : memref<104x128xf32, #tpu.memory_space<vmem_shared>>)
      tpu.yield
    }) : () -> ()
    %eq3A = arith.constant 0 : i32
    %eq3A_19 = arith.cmpi eq, %arg1, %eq3A : i32
    %convert_element_type3A = arith.extui %eq3A_19 : i1 to i32
    %cond3A = arith.constant 0 : i32
    %cond3A_20 = arith.cmpi ne, %convert_element_type3A, %cond3A : i32
    scf.if %cond3A_20 {
      "tpu.region"() ({
        %run_scoped3A_90 = tpu.sem_alloc : memref<!tpu.dma_semaphore, #tpu.memory_space<semaphore_mem>>
        %dma_start3A_91 = arith.constant 0 : i32
        %dma_start3A_92 = arith.constant 0 : i32
        %dma_start3A_93 = tpu.memref_slice %arg8[%dma_start3A_91, %dma_start3A_92] : memref<104x128xf32, #tpu.memory_space<vmem>> -> memref<16x128xf32, #tpu.memory_space<vmem>>
        %dma_start3A_94 = arith.constant 9984 : i32
        %dma_start3A_95 = arith.constant 0 : i32
        %dma_start3A_96 = tpu.memref_slice %arg5[%dma_start3A_94, %dma_start3A_95] : memref<10256x128xf32, #tpu.memory_space<vmem_shared>> -> memref<16x128xf32, #tpu.memory_space<vmem_shared>>
        %dma_start3A_97 = arith.constant 9984 : i32
        %dma_start3A_98 = arith.constant 0 : i32
        %dma_start3A_99 = tpu.memref_slice %arg5[%dma_start3A_97, %dma_start3A_98] : memref<10256x128xf32, #tpu.memory_space<vmem_shared>> -> memref<16x128xf32, #tpu.memory_space<vmem_shared>>
        %dma_start3A_100 = arith.constant 0 : i32
        %dma_start3A_101 = arith.constant 0 : i32
        %dma_start3A_102 = tpu.memref_slice %arg8[%dma_start3A_100, %dma_start3A_101] : memref<104x128xf32, #tpu.memory_space<vmem>> -> memref<16x128xf32, #tpu.memory_space<vmem>>
        tpu.enqueue_dma source(%dma_start3A_102 : memref<16x128xf32, #tpu.memory_space<vmem>>) target(%dma_start3A_99 : memref<16x128xf32, #tpu.memory_space<vmem_shared>>) target_semaphore(%run_scoped3A_90 : memref<!tpu.dma_semaphore, #tpu.memory_space<semaphore_mem>>)
        %dma_wait3A_103 = arith.constant 0 : i32
        %dma_wait3A_104 = arith.constant 0 : i32
        %dma_wait3A_105 = tpu.memref_slice %arg8[%dma_wait3A_103, %dma_wait3A_104] : memref<104x128xf32, #tpu.memory_space<vmem>> -> memref<16x128xf32, #tpu.memory_space<vmem>>
        %dma_wait3A_106 = arith.constant 9984 : i32
        %dma_wait3A_107 = arith.constant 0 : i32
        %dma_wait3A_108 = tpu.memref_slice %arg5[%dma_wait3A_106, %dma_wait3A_107] : memref<10256x128xf32, #tpu.memory_space<vmem_shared>> -> memref<16x128xf32, #tpu.memory_space<vmem_shared>>
        %dma_wait3A_109 = arith.constant 9984 : i32
        %dma_wait3A_110 = arith.constant 0 : i32
        %dma_wait3A_111 = tpu.memref_slice %arg5[%dma_wait3A_109, %dma_wait3A_110] : memref<10256x128xf32, #tpu.memory_space<vmem_shared>> -> memref<16x128xf32, #tpu.memory_space<vmem_shared>>
        %dma_wait3A_112 = arith.constant 0 : i32
        %dma_wait3A_113 = arith.constant 0 : i32
        %dma_wait3A_114 = tpu.memref_slice %arg8[%dma_wait3A_112, %dma_wait3A_113] : memref<104x128xf32, #tpu.memory_space<vmem>> -> memref<16x128xf32, #tpu.memory_space<vmem>>
        tpu.wait_dma2 semaphore(%run_scoped3A_90 : memref<!tpu.dma_semaphore, #tpu.memory_space<semaphore_mem>>) src(%dma_wait3A_114 : memref<16x128xf32, #tpu.memory_space<vmem>>) dst(%dma_wait3A_111 : memref<16x128xf32, #tpu.memory_space<vmem_shared>>)
        tpu.yield
      }) : () -> ()
    } else {
    }
    %barrier3A = arith.constant 0 : index
    tpu.barrier barrier_id(%barrier3A)
    %run_scoped3A = arith.constant 0 : i32
    "tpu.region"() ({
      %run_scoped3A_90 = tpu.sem_alloc : memref<!tpu.dma_semaphore, #tpu.memory_space<semaphore_mem>>
      %dma_start3A_91 = arith.constant 0 : i32
      %dma_start3A_92 = arith.constant 0 : i32
      %dma_start3A_93 = tpu.memref_slice %arg6[%run_scoped3A, %dma_start3A_91, %dma_start3A_92] : memref<4x2x128xi32, #tpu.memory_space<vmem>> -> memref<1x2x128xi32, #tpu.memory_space<vmem>>
      %dma_start3A_94 = tpu.memref_squeeze %dma_start3A_93 : memref<1x2x128xi32, #tpu.memory_space<vmem>> -> memref<2x128xi32, #tpu.memory_space<vmem>>
      %dma_start3A_95 = arith.constant 0 : i32
      %dma_start3A_96 = arith.constant 0 : i32
      %dma_start3A_97 = tpu.memref_slice %arg3[%add3A, %dma_start3A_95, %dma_start3A_96] : memref<2560x2x128xi32, #tpu.memory_space<hbm>> -> memref<1x2x128xi32, #tpu.memory_space<hbm>>
      %dma_start3A_98 = tpu.memref_squeeze %dma_start3A_97 : memref<1x2x128xi32, #tpu.memory_space<hbm>> -> memref<2x128xi32, #tpu.memory_space<hbm>>
      %dma_start3A_99 = arith.constant 0 : i32
      %dma_start3A_100 = arith.constant 0 : i32
      %dma_start3A_101 = tpu.memref_slice %arg6[%run_scoped3A, %dma_start3A_99, %dma_start3A_100] : memref<4x2x128xi32, #tpu.memory_space<vmem>> -> memref<1x2x128xi32, #tpu.memory_space<vmem>>
      %dma_start3A_102 = tpu.memref_squeeze %dma_start3A_101 : memref<1x2x128xi32, #tpu.memory_space<vmem>> -> memref<2x128xi32, #tpu.memory_space<vmem>>
      %dma_start3A_103 = arith.constant 0 : i32
      %dma_start3A_104 = arith.constant 0 : i32
      %dma_start3A_105 = tpu.memref_slice %arg3[%add3A, %dma_start3A_103, %dma_start3A_104] : memref<2560x2x128xi32, #tpu.memory_space<hbm>> -> memref<1x2x128xi32, #tpu.memory_space<hbm>>
      %dma_start3A_106 = tpu.memref_squeeze %dma_start3A_105 : memref<1x2x128xi32, #tpu.memory_space<hbm>> -> memref<2x128xi32, #tpu.memory_space<hbm>>
      tpu.enqueue_dma source(%dma_start3A_106 : memref<2x128xi32, #tpu.memory_space<hbm>>) target(%dma_start3A_102 : memref<2x128xi32, #tpu.memory_space<vmem>>) target_semaphore(%run_scoped3A_90 : memref<!tpu.dma_semaphore, #tpu.memory_space<semaphore_mem>>)
      %dma_wait3A_107 = arith.constant 0 : i32
      %dma_wait3A_108 = arith.constant 0 : i32
      %dma_wait3A_109 = tpu.memref_slice %arg6[%run_scoped3A, %dma_wait3A_107, %dma_wait3A_108] : memref<4x2x128xi32, #tpu.memory_space<vmem>> -> memref<1x2x128xi32, #tpu.memory_space<vmem>>
      %dma_wait3A_110 = tpu.memref_squeeze %dma_wait3A_109 : memref<1x2x128xi32, #tpu.memory_space<vmem>> -> memref<2x128xi32, #tpu.memory_space<vmem>>
      %dma_wait3A_111 = arith.constant 0 : i32
      %dma_wait3A_112 = arith.constant 0 : i32
      %dma_wait3A_113 = tpu.memref_slice %arg3[%add3A, %dma_wait3A_111, %dma_wait3A_112] : memref<2560x2x128xi32, #tpu.memory_space<hbm>> -> memref<1x2x128xi32, #tpu.memory_space<hbm>>
      %dma_wait3A_114 = tpu.memref_squeeze %dma_wait3A_113 : memref<1x2x128xi32, #tpu.memory_space<hbm>> -> memref<2x128xi32, #tpu.memory_space<hbm>>
      %dma_wait3A_115 = arith.constant 0 : i32
      %dma_wait3A_116 = arith.constant 0 : i32
      %dma_wait3A_117 = tpu.memref_slice %arg6[%run_scoped3A, %dma_wait3A_115, %dma_wait3A_116] : memref<4x2x128xi32, #tpu.memory_space<vmem>> -> memref<1x2x128xi32, #tpu.memory_space<vmem>>
      %dma_wait3A_118 = tpu.memref_squeeze %dma_wait3A_117 : memref<1x2x128xi32, #tpu.memory_space<vmem>> -> memref<2x128xi32, #tpu.memory_space<vmem>>
      %dma_wait3A_119 = arith.constant 0 : i32
      %dma_wait3A_120 = arith.constant 0 : i32
      %dma_wait3A_121 = tpu.memref_slice %arg3[%add3A, %dma_wait3A_119, %dma_wait3A_120] : memref<2560x2x128xi32, #tpu.memory_space<hbm>> -> memref<1x2x128xi32, #tpu.memory_space<hbm>>
      %dma_wait3A_122 = tpu.memref_squeeze %dma_wait3A_121 : memref<1x2x128xi32, #tpu.memory_space<hbm>> -> memref<2x128xi32, #tpu.memory_space<hbm>>
      tpu.wait_dma2 semaphore(%run_scoped3A_90 : memref<!tpu.dma_semaphore, #tpu.memory_space<semaphore_mem>>) src(%dma_wait3A_122 : memref<2x128xi32, #tpu.memory_space<hbm>>) dst(%dma_wait3A_118 : memref<2x128xi32, #tpu.memory_space<vmem>>)
      tpu.yield
    }) : () -> ()
    %add3A_21 = arith.constant 32 : i32
    %add3A_22 = arith.addi %add3A, %add3A_21 : i32
    %dma_start3A = arith.constant 1 : i32
    %dma_start3A_23 = arith.constant 0 : i32
    %dma_start3A_24 = arith.constant 0 : i32
    %dma_start3A_25 = tpu.memref_slice %arg6[%dma_start3A, %dma_start3A_23, %dma_start3A_24] : memref<4x2x128xi32, #tpu.memory_space<vmem>> -> memref<1x2x128xi32, #tpu.memory_space<vmem>>
    %dma_start3A_26 = tpu.memref_squeeze %dma_start3A_25 : memref<1x2x128xi32, #tpu.memory_space<vmem>> -> memref<2x128xi32, #tpu.memory_space<vmem>>
    %dma_start3A_27 = arith.constant 0 : i32
    %dma_start3A_28 = arith.constant 0 : i32
    %dma_start3A_29 = tpu.memref_slice %arg3[%add3A_22, %dma_start3A_27, %dma_start3A_28] : memref<2560x2x128xi32, #tpu.memory_space<hbm>> -> memref<1x2x128xi32, #tpu.memory_space<hbm>>
    %dma_start3A_30 = tpu.memref_squeeze %dma_start3A_29 : memref<1x2x128xi32, #tpu.memory_space<hbm>> -> memref<2x128xi32, #tpu.memory_space<hbm>>
    %dma_start3A_31 = arith.constant 0 : i32
    %dma_start3A_32 = arith.constant 0 : i32
    %dma_start3A_33 = tpu.memref_slice %arg6[%dma_start3A, %dma_start3A_31, %dma_start3A_32] : memref<4x2x128xi32, #tpu.memory_space<vmem>> -> memref<1x2x128xi32, #tpu.memory_space<vmem>>
    %dma_start3A_34 = tpu.memref_squeeze %dma_start3A_33 : memref<1x2x128xi32, #tpu.memory_space<vmem>> -> memref<2x128xi32, #tpu.memory_space<vmem>>
    %dma_start3A_35 = arith.constant 0 : i32
    %dma_start3A_36 = arith.constant 0 : i32
    %dma_start3A_37 = tpu.memref_slice %arg3[%add3A_22, %dma_start3A_35, %dma_start3A_36] : memref<2560x2x128xi32, #tpu.memory_space<hbm>> -> memref<1x2x128xi32, #tpu.memory_space<hbm>>
    %dma_start3A_38 = tpu.memref_squeeze %dma_start3A_37 : memref<1x2x128xi32, #tpu.memory_space<hbm>> -> memref<2x128xi32, #tpu.memory_space<hbm>>
    tpu.enqueue_dma source(%dma_start3A_38 : memref<2x128xi32, #tpu.memory_space<hbm>>) target(%dma_start3A_34 : memref<2x128xi32, #tpu.memory_space<vmem>>) target_semaphore(%arg12 : memref<!tpu.dma_semaphore, #tpu.memory_space<semaphore_mem>>)
    %dma_start3A_39 = arith.constant 0 : i32
    %dma_start3A_40 = arith.constant 0 : i32
    %dma_start3A_41 = arith.constant 0 : i32
    %dma_start3A_42 = arith.constant 0 : i32
    %dma_start3A_43 = arith.constant 0 : i32
    %dma_start3A_44 = tpu.memref_slice %arg7[%dma_start3A_41, %dma_start3A_42, %dma_start3A_43] : memref<2x128x128xf32, #tpu.memory_space<vmem>> -> memref<1x128x128xf32, #tpu.memory_space<vmem>>
    %dma_start3A_45 = tpu.memref_squeeze %dma_start3A_44 : memref<1x128x128xf32, #tpu.memory_space<vmem>> -> memref<128x128xf32, #tpu.memory_space<vmem>>
    %dma_start3A_46 = arith.constant 0 : i32
    %dma_start3A_47 = tpu.memref_slice %arg6[%dma_start3A_39, %dma_start3A_40, %dma_start3A_46] : memref<4x2x128xi32, #tpu.memory_space<vmem>> -> memref<1x1x128xi32, #tpu.memory_space<vmem>>
    %dma_start3A_48 = tpu.memref_squeeze %dma_start3A_47 : memref<1x1x128xi32, #tpu.memory_space<vmem>> -> memref<128xi32, #tpu.memory_space<vmem>>
    %dma_start3A_49 = arith.constant 0 : i32
    %dma_start3A_50 = arith.constant 0 : i32
    %dma_start3A_51 = tpu.memref_slice %arg2[%dma_start3A_49, %dma_start3A_50] : memref<160000x128xf32, #tpu.memory_space<hbm>> -> memref<160000x128xf32, #tpu.memory_space<hbm>>
    tpu.enqueue_indirect_dma source(%dma_start3A_51 : memref<160000x128xf32, #tpu.memory_space<hbm>>) target(%dma_start3A_45 : memref<128x128xf32, #tpu.memory_space<vmem>>) offsets(%dma_start3A_48 : memref<128xi32, #tpu.memory_space<vmem>>) semaphore(%arg9 : memref<!tpu.dma_semaphore, #tpu.memory_space<semaphore_mem>>)
    %scan3A_52 = arith.constant 0 : i32
    %scan3A_53 = arith.constant 40 : i32
    %scan3A_54 = arith.addi %scan3A_52, %scan3A_53 : i32
    %scan3A_55 = arith.constant 1 : i32
    scf.for %scan3A_90 = %scan3A_52 to %scan3A_54 step %scan3A_55  : i32 {
      %mul3A_91 = arith.constant 2 : i32
      %mul3A_92 = arith.muli %scan3A_90, %mul3A_91 : i32
      %add3A_93 = arith.constant 0 : i32
      %add3A_94 = arith.addi %mul3A_92, %add3A_93 : i32
      %jit3A = arith.constant 4 : i32
      %eq3A_95 = arith.constant 0 : i32
      %eq3A_96 = arith.cmpi eq, %jit3A, %eq3A_95 : i32
      %jit3A_97 = arith.constant 1 : i32
      %select_n3A = arith.select %eq3A_96, %jit3A_97, %jit3A : i32
      %rem3A = arith.remsi %add3A_94, %select_n3A : i32
      %ne3A = arith.constant 0 : i32
      %ne3A_98 = arith.cmpi ne, %rem3A, %ne3A : i32
      %lt3A = arith.constant 0 : i32
      %lt3A_99 = arith.cmpi slt, %rem3A, %lt3A : i32
      %lt3A_100 = arith.constant 0 : i32
      %lt3A_101 = arith.cmpi slt, %select_n3A, %lt3A_100 : i32
      %ne3A_102 = arith.xori %lt3A_99, %lt3A_101 : i1
      %and3A = arith.andi %ne3A_102, %ne3A_98 : i1
      %add3A_103 = arith.addi %rem3A, %select_n3A : i32
      %select_n3A_104 = arith.select %and3A, %add3A_103, %rem3A : i32
      %add3A_105 = arith.constant 1 : i32
      %add3A_106 = arith.addi %add3A_94, %add3A_105 : i32
      %jit3A_107 = arith.constant 4 : i32
      %eq3A_108 = arith.constant 0 : i32
      %eq3A_109 = arith.cmpi eq, %jit3A_107, %eq3A_108 : i32
      %jit3A_110 = arith.constant 1 : i32
      %select_n3A_111 = arith.select %eq3A_109, %jit3A_110, %jit3A_107 : i32
      %rem3A_112 = arith.remsi %add3A_106, %select_n3A_111 : i32
      %ne3A_113 = arith.constant 0 : i32
      %ne3A_114 = arith.cmpi ne, %rem3A_112, %ne3A_113 : i32
      %lt3A_115 = arith.constant 0 : i32
      %lt3A_116 = arith.cmpi slt, %rem3A_112, %lt3A_115 : i32
      %lt3A_117 = arith.constant 0 : i32
      %lt3A_118 = arith.cmpi slt, %select_n3A_111, %lt3A_117 : i32
      %ne3A_119 = arith.xori %lt3A_116, %lt3A_118 : i1
      %and3A_120 = arith.andi %ne3A_119, %ne3A_114 : i1
      %add3A_121 = arith.addi %rem3A_112, %select_n3A_111 : i32
      %select_n3A_122 = arith.select %and3A_120, %add3A_121, %rem3A_112 : i32
      %dma_wait3A_123 = arith.constant 0 : i32
      %dma_wait3A_124 = arith.constant 0 : i32
      %dma_wait3A_125 = arith.constant 0 : i32
      %dma_wait3A_126 = arith.constant 0 : i32
      %dma_wait3A_127 = tpu.memref_slice %arg7[%dma_wait3A_124, %dma_wait3A_125, %dma_wait3A_126] : memref<2x128x128xf32, #tpu.memory_space<vmem>> -> memref<1x128x128xf32, #tpu.memory_space<vmem>>
      %dma_wait3A_128 = tpu.memref_squeeze %dma_wait3A_127 : memref<1x128x128xf32, #tpu.memory_space<vmem>> -> memref<128x128xf32, #tpu.memory_space<vmem>>
      %dma_wait3A_129 = arith.constant 0 : i32
      %dma_wait3A_130 = tpu.memref_slice %arg6[%select_n3A_104, %dma_wait3A_123, %dma_wait3A_129] : memref<4x2x128xi32, #tpu.memory_space<vmem>> -> memref<1x1x128xi32, #tpu.memory_space<vmem>>
      %dma_wait3A_131 = tpu.memref_squeeze %dma_wait3A_130 : memref<1x1x128xi32, #tpu.memory_space<vmem>> -> memref<128xi32, #tpu.memory_space<vmem>>
      %dma_wait3A_132 = arith.constant 0 : i32
      %dma_wait3A_133 = arith.constant 0 : i32
      %dma_wait3A_134 = tpu.memref_slice %arg2[%dma_wait3A_132, %dma_wait3A_133] : memref<160000x128xf32, #tpu.memory_space<hbm>> -> memref<160000x128xf32, #tpu.memory_space<hbm>>
      tpu.wait_indirect_dma semaphore(%arg9 : memref<!tpu.dma_semaphore, #tpu.memory_space<semaphore_mem>>) src(%dma_wait3A_134 : memref<160000x128xf32, #tpu.memory_space<hbm>>) dst(%dma_wait3A_128 : memref<128x128xf32, #tpu.memory_space<vmem>>)
      %add3A_135 = arith.constant 1 : i32
      %add3A_136 = arith.addi %add3A_94, %add3A_135 : i32
      %lt3A_137 = arith.constant 80 : i32
      %lt3A_138 = arith.cmpi slt, %add3A_136, %lt3A_137 : i32
      %convert_element_type3A_139 = arith.extui %lt3A_138 : i1 to i32
      %cond3A_140 = arith.constant 0 : i32
      %cond3A_141 = arith.cmpi ne, %convert_element_type3A_139, %cond3A_140 : i32
      scf.if %cond3A_141 {
        %dma_wait3A_235 = arith.constant 0 : i32
        %dma_wait3A_236 = arith.constant 0 : i32
        %dma_wait3A_237 = tpu.memref_slice %arg6[%select_n3A_122, %dma_wait3A_235, %dma_wait3A_236] : memref<4x2x128xi32, #tpu.memory_space<vmem>> -> memref<1x2x128xi32, #tpu.memory_space<vmem>>
        %dma_wait3A_238 = tpu.memref_squeeze %dma_wait3A_237 : memref<1x2x128xi32, #tpu.memory_space<vmem>> -> memref<2x128xi32, #tpu.memory_space<vmem>>
        %dma_wait3A_239 = arith.constant 0 : i32
        %dma_wait3A_240 = arith.constant 0 : i32
        %dma_wait3A_241 = tpu.memref_slice %arg3[%add3A, %dma_wait3A_239, %dma_wait3A_240] : memref<2560x2x128xi32, #tpu.memory_space<hbm>> -> memref<1x2x128xi32, #tpu.memory_space<hbm>>
        %dma_wait3A_242 = tpu.memref_squeeze %dma_wait3A_241 : memref<1x2x128xi32, #tpu.memory_space<hbm>> -> memref<2x128xi32, #tpu.memory_space<hbm>>
        %dma_wait3A_243 = arith.constant 0 : i32
        %dma_wait3A_244 = arith.constant 0 : i32
        %dma_wait3A_245 = tpu.memref_slice %arg6[%select_n3A_122, %dma_wait3A_243, %dma_wait3A_244] : memref<4x2x128xi32, #tpu.memory_space<vmem>> -> memref<1x2x128xi32, #tpu.memory_space<vmem>>
        %dma_wait3A_246 = tpu.memref_squeeze %dma_wait3A_245 : memref<1x2x128xi32, #tpu.memory_space<vmem>> -> memref<2x128xi32, #tpu.memory_space<vmem>>
        %dma_wait3A_247 = arith.constant 0 : i32
        %dma_wait3A_248 = arith.constant 0 : i32
        %dma_wait3A_249 = tpu.memref_slice %arg3[%add3A, %dma_wait3A_247, %dma_wait3A_248] : memref<2560x2x128xi32, #tpu.memory_space<hbm>> -> memref<1x2x128xi32, #tpu.memory_space<hbm>>
        %dma_wait3A_250 = tpu.memref_squeeze %dma_wait3A_249 : memref<1x2x128xi32, #tpu.memory_space<hbm>> -> memref<2x128xi32, #tpu.memory_space<hbm>>
        tpu.wait_dma2 semaphore(%arg12 : memref<!tpu.dma_semaphore, #tpu.memory_space<semaphore_mem>>) src(%dma_wait3A_250 : memref<2x128xi32, #tpu.memory_space<hbm>>) dst(%dma_wait3A_246 : memref<2x128xi32, #tpu.memory_space<vmem>>)
        %ge3A = arith.constant 1 : i32
        %ge3A_251 = arith.cmpi sge, %add3A_94, %ge3A : i32
        %convert_element_type3A_252 = arith.extui %ge3A_251 : i1 to i32
        %cond3A_253 = arith.constant 0 : i32
        %cond3A_254 = arith.cmpi ne, %convert_element_type3A_252, %cond3A_253 : i32
        scf.if %cond3A_254 {
          %add3A_267 = arith.constant 3 : i32
          %add3A_268 = arith.addi %add3A_94, %add3A_267 : i32
          %jit3A_269 = arith.constant 4 : i32
          %eq3A_270 = arith.constant 0 : i32
          %eq3A_271 = arith.cmpi eq, %jit3A_269, %eq3A_270 : i32
          %jit3A_272 = arith.constant 1 : i32
          %select_n3A_273 = arith.select %eq3A_271, %jit3A_272, %jit3A_269 : i32
          %rem3A_274 = arith.remsi %add3A_268, %select_n3A_273 : i32
          %ne3A_275 = arith.constant 0 : i32
          %ne3A_276 = arith.cmpi ne, %rem3A_274, %ne3A_275 : i32
          %lt3A_277 = arith.constant 0 : i32
          %lt3A_278 = arith.cmpi slt, %rem3A_274, %lt3A_277 : i32
          %lt3A_279 = arith.constant 0 : i32
          %lt3A_280 = arith.cmpi slt, %select_n3A_273, %lt3A_279 : i32
          %ne3A_281 = arith.xori %lt3A_278, %lt3A_280 : i1
          %and3A_282 = arith.andi %ne3A_281, %ne3A_276 : i1
          %add3A_283 = arith.addi %rem3A_274, %select_n3A_273 : i32
          %select_n3A_284 = arith.select %and3A_282, %add3A_283, %rem3A_274 : i32
          %dma_wait3A_285 = arith.constant 1 : i32
          %dma_wait3A_286 = arith.constant 1 : i32
          %dma_wait3A_287 = arith.constant 0 : i32
          %dma_wait3A_288 = arith.constant 0 : i32
          %dma_wait3A_289 = tpu.memref_slice %arg7[%dma_wait3A_285, %dma_wait3A_287, %dma_wait3A_288] : memref<2x128x128xf32, #tpu.memory_space<vmem>> -> memref<1x128x128xf32, #tpu.memory_space<vmem>>
          %dma_wait3A_290 = tpu.memref_squeeze %dma_wait3A_289 : memref<1x128x128xf32, #tpu.memory_space<vmem>> -> memref<128x128xf32, #tpu.memory_space<vmem>>
          %dma_wait3A_291 = arith.constant 0 : i32
          %dma_wait3A_292 = tpu.memref_slice %arg6[%select_n3A_284, %dma_wait3A_286, %dma_wait3A_291] : memref<4x2x128xi32, #tpu.memory_space<vmem>> -> memref<1x1x128xi32, #tpu.memory_space<vmem>>
          %dma_wait3A_293 = tpu.memref_squeeze %dma_wait3A_292 : memref<1x1x128xi32, #tpu.memory_space<vmem>> -> memref<128xi32, #tpu.memory_space<vmem>>
          %dma_wait3A_294 = arith.constant 0 : i32
          %dma_wait3A_295 = arith.constant 0 : i32
          %dma_wait3A_296 = tpu.memref_slice %arg5[%dma_wait3A_294, %dma_wait3A_295] : memref<10256x128xf32, #tpu.memory_space<vmem_shared>> -> memref<10256x128xf32, #tpu.memory_space<vmem_shared>>
          tpu.wait_indirect_dma semaphore(%arg14 : memref<!tpu.dma_semaphore, #tpu.memory_space<semaphore_mem>>) src(%dma_wait3A_290 : memref<128x128xf32, #tpu.memory_space<vmem>>) dst(%dma_wait3A_296 : memref<10256x128xf32, #tpu.memory_space<vmem_shared>>)
        } else {
        }
        %dma_start3A_255 = arith.constant 0 : i32
        %dma_start3A_256 = arith.constant 1 : i32
        %dma_start3A_257 = arith.constant 0 : i32
        %dma_start3A_258 = arith.constant 0 : i32
        %dma_start3A_259 = tpu.memref_slice %arg7[%dma_start3A_256, %dma_start3A_257, %dma_start3A_258] : memref<2x128x128xf32, #tpu.memory_space<vmem>> -> memref<1x128x128xf32, #tpu.memory_space<vmem>>
        %dma_start3A_260 = tpu.memref_squeeze %dma_start3A_259 : memref<1x128x128xf32, #tpu.memory_space<vmem>> -> memref<128x128xf32, #tpu.memory_space<vmem>>
        %dma_start3A_261 = arith.constant 0 : i32
        %dma_start3A_262 = tpu.memref_slice %arg6[%select_n3A_122, %dma_start3A_255, %dma_start3A_261] : memref<4x2x128xi32, #tpu.memory_space<vmem>> -> memref<1x1x128xi32, #tpu.memory_space<vmem>>
        %dma_start3A_263 = tpu.memref_squeeze %dma_start3A_262 : memref<1x1x128xi32, #tpu.memory_space<vmem>> -> memref<128xi32, #tpu.memory_space<vmem>>
        %dma_start3A_264 = arith.constant 0 : i32
        %dma_start3A_265 = arith.constant 0 : i32
        %dma_start3A_266 = tpu.memref_slice %arg2[%dma_start3A_264, %dma_start3A_265] : memref<160000x128xf32, #tpu.memory_space<hbm>> -> memref<160000x128xf32, #tpu.memory_space<hbm>>
        tpu.enqueue_indirect_dma source(%dma_start3A_266 : memref<160000x128xf32, #tpu.memory_space<hbm>>) target(%dma_start3A_260 : memref<128x128xf32, #tpu.memory_space<vmem>>) offsets(%dma_start3A_263 : memref<128xi32, #tpu.memory_space<vmem>>) semaphore(%arg10 : memref<!tpu.dma_semaphore, #tpu.memory_space<semaphore_mem>>)
      } else {
      }
      %dma_start3A_142 = arith.constant 0 : i32
      %dma_start3A_143 = arith.constant 1 : i32
      %dma_start3A_144 = arith.constant 0 : i32
      %dma_start3A_145 = arith.constant 0 : i32
      %dma_start3A_146 = tpu.memref_slice %arg7[%dma_start3A_142, %dma_start3A_144, %dma_start3A_145] : memref<2x128x128xf32, #tpu.memory_space<vmem>> -> memref<1x128x128xf32, #tpu.memory_space<vmem>>
      %dma_start3A_147 = tpu.memref_squeeze %dma_start3A_146 : memref<1x128x128xf32, #tpu.memory_space<vmem>> -> memref<128x128xf32, #tpu.memory_space<vmem>>
      %dma_start3A_148 = arith.constant 0 : i32
      %dma_start3A_149 = tpu.memref_slice %arg6[%select_n3A_104, %dma_start3A_143, %dma_start3A_148] : memref<4x2x128xi32, #tpu.memory_space<vmem>> -> memref<1x1x128xi32, #tpu.memory_space<vmem>>
      %dma_start3A_150 = tpu.memref_squeeze %dma_start3A_149 : memref<1x1x128xi32, #tpu.memory_space<vmem>> -> memref<128xi32, #tpu.memory_space<vmem>>
      %dma_start3A_151 = arith.constant 0 : i32
      %dma_start3A_152 = arith.constant 0 : i32
      %dma_start3A_153 = tpu.memref_slice %arg5[%dma_start3A_151, %dma_start3A_152] : memref<10256x128xf32, #tpu.memory_space<vmem_shared>> -> memref<10256x128xf32, #tpu.memory_space<vmem_shared>>
      tpu.enqueue_indirect_dma source(%dma_start3A_147 : memref<128x128xf32, #tpu.memory_space<vmem>>) target(%dma_start3A_153 : memref<10256x128xf32, #tpu.memory_space<vmem_shared>>) offsets(%dma_start3A_150 : memref<128xi32, #tpu.memory_space<vmem>>) semaphore(%arg13 : memref<!tpu.dma_semaphore, #tpu.memory_space<semaphore_mem>>) {add = true}
      %add3A_154 = arith.constant 2 : i32
      %add3A_155 = arith.addi %add3A_94, %add3A_154 : i32
      %lt3A_156 = arith.constant 80 : i32
      %lt3A_157 = arith.cmpi slt, %add3A_155, %lt3A_156 : i32
      %convert_element_type3A_158 = arith.extui %lt3A_157 : i1 to i32
      %cond3A_159 = arith.constant 0 : i32
      %cond3A_160 = arith.cmpi ne, %convert_element_type3A_158, %cond3A_159 : i32
      scf.if %cond3A_160 {
        %add3A_235 = arith.constant 2 : i32
        %add3A_236 = arith.addi %add3A_94, %add3A_235 : i32
        %mul3A_237 = arith.constant 32 : i32
        %mul3A_238 = arith.muli %add3A_236, %mul3A_237 : i32
        %add3A_239 = arith.addi %add3A, %mul3A_238 : i32
        %add3A_240 = arith.constant 2 : i32
        %add3A_241 = arith.addi %add3A_94, %add3A_240 : i32
        %jit3A_242 = arith.constant 4 : i32
        %eq3A_243 = arith.constant 0 : i32
        %eq3A_244 = arith.cmpi eq, %jit3A_242, %eq3A_243 : i32
        %jit3A_245 = arith.constant 1 : i32
        %select_n3A_246 = arith.select %eq3A_244, %jit3A_245, %jit3A_242 : i32
        %rem3A_247 = arith.remsi %add3A_241, %select_n3A_246 : i32
        %ne3A_248 = arith.constant 0 : i32
        %ne3A_249 = arith.cmpi ne, %rem3A_247, %ne3A_248 : i32
        %lt3A_250 = arith.constant 0 : i32
        %lt3A_251 = arith.cmpi slt, %rem3A_247, %lt3A_250 : i32
        %lt3A_252 = arith.constant 0 : i32
        %lt3A_253 = arith.cmpi slt, %select_n3A_246, %lt3A_252 : i32
        %ne3A_254 = arith.xori %lt3A_251, %lt3A_253 : i1
        %and3A_255 = arith.andi %ne3A_254, %ne3A_249 : i1
        %add3A_256 = arith.addi %rem3A_247, %select_n3A_246 : i32
        %select_n3A_257 = arith.select %and3A_255, %add3A_256, %rem3A_247 : i32
        %dma_start3A_258 = arith.constant 0 : i32
        %dma_start3A_259 = arith.constant 0 : i32
        %dma_start3A_260 = tpu.memref_slice %arg6[%select_n3A_257, %dma_start3A_258, %dma_start3A_259] : memref<4x2x128xi32, #tpu.memory_space<vmem>> -> memref<1x2x128xi32, #tpu.memory_space<vmem>>
        %dma_start3A_261 = tpu.memref_squeeze %dma_start3A_260 : memref<1x2x128xi32, #tpu.memory_space<vmem>> -> memref<2x128xi32, #tpu.memory_space<vmem>>
        %dma_start3A_262 = arith.constant 0 : i32
        %dma_start3A_263 = arith.constant 0 : i32
        %dma_start3A_264 = tpu.memref_slice %arg3[%add3A_239, %dma_start3A_262, %dma_start3A_263] : memref<2560x2x128xi32, #tpu.memory_space<hbm>> -> memref<1x2x128xi32, #tpu.memory_space<hbm>>
        %dma_start3A_265 = tpu.memref_squeeze %dma_start3A_264 : memref<1x2x128xi32, #tpu.memory_space<hbm>> -> memref<2x128xi32, #tpu.memory_space<hbm>>
        %dma_start3A_266 = arith.constant 0 : i32
        %dma_start3A_267 = arith.constant 0 : i32
        %dma_start3A_268 = tpu.memref_slice %arg6[%select_n3A_257, %dma_start3A_266, %dma_start3A_267] : memref<4x2x128xi32, #tpu.memory_space<vmem>> -> memref<1x2x128xi32, #tpu.memory_space<vmem>>
        %dma_start3A_269 = tpu.memref_squeeze %dma_start3A_268 : memref<1x2x128xi32, #tpu.memory_space<vmem>> -> memref<2x128xi32, #tpu.memory_space<vmem>>
        %dma_start3A_270 = arith.constant 0 : i32
        %dma_start3A_271 = arith.constant 0 : i32
        %dma_start3A_272 = tpu.memref_slice %arg3[%add3A_239, %dma_start3A_270, %dma_start3A_271] : memref<2560x2x128xi32, #tpu.memory_space<hbm>> -> memref<1x2x128xi32, #tpu.memory_space<hbm>>
        %dma_start3A_273 = tpu.memref_squeeze %dma_start3A_272 : memref<1x2x128xi32, #tpu.memory_space<hbm>> -> memref<2x128xi32, #tpu.memory_space<hbm>>
        tpu.enqueue_dma source(%dma_start3A_273 : memref<2x128xi32, #tpu.memory_space<hbm>>) target(%dma_start3A_269 : memref<2x128xi32, #tpu.memory_space<vmem>>) target_semaphore(%arg11 : memref<!tpu.dma_semaphore, #tpu.memory_space<semaphore_mem>>)
      } else {
      }
      %add3A_161 = arith.constant 1 : i32
      %add3A_162 = arith.addi %mul3A_92, %add3A_161 : i32
      %jit3A_163 = arith.constant 4 : i32
      %eq3A_164 = arith.constant 0 : i32
      %eq3A_165 = arith.cmpi eq, %jit3A_163, %eq3A_164 : i32
      %jit3A_166 = arith.constant 1 : i32
      %select_n3A_167 = arith.select %eq3A_165, %jit3A_166, %jit3A_163 : i32
      %rem3A_168 = arith.remsi %add3A_162, %select_n3A_167 : i32
      %ne3A_169 = arith.constant 0 : i32
      %ne3A_170 = arith.cmpi ne, %rem3A_168, %ne3A_169 : i32
      %lt3A_171 = arith.constant 0 : i32
      %lt3A_172 = arith.cmpi slt, %rem3A_168, %lt3A_171 : i32
      %lt3A_173 = arith.constant 0 : i32
      %lt3A_174 = arith.cmpi slt, %select_n3A_167, %lt3A_173 : i32
      %ne3A_175 = arith.xori %lt3A_172, %lt3A_174 : i1
      %and3A_176 = arith.andi %ne3A_175, %ne3A_170 : i1
      %add3A_177 = arith.addi %rem3A_168, %select_n3A_167 : i32
      %select_n3A_178 = arith.select %and3A_176, %add3A_177, %rem3A_168 : i32
      %add3A_179 = arith.constant 1 : i32
      %add3A_180 = arith.addi %add3A_162, %add3A_179 : i32
      %jit3A_181 = arith.constant 4 : i32
      %eq3A_182 = arith.constant 0 : i32
      %eq3A_183 = arith.cmpi eq, %jit3A_181, %eq3A_182 : i32
      %jit3A_184 = arith.constant 1 : i32
      %select_n3A_185 = arith.select %eq3A_183, %jit3A_184, %jit3A_181 : i32
      %rem3A_186 = arith.remsi %add3A_180, %select_n3A_185 : i32
      %ne3A_187 = arith.constant 0 : i32
      %ne3A_188 = arith.cmpi ne, %rem3A_186, %ne3A_187 : i32
      %lt3A_189 = arith.constant 0 : i32
      %lt3A_190 = arith.cmpi slt, %rem3A_186, %lt3A_189 : i32
      %lt3A_191 = arith.constant 0 : i32
      %lt3A_192 = arith.cmpi slt, %select_n3A_185, %lt3A_191 : i32
      %ne3A_193 = arith.xori %lt3A_190, %lt3A_192 : i1
      %and3A_194 = arith.andi %ne3A_193, %ne3A_188 : i1
      %add3A_195 = arith.addi %rem3A_186, %select_n3A_185 : i32
      %select_n3A_196 = arith.select %and3A_194, %add3A_195, %rem3A_186 : i32
      %dma_wait3A_197 = arith.constant 0 : i32
      %dma_wait3A_198 = arith.constant 1 : i32
      %dma_wait3A_199 = arith.constant 0 : i32
      %dma_wait3A_200 = arith.constant 0 : i32
      %dma_wait3A_201 = tpu.memref_slice %arg7[%dma_wait3A_198, %dma_wait3A_199, %dma_wait3A_200] : memref<2x128x128xf32, #tpu.memory_space<vmem>> -> memref<1x128x128xf32, #tpu.memory_space<vmem>>
      %dma_wait3A_202 = tpu.memref_squeeze %dma_wait3A_201 : memref<1x128x128xf32, #tpu.memory_space<vmem>> -> memref<128x128xf32, #tpu.memory_space<vmem>>
      %dma_wait3A_203 = arith.constant 0 : i32
      %dma_wait3A_204 = tpu.memref_slice %arg6[%select_n3A_178, %dma_wait3A_197, %dma_wait3A_203] : memref<4x2x128xi32, #tpu.memory_space<vmem>> -> memref<1x1x128xi32, #tpu.memory_space<vmem>>
      %dma_wait3A_205 = tpu.memref_squeeze %dma_wait3A_204 : memref<1x1x128xi32, #tpu.memory_space<vmem>> -> memref<128xi32, #tpu.memory_space<vmem>>
      %dma_wait3A_206 = arith.constant 0 : i32
      %dma_wait3A_207 = arith.constant 0 : i32
      %dma_wait3A_208 = tpu.memref_slice %arg2[%dma_wait3A_206, %dma_wait3A_207] : memref<160000x128xf32, #tpu.memory_space<hbm>> -> memref<160000x128xf32, #tpu.memory_space<hbm>>
      tpu.wait_indirect_dma semaphore(%arg10 : memref<!tpu.dma_semaphore, #tpu.memory_space<semaphore_mem>>) src(%dma_wait3A_208 : memref<160000x128xf32, #tpu.memory_space<hbm>>) dst(%dma_wait3A_202 : memref<128x128xf32, #tpu.memory_space<vmem>>)
      %add3A_209 = arith.constant 1 : i32
      %add3A_210 = arith.addi %add3A_162, %add3A_209 : i32
      %lt3A_211 = arith.constant 80 : i32
      %lt3A_212 = arith.cmpi slt, %add3A_210, %lt3A_211 : i32
      %convert_element_type3A_213 = arith.extui %lt3A_212 : i1 to i32
      %cond3A_214 = arith.constant 0 : i32
      %cond3A_215 = arith.cmpi ne, %convert_element_type3A_213, %cond3A_214 : i32
      scf.if %cond3A_215 {
        %dma_wait3A_235 = arith.constant 0 : i32
        %dma_wait3A_236 = arith.constant 0 : i32
        %dma_wait3A_237 = tpu.memref_slice %arg6[%select_n3A_196, %dma_wait3A_235, %dma_wait3A_236] : memref<4x2x128xi32, #tpu.memory_space<vmem>> -> memref<1x2x128xi32, #tpu.memory_space<vmem>>
        %dma_wait3A_238 = tpu.memref_squeeze %dma_wait3A_237 : memref<1x2x128xi32, #tpu.memory_space<vmem>> -> memref<2x128xi32, #tpu.memory_space<vmem>>
        %dma_wait3A_239 = arith.constant 0 : i32
        %dma_wait3A_240 = arith.constant 0 : i32
        %dma_wait3A_241 = tpu.memref_slice %arg3[%add3A, %dma_wait3A_239, %dma_wait3A_240] : memref<2560x2x128xi32, #tpu.memory_space<hbm>> -> memref<1x2x128xi32, #tpu.memory_space<hbm>>
        %dma_wait3A_242 = tpu.memref_squeeze %dma_wait3A_241 : memref<1x2x128xi32, #tpu.memory_space<hbm>> -> memref<2x128xi32, #tpu.memory_space<hbm>>
        %dma_wait3A_243 = arith.constant 0 : i32
        %dma_wait3A_244 = arith.constant 0 : i32
        %dma_wait3A_245 = tpu.memref_slice %arg6[%select_n3A_196, %dma_wait3A_243, %dma_wait3A_244] : memref<4x2x128xi32, #tpu.memory_space<vmem>> -> memref<1x2x128xi32, #tpu.memory_space<vmem>>
        %dma_wait3A_246 = tpu.memref_squeeze %dma_wait3A_245 : memref<1x2x128xi32, #tpu.memory_space<vmem>> -> memref<2x128xi32, #tpu.memory_space<vmem>>
        %dma_wait3A_247 = arith.constant 0 : i32
        %dma_wait3A_248 = arith.constant 0 : i32
        %dma_wait3A_249 = tpu.memref_slice %arg3[%add3A, %dma_wait3A_247, %dma_wait3A_248] : memref<2560x2x128xi32, #tpu.memory_space<hbm>> -> memref<1x2x128xi32, #tpu.memory_space<hbm>>
        %dma_wait3A_250 = tpu.memref_squeeze %dma_wait3A_249 : memref<1x2x128xi32, #tpu.memory_space<hbm>> -> memref<2x128xi32, #tpu.memory_space<hbm>>
        tpu.wait_dma2 semaphore(%arg11 : memref<!tpu.dma_semaphore, #tpu.memory_space<semaphore_mem>>) src(%dma_wait3A_250 : memref<2x128xi32, #tpu.memory_space<hbm>>) dst(%dma_wait3A_246 : memref<2x128xi32, #tpu.memory_space<vmem>>)
        %ge3A = arith.constant 1 : i32
        %ge3A_251 = arith.cmpi sge, %add3A_162, %ge3A : i32
        %convert_element_type3A_252 = arith.extui %ge3A_251 : i1 to i32
        %cond3A_253 = arith.constant 0 : i32
        %cond3A_254 = arith.cmpi ne, %convert_element_type3A_252, %cond3A_253 : i32
        scf.if %cond3A_254 {
          %add3A_267 = arith.constant 3 : i32
          %add3A_268 = arith.addi %add3A_162, %add3A_267 : i32
          %jit3A_269 = arith.constant 4 : i32
          %eq3A_270 = arith.constant 0 : i32
          %eq3A_271 = arith.cmpi eq, %jit3A_269, %eq3A_270 : i32
          %jit3A_272 = arith.constant 1 : i32
          %select_n3A_273 = arith.select %eq3A_271, %jit3A_272, %jit3A_269 : i32
          %rem3A_274 = arith.remsi %add3A_268, %select_n3A_273 : i32
          %ne3A_275 = arith.constant 0 : i32
          %ne3A_276 = arith.cmpi ne, %rem3A_274, %ne3A_275 : i32
          %lt3A_277 = arith.constant 0 : i32
          %lt3A_278 = arith.cmpi slt, %rem3A_274, %lt3A_277 : i32
          %lt3A_279 = arith.constant 0 : i32
          %lt3A_280 = arith.cmpi slt, %select_n3A_273, %lt3A_279 : i32
          %ne3A_281 = arith.xori %lt3A_278, %lt3A_280 : i1
          %and3A_282 = arith.andi %ne3A_281, %ne3A_276 : i1
          %add3A_283 = arith.addi %rem3A_274, %select_n3A_273 : i32
          %select_n3A_284 = arith.select %and3A_282, %add3A_283, %rem3A_274 : i32
          %dma_wait3A_285 = arith.constant 0 : i32
          %dma_wait3A_286 = arith.constant 1 : i32
          %dma_wait3A_287 = arith.constant 0 : i32
          %dma_wait3A_288 = arith.constant 0 : i32
          %dma_wait3A_289 = tpu.memref_slice %arg7[%dma_wait3A_285, %dma_wait3A_287, %dma_wait3A_288] : memref<2x128x128xf32, #tpu.memory_space<vmem>> -> memref<1x128x128xf32, #tpu.memory_space<vmem>>
          %dma_wait3A_290 = tpu.memref_squeeze %dma_wait3A_289 : memref<1x128x128xf32, #tpu.memory_space<vmem>> -> memref<128x128xf32, #tpu.memory_space<vmem>>
          %dma_wait3A_291 = arith.constant 0 : i32
          %dma_wait3A_292 = tpu.memref_slice %arg6[%select_n3A_284, %dma_wait3A_286, %dma_wait3A_291] : memref<4x2x128xi32, #tpu.memory_space<vmem>> -> memref<1x1x128xi32, #tpu.memory_space<vmem>>
          %dma_wait3A_293 = tpu.memref_squeeze %dma_wait3A_292 : memref<1x1x128xi32, #tpu.memory_space<vmem>> -> memref<128xi32, #tpu.memory_space<vmem>>
          %dma_wait3A_294 = arith.constant 0 : i32
          %dma_wait3A_295 = arith.constant 0 : i32
          %dma_wait3A_296 = tpu.memref_slice %arg5[%dma_wait3A_294, %dma_wait3A_295] : memref<10256x128xf32, #tpu.memory_space<vmem_shared>> -> memref<10256x128xf32, #tpu.memory_space<vmem_shared>>
          tpu.wait_indirect_dma semaphore(%arg13 : memref<!tpu.dma_semaphore, #tpu.memory_space<semaphore_mem>>) src(%dma_wait3A_290 : memref<128x128xf32, #tpu.memory_space<vmem>>) dst(%dma_wait3A_296 : memref<10256x128xf32, #tpu.memory_space<vmem_shared>>)
        } else {
        }
        %dma_start3A_255 = arith.constant 0 : i32
        %dma_start3A_256 = arith.constant 0 : i32
        %dma_start3A_257 = arith.constant 0 : i32
        %dma_start3A_258 = arith.constant 0 : i32
        %dma_start3A_259 = tpu.memref_slice %arg7[%dma_start3A_256, %dma_start3A_257, %dma_start3A_258] : memref<2x128x128xf32, #tpu.memory_space<vmem>> -> memref<1x128x128xf32, #tpu.memory_space<vmem>>
        %dma_start3A_260 = tpu.memref_squeeze %dma_start3A_259 : memref<1x128x128xf32, #tpu.memory_space<vmem>> -> memref<128x128xf32, #tpu.memory_space<vmem>>
        %dma_start3A_261 = arith.constant 0 : i32
        %dma_start3A_262 = tpu.memref_slice %arg6[%select_n3A_196, %dma_start3A_255, %dma_start3A_261] : memref<4x2x128xi32, #tpu.memory_space<vmem>> -> memref<1x1x128xi32, #tpu.memory_space<vmem>>
        %dma_start3A_263 = tpu.memref_squeeze %dma_start3A_262 : memref<1x1x128xi32, #tpu.memory_space<vmem>> -> memref<128xi32, #tpu.memory_space<vmem>>
        %dma_start3A_264 = arith.constant 0 : i32
        %dma_start3A_265 = arith.constant 0 : i32
        %dma_start3A_266 = tpu.memref_slice %arg2[%dma_start3A_264, %dma_start3A_265] : memref<160000x128xf32, #tpu.memory_space<hbm>> -> memref<160000x128xf32, #tpu.memory_space<hbm>>
        tpu.enqueue_indirect_dma source(%dma_start3A_266 : memref<160000x128xf32, #tpu.memory_space<hbm>>) target(%dma_start3A_260 : memref<128x128xf32, #tpu.memory_space<vmem>>) offsets(%dma_start3A_263 : memref<128xi32, #tpu.memory_space<vmem>>) semaphore(%arg9 : memref<!tpu.dma_semaphore, #tpu.memory_space<semaphore_mem>>)
      } else {
      }
      %dma_start3A_216 = arith.constant 1 : i32
      %dma_start3A_217 = arith.constant 1 : i32
      %dma_start3A_218 = arith.constant 0 : i32
      %dma_start3A_219 = arith.constant 0 : i32
      %dma_start3A_220 = tpu.memref_slice %arg7[%dma_start3A_216, %dma_start3A_218, %dma_start3A_219] : memref<2x128x128xf32, #tpu.memory_space<vmem>> -> memref<1x128x128xf32, #tpu.memory_space<vmem>>
      %dma_start3A_221 = tpu.memref_squeeze %dma_start3A_220 : memref<1x128x128xf32, #tpu.memory_space<vmem>> -> memref<128x128xf32, #tpu.memory_space<vmem>>
      %dma_start3A_222 = arith.constant 0 : i32
      %dma_start3A_223 = tpu.memref_slice %arg6[%select_n3A_178, %dma_start3A_217, %dma_start3A_222] : memref<4x2x128xi32, #tpu.memory_space<vmem>> -> memref<1x1x128xi32, #tpu.memory_space<vmem>>
      %dma_start3A_224 = tpu.memref_squeeze %dma_start3A_223 : memref<1x1x128xi32, #tpu.memory_space<vmem>> -> memref<128xi32, #tpu.memory_space<vmem>>
      %dma_start3A_225 = arith.constant 0 : i32
      %dma_start3A_226 = arith.constant 0 : i32
      %dma_start3A_227 = tpu.memref_slice %arg5[%dma_start3A_225, %dma_start3A_226] : memref<10256x128xf32, #tpu.memory_space<vmem_shared>> -> memref<10256x128xf32, #tpu.memory_space<vmem_shared>>
      tpu.enqueue_indirect_dma source(%dma_start3A_221 : memref<128x128xf32, #tpu.memory_space<vmem>>) target(%dma_start3A_227 : memref<10256x128xf32, #tpu.memory_space<vmem_shared>>) offsets(%dma_start3A_224 : memref<128xi32, #tpu.memory_space<vmem>>) semaphore(%arg14 : memref<!tpu.dma_semaphore, #tpu.memory_space<semaphore_mem>>) {add = true}
      %add3A_228 = arith.constant 2 : i32
      %add3A_229 = arith.addi %add3A_162, %add3A_228 : i32
      %lt3A_230 = arith.constant 80 : i32
      %lt3A_231 = arith.cmpi slt, %add3A_229, %lt3A_230 : i32
      %convert_element_type3A_232 = arith.extui %lt3A_231 : i1 to i32
      %cond3A_233 = arith.constant 0 : i32
      %cond3A_234 = arith.cmpi ne, %convert_element_type3A_232, %cond3A_233 : i32
      scf.if %cond3A_234 {
        %add3A_235 = arith.constant 2 : i32
        %add3A_236 = arith.addi %add3A_162, %add3A_235 : i32
        %mul3A_237 = arith.constant 32 : i32
        %mul3A_238 = arith.muli %add3A_236, %mul3A_237 : i32
        %add3A_239 = arith.addi %add3A, %mul3A_238 : i32
        %add3A_240 = arith.constant 2 : i32
        %add3A_241 = arith.addi %add3A_162, %add3A_240 : i32
        %jit3A_242 = arith.constant 4 : i32
        %eq3A_243 = arith.constant 0 : i32
        %eq3A_244 = arith.cmpi eq, %jit3A_242, %eq3A_243 : i32
        %jit3A_245 = arith.constant 1 : i32
        %select_n3A_246 = arith.select %eq3A_244, %jit3A_245, %jit3A_242 : i32
        %rem3A_247 = arith.remsi %add3A_241, %select_n3A_246 : i32
        %ne3A_248 = arith.constant 0 : i32
        %ne3A_249 = arith.cmpi ne, %rem3A_247, %ne3A_248 : i32
        %lt3A_250 = arith.constant 0 : i32
        %lt3A_251 = arith.cmpi slt, %rem3A_247, %lt3A_250 : i32
        %lt3A_252 = arith.constant 0 : i32
        %lt3A_253 = arith.cmpi slt, %select_n3A_246, %lt3A_252 : i32
        %ne3A_254 = arith.xori %lt3A_251, %lt3A_253 : i1
        %and3A_255 = arith.andi %ne3A_254, %ne3A_249 : i1
        %add3A_256 = arith.addi %rem3A_247, %select_n3A_246 : i32
        %select_n3A_257 = arith.select %and3A_255, %add3A_256, %rem3A_247 : i32
        %dma_start3A_258 = arith.constant 0 : i32
        %dma_start3A_259 = arith.constant 0 : i32
        %dma_start3A_260 = tpu.memref_slice %arg6[%select_n3A_257, %dma_start3A_258, %dma_start3A_259] : memref<4x2x128xi32, #tpu.memory_space<vmem>> -> memref<1x2x128xi32, #tpu.memory_space<vmem>>
        %dma_start3A_261 = tpu.memref_squeeze %dma_start3A_260 : memref<1x2x128xi32, #tpu.memory_space<vmem>> -> memref<2x128xi32, #tpu.memory_space<vmem>>
        %dma_start3A_262 = arith.constant 0 : i32
        %dma_start3A_263 = arith.constant 0 : i32
        %dma_start3A_264 = tpu.memref_slice %arg3[%add3A_239, %dma_start3A_262, %dma_start3A_263] : memref<2560x2x128xi32, #tpu.memory_space<hbm>> -> memref<1x2x128xi32, #tpu.memory_space<hbm>>
        %dma_start3A_265 = tpu.memref_squeeze %dma_start3A_264 : memref<1x2x128xi32, #tpu.memory_space<hbm>> -> memref<2x128xi32, #tpu.memory_space<hbm>>
        %dma_start3A_266 = arith.constant 0 : i32
        %dma_start3A_267 = arith.constant 0 : i32
        %dma_start3A_268 = tpu.memref_slice %arg6[%select_n3A_257, %dma_start3A_266, %dma_start3A_267] : memref<4x2x128xi32, #tpu.memory_space<vmem>> -> memref<1x2x128xi32, #tpu.memory_space<vmem>>
        %dma_start3A_269 = tpu.memref_squeeze %dma_start3A_268 : memref<1x2x128xi32, #tpu.memory_space<vmem>> -> memref<2x128xi32, #tpu.memory_space<vmem>>
        %dma_start3A_270 = arith.constant 0 : i32
        %dma_start3A_271 = arith.constant 0 : i32
        %dma_start3A_272 = tpu.memref_slice %arg3[%add3A_239, %dma_start3A_270, %dma_start3A_271] : memref<2560x2x128xi32, #tpu.memory_space<hbm>> -> memref<1x2x128xi32, #tpu.memory_space<hbm>>
        %dma_start3A_273 = tpu.memref_squeeze %dma_start3A_272 : memref<1x2x128xi32, #tpu.memory_space<hbm>> -> memref<2x128xi32, #tpu.memory_space<hbm>>
        tpu.enqueue_dma source(%dma_start3A_273 : memref<2x128xi32, #tpu.memory_space<hbm>>) target(%dma_start3A_269 : memref<2x128xi32, #tpu.memory_space<vmem>>) target_semaphore(%arg12 : memref<!tpu.dma_semaphore, #tpu.memory_space<semaphore_mem>>)
      } else {
      }
    }
    %scan3A_56 = arith.constant 40 : i32
    %dma_wait3A = arith.constant 0 : i32
    %dma_wait3A_57 = arith.constant 0 : i32
    %dma_wait3A_58 = arith.constant 1 : i32
    %dma_wait3A_59 = arith.constant 0 : i32
    %dma_wait3A_60 = arith.constant 0 : i32
    %dma_wait3A_61 = tpu.memref_slice %arg7[%dma_wait3A, %dma_wait3A_59, %dma_wait3A_60] : memref<2x128x128xf32, #tpu.memory_space<vmem>> -> memref<1x128x128xf32, #tpu.memory_space<vmem>>
    %dma_wait3A_62 = tpu.memref_squeeze %dma_wait3A_61 : memref<1x128x128xf32, #tpu.memory_space<vmem>> -> memref<128x128xf32, #tpu.memory_space<vmem>>
    %dma_wait3A_63 = arith.constant 0 : i32
    %dma_wait3A_64 = tpu.memref_slice %arg6[%dma_wait3A_57, %dma_wait3A_58, %dma_wait3A_63] : memref<4x2x128xi32, #tpu.memory_space<vmem>> -> memref<1x1x128xi32, #tpu.memory_space<vmem>>
    %dma_wait3A_65 = tpu.memref_squeeze %dma_wait3A_64 : memref<1x1x128xi32, #tpu.memory_space<vmem>> -> memref<128xi32, #tpu.memory_space<vmem>>
    %dma_wait3A_66 = arith.constant 0 : i32
    %dma_wait3A_67 = arith.constant 0 : i32
    %dma_wait3A_68 = tpu.memref_slice %arg5[%dma_wait3A_66, %dma_wait3A_67] : memref<10256x128xf32, #tpu.memory_space<vmem_shared>> -> memref<10256x128xf32, #tpu.memory_space<vmem_shared>>
    tpu.wait_indirect_dma semaphore(%arg13 : memref<!tpu.dma_semaphore, #tpu.memory_space<semaphore_mem>>) src(%dma_wait3A_62 : memref<128x128xf32, #tpu.memory_space<vmem>>) dst(%dma_wait3A_68 : memref<10256x128xf32, #tpu.memory_space<vmem_shared>>)
    %dma_wait3A_69 = arith.constant 1 : i32
    %dma_wait3A_70 = arith.constant 1 : i32
    %dma_wait3A_71 = arith.constant 1 : i32
    %dma_wait3A_72 = arith.constant 0 : i32
    %dma_wait3A_73 = arith.constant 0 : i32
    %dma_wait3A_74 = tpu.memref_slice %arg7[%dma_wait3A_69, %dma_wait3A_72, %dma_wait3A_73] : memref<2x128x128xf32, #tpu.memory_space<vmem>> -> memref<1x128x128xf32, #tpu.memory_space<vmem>>
    %dma_wait3A_75 = tpu.memref_squeeze %dma_wait3A_74 : memref<1x128x128xf32, #tpu.memory_space<vmem>> -> memref<128x128xf32, #tpu.memory_space<vmem>>
    %dma_wait3A_76 = arith.constant 0 : i32
    %dma_wait3A_77 = tpu.memref_slice %arg6[%dma_wait3A_70, %dma_wait3A_71, %dma_wait3A_76] : memref<4x2x128xi32, #tpu.memory_space<vmem>> -> memref<1x1x128xi32, #tpu.memory_space<vmem>>
    %dma_wait3A_78 = tpu.memref_squeeze %dma_wait3A_77 : memref<1x1x128xi32, #tpu.memory_space<vmem>> -> memref<128xi32, #tpu.memory_space<vmem>>
    %dma_wait3A_79 = arith.constant 0 : i32
    %dma_wait3A_80 = arith.constant 0 : i32
    %dma_wait3A_81 = tpu.memref_slice %arg5[%dma_wait3A_79, %dma_wait3A_80] : memref<10256x128xf32, #tpu.memory_space<vmem_shared>> -> memref<10256x128xf32, #tpu.memory_space<vmem_shared>>
    tpu.wait_indirect_dma semaphore(%arg14 : memref<!tpu.dma_semaphore, #tpu.memory_space<semaphore_mem>>) src(%dma_wait3A_75 : memref<128x128xf32, #tpu.memory_space<vmem>>) dst(%dma_wait3A_81 : memref<10256x128xf32, #tpu.memory_space<vmem_shared>>)
    %barrier3A_82 = arith.constant 0 : index
    tpu.barrier barrier_id(%barrier3A_82)
    %mul3A_83 = arith.constant 624 : i32
    %mul3A_84 = arith.muli %arg1, %mul3A_83 : i32
    "tpu.region"() ({
      %run_scoped3A_90 = tpu.sem_alloc : memref<!tpu.dma_semaphore, #tpu.memory_space<semaphore_mem>>
      %dma_start3A_91 = arith.constant 0 : i32
      %dma_start3A_92 = tpu.memref_slice %arg4[%arg0, %mul3A_84, %dma_start3A_91] : memref<2x10000x128xf32, #tpu.memory_space<hbm>> -> memref<1x624x128xf32, #tpu.memory_space<hbm>>
      %dma_start3A_93 = tpu.memref_squeeze %dma_start3A_92 : memref<1x624x128xf32, #tpu.memory_space<hbm>> -> memref<624x128xf32, #tpu.memory_space<hbm>>
      %dma_start3A_94 = arith.constant 0 : i32
      %dma_start3A_95 = tpu.memref_slice %arg5[%mul3A_84, %dma_start3A_94] : memref<10256x128xf32, #tpu.memory_space<vmem_shared>> -> memref<624x128xf32, #tpu.memory_space<vmem_shared>>
      tpu.enqueue_dma source(%dma_start3A_95 : memref<624x128xf32, #tpu.memory_space<vmem_shared>>) target(%dma_start3A_93 : memref<624x128xf32, #tpu.memory_space<hbm>>) target_semaphore(%run_scoped3A_90 : memref<!tpu.dma_semaphore, #tpu.memory_space<semaphore_mem>>)
      %dma_wait3A_96 = arith.constant 0 : i32
      %dma_wait3A_97 = tpu.memref_slice %arg4[%arg0, %mul3A_84, %dma_wait3A_96] : memref<2x10000x128xf32, #tpu.memory_space<hbm>> -> memref<1x624x128xf32, #tpu.memory_space<hbm>>
      %dma_wait3A_98 = tpu.memref_squeeze %dma_wait3A_97 : memref<1x624x128xf32, #tpu.memory_space<hbm>> -> memref<624x128xf32, #tpu.memory_space<hbm>>
      %dma_wait3A_99 = arith.constant 0 : i32
      %dma_wait3A_100 = tpu.memref_slice %arg5[%mul3A_84, %dma_wait3A_99] : memref<10256x128xf32, #tpu.memory_space<vmem_shared>> -> memref<624x128xf32, #tpu.memory_space<vmem_shared>>
      tpu.wait_dma2 semaphore(%run_scoped3A_90 : memref<!tpu.dma_semaphore, #tpu.memory_space<semaphore_mem>>) src(%dma_wait3A_100 : memref<624x128xf32, #tpu.memory_space<vmem_shared>>) dst(%dma_wait3A_98 : memref<624x128xf32, #tpu.memory_space<hbm>>)
      tpu.yield
    }) : () -> ()
    %eq3A_85 = arith.constant 0 : i32
    %eq3A_86 = arith.cmpi eq, %arg1, %eq3A_85 : i32
    %convert_element_type3A_87 = arith.extui %eq3A_86 : i1 to i32
    %cond3A_88 = arith.constant 0 : i32
    %cond3A_89 = arith.cmpi ne, %convert_element_type3A_87, %cond3A_88 : i32
    scf.if %cond3A_89 {
      "tpu.region"() ({
        %run_scoped3A_90 = tpu.sem_alloc : memref<!tpu.dma_semaphore, #tpu.memory_space<semaphore_mem>>
        %dma_start3A_91 = arith.constant 9984 : i32
        %dma_start3A_92 = arith.constant 0 : i32
        %dma_start3A_93 = tpu.memref_slice %arg4[%arg0, %dma_start3A_91, %dma_start3A_92] : memref<2x10000x128xf32, #tpu.memory_space<hbm>> -> memref<1x16x128xf32, #tpu.memory_space<hbm>>
        %dma_start3A_94 = tpu.memref_squeeze %dma_start3A_93 : memref<1x16x128xf32, #tpu.memory_space<hbm>> -> memref<16x128xf32, #tpu.memory_space<hbm>>
        %dma_start3A_95 = arith.constant 9984 : i32
        %dma_start3A_96 = arith.constant 0 : i32
        %dma_start3A_97 = tpu.memref_slice %arg5[%dma_start3A_95, %dma_start3A_96] : memref<10256x128xf32, #tpu.memory_space<vmem_shared>> -> memref<16x128xf32, #tpu.memory_space<vmem_shared>>
        tpu.enqueue_dma source(%dma_start3A_97 : memref<16x128xf32, #tpu.memory_space<vmem_shared>>) target(%dma_start3A_94 : memref<16x128xf32, #tpu.memory_space<hbm>>) target_semaphore(%run_scoped3A_90 : memref<!tpu.dma_semaphore, #tpu.memory_space<semaphore_mem>>)
        %dma_wait3A_98 = arith.constant 9984 : i32
        %dma_wait3A_99 = arith.constant 0 : i32
        %dma_wait3A_100 = tpu.memref_slice %arg4[%arg0, %dma_wait3A_98, %dma_wait3A_99] : memref<2x10000x128xf32, #tpu.memory_space<hbm>> -> memref<1x16x128xf32, #tpu.memory_space<hbm>>
        %dma_wait3A_101 = tpu.memref_squeeze %dma_wait3A_100 : memref<1x16x128xf32, #tpu.memory_space<hbm>> -> memref<16x128xf32, #tpu.memory_space<hbm>>
        %dma_wait3A_102 = arith.constant 9984 : i32
        %dma_wait3A_103 = arith.constant 0 : i32
        %dma_wait3A_104 = tpu.memref_slice %arg5[%dma_wait3A_102, %dma_wait3A_103] : memref<10256x128xf32, #tpu.memory_space<vmem_shared>> -> memref<16x128xf32, #tpu.memory_space<vmem_shared>>
        tpu.wait_dma2 semaphore(%run_scoped3A_90 : memref<!tpu.dma_semaphore, #tpu.memory_space<semaphore_mem>>) src(%dma_wait3A_104 : memref<16x128xf32, #tpu.memory_space<vmem_shared>>) dst(%dma_wait3A_101 : memref<16x128xf32, #tpu.memory_space<hbm>>)
        tpu.yield
      }) : () -> ()
    } else {
    }
    return
  }
}

#map = affine_map<(d0, d1) -> (0, 0, 0)>
module attributes {stable_mosaic.version = 14 : i64} {
  func.func @_sc_deg_body(%arg0: i32, %arg1: i32, %arg2: memref<2560x2x128xi32, #tpu.memory_space<hbm>>, %arg3: memref<2x10000x128xf32, #tpu.memory_space<hbm>>, %arg4: memref<10256x128xf32, #tpu.memory_space<vmem_shared>>, %arg5: memref<2x2x128xi32, #tpu.memory_space<vmem>>, %arg6: memref<2x128x128xf32, #tpu.memory_space<vmem>>, %arg7: memref<104x128xf32, #tpu.memory_space<vmem>>, %arg8: memref<!tpu.dma_semaphore, #tpu.memory_space<semaphore_mem>>, %arg9: memref<!tpu.dma_semaphore, #tpu.memory_space<semaphore_mem>>) attributes {dimension_semantics = [#tpu.dimension_semantics<core_parallel>, #tpu.dimension_semantics<subcore_parallel>], iteration_bounds = array<i64: 2, 16>, scalar_prefetch = 0 : i64, scratch_operands = 6 : i64, tpu.core_type = #tpu.core_type<sc_vector_subcore>, window_params = [{transform_indices = #map}, {transform_indices = #map}]} {
    %mul3A = arith.constant 16 : i32
    %mul3A_0 = arith.muli %arg0, %mul3A : i32
    %add3A = arith.addi %mul3A_0, %arg1 : i32
    %scan3A = arith.constant 0 : i32
    %scan3A_1 = arith.constant 104 : i32
    %scan3A_2 = arith.addi %scan3A, %scan3A_1 : i32
    %scan3A_3 = arith.constant 1 : i32
    scf.for %scan3A_42 = %scan3A to %scan3A_2 step %scan3A_3  : i32 {
      %broadcast_in_dim3A = arith.constant 0.000000e+00 : f32
      %broadcast_in_dim3A_43 = vector.broadcast %broadcast_in_dim3A : f32 to vector<16xf32>
      %swap3A = arith.index_cast %scan3A_42 : i32 to index
      %swap3A_44 = arith.constant 0 : index
      %swap3A_45 = tpu.vector_load %arg7[%swap3A, %swap3A_44] {strides = array<i32>} : memref<104x128xf32, #tpu.memory_space<vmem>>, vector<1x16xf32>,
      %swap3A_46 = vector.shape_cast %swap3A_45 : vector<1x16xf32> to vector<16xf32>
      %swap3A_47 = vector.shape_cast %broadcast_in_dim3A_43 : vector<16xf32> to vector<1x16xf32>
      tpu.vector_store %arg7[%swap3A, %swap3A_44], %swap3A_47 {strides = array<i32>} : memref<104x128xf32, #tpu.memory_space<vmem>>, vector<1x16xf32>,
      %broadcast_in_dim3A_48 = arith.constant 0.000000e+00 : f32
      %broadcast_in_dim3A_49 = vector.broadcast %broadcast_in_dim3A_48 : f32 to vector<16xf32>
      %swap3A_50 = arith.index_cast %scan3A_42 : i32 to index
      %swap3A_51 = arith.constant 16 : index
      %swap3A_52 = tpu.vector_load %arg7[%swap3A_50, %swap3A_51] {strides = array<i32>} : memref<104x128xf32, #tpu.memory_space<vmem>>, vector<1x16xf32>,
      %swap3A_53 = vector.shape_cast %swap3A_52 : vector<1x16xf32> to vector<16xf32>
      %swap3A_54 = vector.shape_cast %broadcast_in_dim3A_49 : vector<16xf32> to vector<1x16xf32>
      tpu.vector_store %arg7[%swap3A_50, %swap3A_51], %swap3A_54 {strides = array<i32>} : memref<104x128xf32, #tpu.memory_space<vmem>>, vector<1x16xf32>,
      %broadcast_in_dim3A_55 = arith.constant 0.000000e+00 : f32
      %broadcast_in_dim3A_56 = vector.broadcast %broadcast_in_dim3A_55 : f32 to vector<16xf32>
      %swap3A_57 = arith.index_cast %scan3A_42 : i32 to index
      %swap3A_58 = arith.constant 32 : index
      %swap3A_59 = tpu.vector_load %arg7[%swap3A_57, %swap3A_58] {strides = array<i32>} : memref<104x128xf32, #tpu.memory_space<vmem>>, vector<1x16xf32>,
      %swap3A_60 = vector.shape_cast %swap3A_59 : vector<1x16xf32> to vector<16xf32>
      %swap3A_61 = vector.shape_cast %broadcast_in_dim3A_56 : vector<16xf32> to vector<1x16xf32>
      tpu.vector_store %arg7[%swap3A_57, %swap3A_58], %swap3A_61 {strides = array<i32>} : memref<104x128xf32, #tpu.memory_space<vmem>>, vector<1x16xf32>,
      %broadcast_in_dim3A_62 = arith.constant 0.000000e+00 : f32
      %broadcast_in_dim3A_63 = vector.broadcast %broadcast_in_dim3A_62 : f32 to vector<16xf32>
      %swap3A_64 = arith.index_cast %scan3A_42 : i32 to index
      %swap3A_65 = arith.constant 48 : index
      %swap3A_66 = tpu.vector_load %arg7[%swap3A_64, %swap3A_65] {strides = array<i32>} : memref<104x128xf32, #tpu.memory_space<vmem>>, vector<1x16xf32>,
      %swap3A_67 = vector.shape_cast %swap3A_66 : vector<1x16xf32> to vector<16xf32>
      %swap3A_68 = vector.shape_cast %broadcast_in_dim3A_63 : vector<16xf32> to vector<1x16xf32>
      tpu.vector_store %arg7[%swap3A_64, %swap3A_65], %swap3A_68 {strides = array<i32>} : memref<104x128xf32, #tpu.memory_space<vmem>>, vector<1x16xf32>,
      %broadcast_in_dim3A_69 = arith.constant 0.000000e+00 : f32
      %broadcast_in_dim3A_70 = vector.broadcast %broadcast_in_dim3A_69 : f32 to vector<16xf32>
      %swap3A_71 = arith.index_cast %scan3A_42 : i32 to index
      %swap3A_72 = arith.constant 64 : index
      %swap3A_73 = tpu.vector_load %arg7[%swap3A_71, %swap3A_72] {strides = array<i32>} : memref<104x128xf32, #tpu.memory_space<vmem>>, vector<1x16xf32>,
      %swap3A_74 = vector.shape_cast %swap3A_73 : vector<1x16xf32> to vector<16xf32>
      %swap3A_75 = vector.shape_cast %broadcast_in_dim3A_70 : vector<16xf32> to vector<1x16xf32>
      tpu.vector_store %arg7[%swap3A_71, %swap3A_72], %swap3A_75 {strides = array<i32>} : memref<104x128xf32, #tpu.memory_space<vmem>>, vector<1x16xf32>,
      %broadcast_in_dim3A_76 = arith.constant 0.000000e+00 : f32
      %broadcast_in_dim3A_77 = vector.broadcast %broadcast_in_dim3A_76 : f32 to vector<16xf32>
      %swap3A_78 = arith.index_cast %scan3A_42 : i32 to index
      %swap3A_79 = arith.constant 80 : index
      %swap3A_80 = tpu.vector_load %arg7[%swap3A_78, %swap3A_79] {strides = array<i32>} : memref<104x128xf32, #tpu.memory_space<vmem>>, vector<1x16xf32>,
      %swap3A_81 = vector.shape_cast %swap3A_80 : vector<1x16xf32> to vector<16xf32>
      %swap3A_82 = vector.shape_cast %broadcast_in_dim3A_77 : vector<16xf32> to vector<1x16xf32>
      tpu.vector_store %arg7[%swap3A_78, %swap3A_79], %swap3A_82 {strides = array<i32>} : memref<104x128xf32, #tpu.memory_space<vmem>>, vector<1x16xf32>,
      %broadcast_in_dim3A_83 = arith.constant 0.000000e+00 : f32
      %broadcast_in_dim3A_84 = vector.broadcast %broadcast_in_dim3A_83 : f32 to vector<16xf32>
      %swap3A_85 = arith.index_cast %scan3A_42 : i32 to index
      %swap3A_86 = arith.constant 96 : index
      %swap3A_87 = tpu.vector_load %arg7[%swap3A_85, %swap3A_86] {strides = array<i32>} : memref<104x128xf32, #tpu.memory_space<vmem>>, vector<1x16xf32>,
      %swap3A_88 = vector.shape_cast %swap3A_87 : vector<1x16xf32> to vector<16xf32>
      %swap3A_89 = vector.shape_cast %broadcast_in_dim3A_84 : vector<16xf32> to vector<1x16xf32>
      tpu.vector_store %arg7[%swap3A_85, %swap3A_86], %swap3A_89 {strides = array<i32>} : memref<104x128xf32, #tpu.memory_space<vmem>>, vector<1x16xf32>,
      %broadcast_in_dim3A_90 = arith.constant 0.000000e+00 : f32
      %broadcast_in_dim3A_91 = vector.broadcast %broadcast_in_dim3A_90 : f32 to vector<16xf32>
      %swap3A_92 = arith.index_cast %scan3A_42 : i32 to index
      %swap3A_93 = arith.constant 112 : index
      %swap3A_94 = tpu.vector_load %arg7[%swap3A_92, %swap3A_93] {strides = array<i32>} : memref<104x128xf32, #tpu.memory_space<vmem>>, vector<1x16xf32>,
      %swap3A_95 = vector.shape_cast %swap3A_94 : vector<1x16xf32> to vector<16xf32>
      %swap3A_96 = vector.shape_cast %broadcast_in_dim3A_91 : vector<16xf32> to vector<1x16xf32>
      tpu.vector_store %arg7[%swap3A_92, %swap3A_93], %swap3A_96 {strides = array<i32>} : memref<104x128xf32, #tpu.memory_space<vmem>>, vector<1x16xf32>,
    }
    %scan3A_4 = arith.constant 104 : i32
    %mul3A_5 = arith.constant 624 : i32
    %mul3A_6 = arith.muli %arg1, %mul3A_5 : i32
    %add3A_7 = arith.constant 0 : i32
    %add3A_8 = arith.addi %mul3A_6, %add3A_7 : i32
    "tpu.region"() ({
      %run_scoped3A_42 = tpu.sem_alloc : memref<!tpu.dma_semaphore, #tpu.memory_space<semaphore_mem>>
      %dma_start3A = arith.constant 0 : i32
      %dma_start3A_43 = tpu.memref_slice %arg4[%add3A_8, %dma_start3A] : memref<10256x128xf32, #tpu.memory_space<vmem_shared>> -> memref<104x128xf32, #tpu.memory_space<vmem_shared>>
      %dma_start3A_44 = arith.constant 0 : i32
      %dma_start3A_45 = tpu.memref_slice %arg4[%add3A_8, %dma_start3A_44] : memref<10256x128xf32, #tpu.memory_space<vmem_shared>> -> memref<104x128xf32, #tpu.memory_space<vmem_shared>>
      tpu.enqueue_dma source(%arg7 : memref<104x128xf32, #tpu.memory_space<vmem>>) target(%dma_start3A_45 : memref<104x128xf32, #tpu.memory_space<vmem_shared>>) target_semaphore(%run_scoped3A_42 : memref<!tpu.dma_semaphore, #tpu.memory_space<semaphore_mem>>)
      %dma_wait3A = arith.constant 0 : i32
      %dma_wait3A_46 = tpu.memref_slice %arg4[%add3A_8, %dma_wait3A] : memref<10256x128xf32, #tpu.memory_space<vmem_shared>> -> memref<104x128xf32, #tpu.memory_space<vmem_shared>>
      %dma_wait3A_47 = arith.constant 0 : i32
      %dma_wait3A_48 = tpu.memref_slice %arg4[%add3A_8, %dma_wait3A_47] : memref<10256x128xf32, #tpu.memory_space<vmem_shared>> -> memref<104x128xf32, #tpu.memory_space<vmem_shared>>
      tpu.wait_dma2 semaphore(%run_scoped3A_42 : memref<!tpu.dma_semaphore, #tpu.memory_space<semaphore_mem>>) src(%arg7 : memref<104x128xf32, #tpu.memory_space<vmem>>) dst(%dma_wait3A_48 : memref<104x128xf32, #tpu.memory_space<vmem_shared>>)
      tpu.yield
    }) : () -> ()
    %add3A_9 = arith.constant 104 : i32
    %add3A_10 = arith.addi %mul3A_6, %add3A_9 : i32
    "tpu.region"() ({
      %run_scoped3A_42 = tpu.sem_alloc : memref<!tpu.dma_semaphore, #tpu.memory_space<semaphore_mem>>
      %dma_start3A = arith.constant 0 : i32
      %dma_start3A_43 = tpu.memref_slice %arg4[%add3A_10, %dma_start3A] : memref<10256x128xf32, #tpu.memory_space<vmem_shared>> -> memref<104x128xf32, #tpu.memory_space<vmem_shared>>
      %dma_start3A_44 = arith.constant 0 : i32
      %dma_start3A_45 = tpu.memref_slice %arg4[%add3A_10, %dma_start3A_44] : memref<10256x128xf32, #tpu.memory_space<vmem_shared>> -> memref<104x128xf32, #tpu.memory_space<vmem_shared>>
      tpu.enqueue_dma source(%arg7 : memref<104x128xf32, #tpu.memory_space<vmem>>) target(%dma_start3A_45 : memref<104x128xf32, #tpu.memory_space<vmem_shared>>) target_semaphore(%run_scoped3A_42 : memref<!tpu.dma_semaphore, #tpu.memory_space<semaphore_mem>>)
      %dma_wait3A = arith.constant 0 : i32
      %dma_wait3A_46 = tpu.memref_slice %arg4[%add3A_10, %dma_wait3A] : memref<10256x128xf32, #tpu.memory_space<vmem_shared>> -> memref<104x128xf32, #tpu.memory_space<vmem_shared>>
      %dma_wait3A_47 = arith.constant 0 : i32
      %dma_wait3A_48 = tpu.memref_slice %arg4[%add3A_10, %dma_wait3A_47] : memref<10256x128xf32, #tpu.memory_space<vmem_shared>> -> memref<104x128xf32, #tpu.memory_space<vmem_shared>>
      tpu.wait_dma2 semaphore(%run_scoped3A_42 : memref<!tpu.dma_semaphore, #tpu.memory_space<semaphore_mem>>) src(%arg7 : memref<104x128xf32, #tpu.memory_space<vmem>>) dst(%dma_wait3A_48 : memref<104x128xf32, #tpu.memory_space<vmem_shared>>)
      tpu.yield
    }) : () -> ()
    %add3A_11 = arith.constant 208 : i32
    %add3A_12 = arith.addi %mul3A_6, %add3A_11 : i32
    "tpu.region"() ({
      %run_scoped3A_42 = tpu.sem_alloc : memref<!tpu.dma_semaphore, #tpu.memory_space<semaphore_mem>>
      %dma_start3A = arith.constant 0 : i32
      %dma_start3A_43 = tpu.memref_slice %arg4[%add3A_12, %dma_start3A] : memref<10256x128xf32, #tpu.memory_space<vmem_shared>> -> memref<104x128xf32, #tpu.memory_space<vmem_shared>>
      %dma_start3A_44 = arith.constant 0 : i32
      %dma_start3A_45 = tpu.memref_slice %arg4[%add3A_12, %dma_start3A_44] : memref<10256x128xf32, #tpu.memory_space<vmem_shared>> -> memref<104x128xf32, #tpu.memory_space<vmem_shared>>
      tpu.enqueue_dma source(%arg7 : memref<104x128xf32, #tpu.memory_space<vmem>>) target(%dma_start3A_45 : memref<104x128xf32, #tpu.memory_space<vmem_shared>>) target_semaphore(%run_scoped3A_42 : memref<!tpu.dma_semaphore, #tpu.memory_space<semaphore_mem>>)
      %dma_wait3A = arith.constant 0 : i32
      %dma_wait3A_46 = tpu.memref_slice %arg4[%add3A_12, %dma_wait3A] : memref<10256x128xf32, #tpu.memory_space<vmem_shared>> -> memref<104x128xf32, #tpu.memory_space<vmem_shared>>
      %dma_wait3A_47 = arith.constant 0 : i32
      %dma_wait3A_48 = tpu.memref_slice %arg4[%add3A_12, %dma_wait3A_47] : memref<10256x128xf32, #tpu.memory_space<vmem_shared>> -> memref<104x128xf32, #tpu.memory_space<vmem_shared>>
      tpu.wait_dma2 semaphore(%run_scoped3A_42 : memref<!tpu.dma_semaphore, #tpu.memory_space<semaphore_mem>>) src(%arg7 : memref<104x128xf32, #tpu.memory_space<vmem>>) dst(%dma_wait3A_48 : memref<104x128xf32, #tpu.memory_space<vmem_shared>>)
      tpu.yield
    }) : () -> ()
    %add3A_13 = arith.constant 312 : i32
    %add3A_14 = arith.addi %mul3A_6, %add3A_13 : i32
    "tpu.region"() ({
      %run_scoped3A_42 = tpu.sem_alloc : memref<!tpu.dma_semaphore, #tpu.memory_space<semaphore_mem>>
      %dma_start3A = arith.constant 0 : i32
      %dma_start3A_43 = tpu.memref_slice %arg4[%add3A_14, %dma_start3A] : memref<10256x128xf32, #tpu.memory_space<vmem_shared>> -> memref<104x128xf32, #tpu.memory_space<vmem_shared>>
      %dma_start3A_44 = arith.constant 0 : i32
      %dma_start3A_45 = tpu.memref_slice %arg4[%add3A_14, %dma_start3A_44] : memref<10256x128xf32, #tpu.memory_space<vmem_shared>> -> memref<104x128xf32, #tpu.memory_space<vmem_shared>>
      tpu.enqueue_dma source(%arg7 : memref<104x128xf32, #tpu.memory_space<vmem>>) target(%dma_start3A_45 : memref<104x128xf32, #tpu.memory_space<vmem_shared>>) target_semaphore(%run_scoped3A_42 : memref<!tpu.dma_semaphore, #tpu.memory_space<semaphore_mem>>)
      %dma_wait3A = arith.constant 0 : i32
      %dma_wait3A_46 = tpu.memref_slice %arg4[%add3A_14, %dma_wait3A] : memref<10256x128xf32, #tpu.memory_space<vmem_shared>> -> memref<104x128xf32, #tpu.memory_space<vmem_shared>>
      %dma_wait3A_47 = arith.constant 0 : i32
      %dma_wait3A_48 = tpu.memref_slice %arg4[%add3A_14, %dma_wait3A_47] : memref<10256x128xf32, #tpu.memory_space<vmem_shared>> -> memref<104x128xf32, #tpu.memory_space<vmem_shared>>
      tpu.wait_dma2 semaphore(%run_scoped3A_42 : memref<!tpu.dma_semaphore, #tpu.memory_space<semaphore_mem>>) src(%arg7 : memref<104x128xf32, #tpu.memory_space<vmem>>) dst(%dma_wait3A_48 : memref<104x128xf32, #tpu.memory_space<vmem_shared>>)
      tpu.yield
    }) : () -> ()
    %add3A_15 = arith.constant 416 : i32
    %add3A_16 = arith.addi %mul3A_6, %add3A_15 : i32
    "tpu.region"() ({
      %run_scoped3A_42 = tpu.sem_alloc : memref<!tpu.dma_semaphore, #tpu.memory_space<semaphore_mem>>
      %dma_start3A = arith.constant 0 : i32
      %dma_start3A_43 = tpu.memref_slice %arg4[%add3A_16, %dma_start3A] : memref<10256x128xf32, #tpu.memory_space<vmem_shared>> -> memref<104x128xf32, #tpu.memory_space<vmem_shared>>
      %dma_start3A_44 = arith.constant 0 : i32
      %dma_start3A_45 = tpu.memref_slice %arg4[%add3A_16, %dma_start3A_44] : memref<10256x128xf32, #tpu.memory_space<vmem_shared>> -> memref<104x128xf32, #tpu.memory_space<vmem_shared>>
      tpu.enqueue_dma source(%arg7 : memref<104x128xf32, #tpu.memory_space<vmem>>) target(%dma_start3A_45 : memref<104x128xf32, #tpu.memory_space<vmem_shared>>) target_semaphore(%run_scoped3A_42 : memref<!tpu.dma_semaphore, #tpu.memory_space<semaphore_mem>>)
      %dma_wait3A = arith.constant 0 : i32
      %dma_wait3A_46 = tpu.memref_slice %arg4[%add3A_16, %dma_wait3A] : memref<10256x128xf32, #tpu.memory_space<vmem_shared>> -> memref<104x128xf32, #tpu.memory_space<vmem_shared>>
      %dma_wait3A_47 = arith.constant 0 : i32
      %dma_wait3A_48 = tpu.memref_slice %arg4[%add3A_16, %dma_wait3A_47] : memref<10256x128xf32, #tpu.memory_space<vmem_shared>> -> memref<104x128xf32, #tpu.memory_space<vmem_shared>>
      tpu.wait_dma2 semaphore(%run_scoped3A_42 : memref<!tpu.dma_semaphore, #tpu.memory_space<semaphore_mem>>) src(%arg7 : memref<104x128xf32, #tpu.memory_space<vmem>>) dst(%dma_wait3A_48 : memref<104x128xf32, #tpu.memory_space<vmem_shared>>)
      tpu.yield
    }) : () -> ()
    %add3A_17 = arith.constant 520 : i32
    %add3A_18 = arith.addi %mul3A_6, %add3A_17 : i32
    "tpu.region"() ({
      %run_scoped3A_42 = tpu.sem_alloc : memref<!tpu.dma_semaphore, #tpu.memory_space<semaphore_mem>>
      %dma_start3A = arith.constant 0 : i32
      %dma_start3A_43 = tpu.memref_slice %arg4[%add3A_18, %dma_start3A] : memref<10256x128xf32, #tpu.memory_space<vmem_shared>> -> memref<104x128xf32, #tpu.memory_space<vmem_shared>>
      %dma_start3A_44 = arith.constant 0 : i32
      %dma_start3A_45 = tpu.memref_slice %arg4[%add3A_18, %dma_start3A_44] : memref<10256x128xf32, #tpu.memory_space<vmem_shared>> -> memref<104x128xf32, #tpu.memory_space<vmem_shared>>
      tpu.enqueue_dma source(%arg7 : memref<104x128xf32, #tpu.memory_space<vmem>>) target(%dma_start3A_45 : memref<104x128xf32, #tpu.memory_space<vmem_shared>>) target_semaphore(%run_scoped3A_42 : memref<!tpu.dma_semaphore, #tpu.memory_space<semaphore_mem>>)
      %dma_wait3A = arith.constant 0 : i32
      %dma_wait3A_46 = tpu.memref_slice %arg4[%add3A_18, %dma_wait3A] : memref<10256x128xf32, #tpu.memory_space<vmem_shared>> -> memref<104x128xf32, #tpu.memory_space<vmem_shared>>
      %dma_wait3A_47 = arith.constant 0 : i32
      %dma_wait3A_48 = tpu.memref_slice %arg4[%add3A_18, %dma_wait3A_47] : memref<10256x128xf32, #tpu.memory_space<vmem_shared>> -> memref<104x128xf32, #tpu.memory_space<vmem_shared>>
      tpu.wait_dma2 semaphore(%run_scoped3A_42 : memref<!tpu.dma_semaphore, #tpu.memory_space<semaphore_mem>>) src(%arg7 : memref<104x128xf32, #tpu.memory_space<vmem>>) dst(%dma_wait3A_48 : memref<104x128xf32, #tpu.memory_space<vmem_shared>>)
      tpu.yield
    }) : () -> ()
    %eq3A = arith.constant 0 : i32
    %eq3A_19 = arith.cmpi eq, %arg1, %eq3A : i32
    %convert_element_type3A = arith.extui %eq3A_19 : i1 to i32
    %cond3A = arith.constant 0 : i32
    %cond3A_20 = arith.cmpi ne, %convert_element_type3A, %cond3A : i32
    scf.if %cond3A_20 {
      "tpu.region"() ({
        %run_scoped3A_42 = tpu.sem_alloc : memref<!tpu.dma_semaphore, #tpu.memory_space<semaphore_mem>>
        %dma_start3A = arith.constant 0 : i32
        %dma_start3A_43 = arith.constant 0 : i32
        %dma_start3A_44 = tpu.memref_slice %arg7[%dma_start3A, %dma_start3A_43] : memref<104x128xf32, #tpu.memory_space<vmem>> -> memref<16x128xf32, #tpu.memory_space<vmem>>
        %dma_start3A_45 = arith.constant 9984 : i32
        %dma_start3A_46 = arith.constant 0 : i32
        %dma_start3A_47 = tpu.memref_slice %arg4[%dma_start3A_45, %dma_start3A_46] : memref<10256x128xf32, #tpu.memory_space<vmem_shared>> -> memref<16x128xf32, #tpu.memory_space<vmem_shared>>
        %dma_start3A_48 = arith.constant 9984 : i32
        %dma_start3A_49 = arith.constant 0 : i32
        %dma_start3A_50 = tpu.memref_slice %arg4[%dma_start3A_48, %dma_start3A_49] : memref<10256x128xf32, #tpu.memory_space<vmem_shared>> -> memref<16x128xf32, #tpu.memory_space<vmem_shared>>
        %dma_start3A_51 = arith.constant 0 : i32
        %dma_start3A_52 = arith.constant 0 : i32
        %dma_start3A_53 = tpu.memref_slice %arg7[%dma_start3A_51, %dma_start3A_52] : memref<104x128xf32, #tpu.memory_space<vmem>> -> memref<16x128xf32, #tpu.memory_space<vmem>>
        tpu.enqueue_dma source(%dma_start3A_53 : memref<16x128xf32, #tpu.memory_space<vmem>>) target(%dma_start3A_50 : memref<16x128xf32, #tpu.memory_space<vmem_shared>>) target_semaphore(%run_scoped3A_42 : memref<!tpu.dma_semaphore, #tpu.memory_space<semaphore_mem>>)
        %dma_wait3A = arith.constant 0 : i32
        %dma_wait3A_54 = arith.constant 0 : i32
        %dma_wait3A_55 = tpu.memref_slice %arg7[%dma_wait3A, %dma_wait3A_54] : memref<104x128xf32, #tpu.memory_space<vmem>> -> memref<16x128xf32, #tpu.memory_space<vmem>>
        %dma_wait3A_56 = arith.constant 9984 : i32
        %dma_wait3A_57 = arith.constant 0 : i32
        %dma_wait3A_58 = tpu.memref_slice %arg4[%dma_wait3A_56, %dma_wait3A_57] : memref<10256x128xf32, #tpu.memory_space<vmem_shared>> -> memref<16x128xf32, #tpu.memory_space<vmem_shared>>
        %dma_wait3A_59 = arith.constant 9984 : i32
        %dma_wait3A_60 = arith.constant 0 : i32
        %dma_wait3A_61 = tpu.memref_slice %arg4[%dma_wait3A_59, %dma_wait3A_60] : memref<10256x128xf32, #tpu.memory_space<vmem_shared>> -> memref<16x128xf32, #tpu.memory_space<vmem_shared>>
        %dma_wait3A_62 = arith.constant 0 : i32
        %dma_wait3A_63 = arith.constant 0 : i32
        %dma_wait3A_64 = tpu.memref_slice %arg7[%dma_wait3A_62, %dma_wait3A_63] : memref<104x128xf32, #tpu.memory_space<vmem>> -> memref<16x128xf32, #tpu.memory_space<vmem>>
        tpu.wait_dma2 semaphore(%run_scoped3A_42 : memref<!tpu.dma_semaphore, #tpu.memory_space<semaphore_mem>>) src(%dma_wait3A_64 : memref<16x128xf32, #tpu.memory_space<vmem>>) dst(%dma_wait3A_61 : memref<16x128xf32, #tpu.memory_space<vmem_shared>>)
        tpu.yield
      }) : () -> ()
    } else {
    }
    %scan3A_21 = arith.constant 0 : i32
    %scan3A_22 = arith.constant 128 : i32
    %scan3A_23 = arith.addi %scan3A_21, %scan3A_22 : i32
    %scan3A_24 = arith.constant 1 : i32
    scf.for %scan3A_42 = %scan3A_21 to %scan3A_23 step %scan3A_24  : i32 {
      %broadcast_in_dim3A = arith.constant 1.000000e+00 : f32
      %broadcast_in_dim3A_43 = vector.broadcast %broadcast_in_dim3A : f32 to vector<16xf32>
      %swap3A = arith.constant 0 : i32
      %swap3A_44 = arith.index_cast %swap3A : i32 to index
      %swap3A_45 = arith.index_cast %scan3A_42 : i32 to index
      %swap3A_46 = arith.constant 0 : index
      %swap3A_47 = tpu.vector_load %arg6[%swap3A_44, %swap3A_45, %swap3A_46] {strides = array<i32>} : memref<2x128x128xf32, #tpu.memory_space<vmem>>, vector<1x1x16xf32>,
      %swap3A_48 = vector.shape_cast %swap3A_47 : vector<1x1x16xf32> to vector<16xf32>
      %swap3A_49 = vector.shape_cast %broadcast_in_dim3A_43 : vector<16xf32> to vector<1x1x16xf32>
      tpu.vector_store %arg6[%swap3A_44, %swap3A_45, %swap3A_46], %swap3A_49 {strides = array<i32>} : memref<2x128x128xf32, #tpu.memory_space<vmem>>, vector<1x1x16xf32>,
      %broadcast_in_dim3A_50 = arith.constant 1.000000e+00 : f32
      %broadcast_in_dim3A_51 = vector.broadcast %broadcast_in_dim3A_50 : f32 to vector<16xf32>
      %swap3A_52 = arith.constant 0 : i32
      %swap3A_53 = arith.index_cast %swap3A_52 : i32 to index
      %swap3A_54 = arith.index_cast %scan3A_42 : i32 to index
      %swap3A_55 = arith.constant 16 : index
      %swap3A_56 = tpu.vector_load %arg6[%swap3A_53, %swap3A_54, %swap3A_55] {strides = array<i32>} : memref<2x128x128xf32, #tpu.memory_space<vmem>>, vector<1x1x16xf32>,
      %swap3A_57 = vector.shape_cast %swap3A_56 : vector<1x1x16xf32> to vector<16xf32>
      %swap3A_58 = vector.shape_cast %broadcast_in_dim3A_51 : vector<16xf32> to vector<1x1x16xf32>
      tpu.vector_store %arg6[%swap3A_53, %swap3A_54, %swap3A_55], %swap3A_58 {strides = array<i32>} : memref<2x128x128xf32, #tpu.memory_space<vmem>>, vector<1x1x16xf32>,
      %broadcast_in_dim3A_59 = arith.constant 1.000000e+00 : f32
      %broadcast_in_dim3A_60 = vector.broadcast %broadcast_in_dim3A_59 : f32 to vector<16xf32>
      %swap3A_61 = arith.constant 0 : i32
      %swap3A_62 = arith.index_cast %swap3A_61 : i32 to index
      %swap3A_63 = arith.index_cast %scan3A_42 : i32 to index
      %swap3A_64 = arith.constant 32 : index
      %swap3A_65 = tpu.vector_load %arg6[%swap3A_62, %swap3A_63, %swap3A_64] {strides = array<i32>} : memref<2x128x128xf32, #tpu.memory_space<vmem>>, vector<1x1x16xf32>,
      %swap3A_66 = vector.shape_cast %swap3A_65 : vector<1x1x16xf32> to vector<16xf32>
      %swap3A_67 = vector.shape_cast %broadcast_in_dim3A_60 : vector<16xf32> to vector<1x1x16xf32>
      tpu.vector_store %arg6[%swap3A_62, %swap3A_63, %swap3A_64], %swap3A_67 {strides = array<i32>} : memref<2x128x128xf32, #tpu.memory_space<vmem>>, vector<1x1x16xf32>,
      %broadcast_in_dim3A_68 = arith.constant 1.000000e+00 : f32
      %broadcast_in_dim3A_69 = vector.broadcast %broadcast_in_dim3A_68 : f32 to vector<16xf32>
      %swap3A_70 = arith.constant 0 : i32
      %swap3A_71 = arith.index_cast %swap3A_70 : i32 to index
      %swap3A_72 = arith.index_cast %scan3A_42 : i32 to index
      %swap3A_73 = arith.constant 48 : index
      %swap3A_74 = tpu.vector_load %arg6[%swap3A_71, %swap3A_72, %swap3A_73] {strides = array<i32>} : memref<2x128x128xf32, #tpu.memory_space<vmem>>, vector<1x1x16xf32>,
      %swap3A_75 = vector.shape_cast %swap3A_74 : vector<1x1x16xf32> to vector<16xf32>
      %swap3A_76 = vector.shape_cast %broadcast_in_dim3A_69 : vector<16xf32> to vector<1x1x16xf32>
      tpu.vector_store %arg6[%swap3A_71, %swap3A_72, %swap3A_73], %swap3A_76 {strides = array<i32>} : memref<2x128x128xf32, #tpu.memory_space<vmem>>, vector<1x1x16xf32>,
      %broadcast_in_dim3A_77 = arith.constant 1.000000e+00 : f32
      %broadcast_in_dim3A_78 = vector.broadcast %broadcast_in_dim3A_77 : f32 to vector<16xf32>
      %swap3A_79 = arith.constant 0 : i32
      %swap3A_80 = arith.index_cast %swap3A_79 : i32 to index
      %swap3A_81 = arith.index_cast %scan3A_42 : i32 to index
      %swap3A_82 = arith.constant 64 : index
      %swap3A_83 = tpu.vector_load %arg6[%swap3A_80, %swap3A_81, %swap3A_82] {strides = array<i32>} : memref<2x128x128xf32, #tpu.memory_space<vmem>>, vector<1x1x16xf32>,
      %swap3A_84 = vector.shape_cast %swap3A_83 : vector<1x1x16xf32> to vector<16xf32>
      %swap3A_85 = vector.shape_cast %broadcast_in_dim3A_78 : vector<16xf32> to vector<1x1x16xf32>
      tpu.vector_store %arg6[%swap3A_80, %swap3A_81, %swap3A_82], %swap3A_85 {strides = array<i32>} : memref<2x128x128xf32, #tpu.memory_space<vmem>>, vector<1x1x16xf32>,
      %broadcast_in_dim3A_86 = arith.constant 1.000000e+00 : f32
      %broadcast_in_dim3A_87 = vector.broadcast %broadcast_in_dim3A_86 : f32 to vector<16xf32>
      %swap3A_88 = arith.constant 0 : i32
      %swap3A_89 = arith.index_cast %swap3A_88 : i32 to index
      %swap3A_90 = arith.index_cast %scan3A_42 : i32 to index
      %swap3A_91 = arith.constant 80 : index
      %swap3A_92 = tpu.vector_load %arg6[%swap3A_89, %swap3A_90, %swap3A_91] {strides = array<i32>} : memref<2x128x128xf32, #tpu.memory_space<vmem>>, vector<1x1x16xf32>,
      %swap3A_93 = vector.shape_cast %swap3A_92 : vector<1x1x16xf32> to vector<16xf32>
      %swap3A_94 = vector.shape_cast %broadcast_in_dim3A_87 : vector<16xf32> to vector<1x1x16xf32>
      tpu.vector_store %arg6[%swap3A_89, %swap3A_90, %swap3A_91], %swap3A_94 {strides = array<i32>} : memref<2x128x128xf32, #tpu.memory_space<vmem>>, vector<1x1x16xf32>,
      %broadcast_in_dim3A_95 = arith.constant 1.000000e+00 : f32
      %broadcast_in_dim3A_96 = vector.broadcast %broadcast_in_dim3A_95 : f32 to vector<16xf32>
      %swap3A_97 = arith.constant 0 : i32
      %swap3A_98 = arith.index_cast %swap3A_97 : i32 to index
      %swap3A_99 = arith.index_cast %scan3A_42 : i32 to index
      %swap3A_100 = arith.constant 96 : index
      %swap3A_101 = tpu.vector_load %arg6[%swap3A_98, %swap3A_99, %swap3A_100] {strides = array<i32>} : memref<2x128x128xf32, #tpu.memory_space<vmem>>, vector<1x1x16xf32>,
      %swap3A_102 = vector.shape_cast %swap3A_101 : vector<1x1x16xf32> to vector<16xf32>
      %swap3A_103 = vector.shape_cast %broadcast_in_dim3A_96 : vector<16xf32> to vector<1x1x16xf32>
      tpu.vector_store %arg6[%swap3A_98, %swap3A_99, %swap3A_100], %swap3A_103 {strides = array<i32>} : memref<2x128x128xf32, #tpu.memory_space<vmem>>, vector<1x1x16xf32>,
      %broadcast_in_dim3A_104 = arith.constant 1.000000e+00 : f32
      %broadcast_in_dim3A_105 = vector.broadcast %broadcast_in_dim3A_104 : f32 to vector<16xf32>
      %swap3A_106 = arith.constant 0 : i32
      %swap3A_107 = arith.index_cast %swap3A_106 : i32 to index
      %swap3A_108 = arith.index_cast %scan3A_42 : i32 to index
      %swap3A_109 = arith.constant 112 : index
      %swap3A_110 = tpu.vector_load %arg6[%swap3A_107, %swap3A_108, %swap3A_109] {strides = array<i32>} : memref<2x128x128xf32, #tpu.memory_space<vmem>>, vector<1x1x16xf32>,
      %swap3A_111 = vector.shape_cast %swap3A_110 : vector<1x1x16xf32> to vector<16xf32>
      %swap3A_112 = vector.shape_cast %broadcast_in_dim3A_105 : vector<16xf32> to vector<1x1x16xf32>
      tpu.vector_store %arg6[%swap3A_107, %swap3A_108, %swap3A_109], %swap3A_112 {strides = array<i32>} : memref<2x128x128xf32, #tpu.memory_space<vmem>>, vector<1x1x16xf32>,
    }
    %scan3A_25 = arith.constant 128 : i32
    %barrier3A = arith.constant 0 : index
    tpu.barrier barrier_id(%barrier3A)
    %run_scoped3A = arith.constant 0 : i32
    "tpu.region"() ({
      %run_scoped3A_42 = tpu.sem_alloc : memref<!tpu.dma_semaphore, #tpu.memory_space<semaphore_mem>>
      %dma_start3A = arith.constant 0 : i32
      %dma_start3A_43 = arith.constant 0 : i32
      %dma_start3A_44 = tpu.memref_slice %arg5[%run_scoped3A, %dma_start3A, %dma_start3A_43] : memref<2x2x128xi32, #tpu.memory_space<vmem>> -> memref<1x2x128xi32, #tpu.memory_space<vmem>>
      %dma_start3A_45 = tpu.memref_squeeze %dma_start3A_44 : memref<1x2x128xi32, #tpu.memory_space<vmem>> -> memref<2x128xi32, #tpu.memory_space<vmem>>
      %dma_start3A_46 = arith.constant 0 : i32
      %dma_start3A_47 = arith.constant 0 : i32
      %dma_start3A_48 = tpu.memref_slice %arg2[%add3A, %dma_start3A_46, %dma_start3A_47] : memref<2560x2x128xi32, #tpu.memory_space<hbm>> -> memref<1x2x128xi32, #tpu.memory_space<hbm>>
      %dma_start3A_49 = tpu.memref_squeeze %dma_start3A_48 : memref<1x2x128xi32, #tpu.memory_space<hbm>> -> memref<2x128xi32, #tpu.memory_space<hbm>>
      %dma_start3A_50 = arith.constant 0 : i32
      %dma_start3A_51 = arith.constant 0 : i32
      %dma_start3A_52 = tpu.memref_slice %arg5[%run_scoped3A, %dma_start3A_50, %dma_start3A_51] : memref<2x2x128xi32, #tpu.memory_space<vmem>> -> memref<1x2x128xi32, #tpu.memory_space<vmem>>
      %dma_start3A_53 = tpu.memref_squeeze %dma_start3A_52 : memref<1x2x128xi32, #tpu.memory_space<vmem>> -> memref<2x128xi32, #tpu.memory_space<vmem>>
      %dma_start3A_54 = arith.constant 0 : i32
      %dma_start3A_55 = arith.constant 0 : i32
      %dma_start3A_56 = tpu.memref_slice %arg2[%add3A, %dma_start3A_54, %dma_start3A_55] : memref<2560x2x128xi32, #tpu.memory_space<hbm>> -> memref<1x2x128xi32, #tpu.memory_space<hbm>>
      %dma_start3A_57 = tpu.memref_squeeze %dma_start3A_56 : memref<1x2x128xi32, #tpu.memory_space<hbm>> -> memref<2x128xi32, #tpu.memory_space<hbm>>
      tpu.enqueue_dma source(%dma_start3A_57 : memref<2x128xi32, #tpu.memory_space<hbm>>) target(%dma_start3A_53 : memref<2x128xi32, #tpu.memory_space<vmem>>) target_semaphore(%run_scoped3A_42 : memref<!tpu.dma_semaphore, #tpu.memory_space<semaphore_mem>>)
      %dma_wait3A = arith.constant 0 : i32
      %dma_wait3A_58 = arith.constant 0 : i32
      %dma_wait3A_59 = tpu.memref_slice %arg5[%run_scoped3A, %dma_wait3A, %dma_wait3A_58] : memref<2x2x128xi32, #tpu.memory_space<vmem>> -> memref<1x2x128xi32, #tpu.memory_space<vmem>>
      %dma_wait3A_60 = tpu.memref_squeeze %dma_wait3A_59 : memref<1x2x128xi32, #tpu.memory_space<vmem>> -> memref<2x128xi32, #tpu.memory_space<vmem>>
      %dma_wait3A_61 = arith.constant 0 : i32
      %dma_wait3A_62 = arith.constant 0 : i32
      %dma_wait3A_63 = tpu.memref_slice %arg2[%add3A, %dma_wait3A_61, %dma_wait3A_62] : memref<2560x2x128xi32, #tpu.memory_space<hbm>> -> memref<1x2x128xi32, #tpu.memory_space<hbm>>
      %dma_wait3A_64 = tpu.memref_squeeze %dma_wait3A_63 : memref<1x2x128xi32, #tpu.memory_space<hbm>> -> memref<2x128xi32, #tpu.memory_space<hbm>>
      %dma_wait3A_65 = arith.constant 0 : i32
      %dma_wait3A_66 = arith.constant 0 : i32
      %dma_wait3A_67 = tpu.memref_slice %arg5[%run_scoped3A, %dma_wait3A_65, %dma_wait3A_66] : memref<2x2x128xi32, #tpu.memory_space<vmem>> -> memref<1x2x128xi32, #tpu.memory_space<vmem>>
      %dma_wait3A_68 = tpu.memref_squeeze %dma_wait3A_67 : memref<1x2x128xi32, #tpu.memory_space<vmem>> -> memref<2x128xi32, #tpu.memory_space<vmem>>
      %dma_wait3A_69 = arith.constant 0 : i32
      %dma_wait3A_70 = arith.constant 0 : i32
      %dma_wait3A_71 = tpu.memref_slice %arg2[%add3A, %dma_wait3A_69, %dma_wait3A_70] : memref<2560x2x128xi32, #tpu.memory_space<hbm>> -> memref<1x2x128xi32, #tpu.memory_space<hbm>>
      %dma_wait3A_72 = tpu.memref_squeeze %dma_wait3A_71 : memref<1x2x128xi32, #tpu.memory_space<hbm>> -> memref<2x128xi32, #tpu.memory_space<hbm>>
      tpu.wait_dma2 semaphore(%run_scoped3A_42 : memref<!tpu.dma_semaphore, #tpu.memory_space<semaphore_mem>>) src(%dma_wait3A_72 : memref<2x128xi32, #tpu.memory_space<hbm>>) dst(%dma_wait3A_68 : memref<2x128xi32, #tpu.memory_space<vmem>>)
      tpu.yield
    }) : () -> ()
    %add3A_26 = arith.constant 32 : i32
    %add3A_27 = arith.addi %add3A, %add3A_26 : i32
    %run_scoped3A_28 = arith.constant 1 : i32
    "tpu.region"() ({
      %run_scoped3A_42 = tpu.sem_alloc : memref<!tpu.dma_semaphore, #tpu.memory_space<semaphore_mem>>
      %dma_start3A = arith.constant 0 : i32
      %dma_start3A_43 = arith.constant 0 : i32
      %dma_start3A_44 = tpu.memref_slice %arg5[%run_scoped3A_28, %dma_start3A, %dma_start3A_43] : memref<2x2x128xi32, #tpu.memory_space<vmem>> -> memref<1x2x128xi32, #tpu.memory_space<vmem>>
      %dma_start3A_45 = tpu.memref_squeeze %dma_start3A_44 : memref<1x2x128xi32, #tpu.memory_space<vmem>> -> memref<2x128xi32, #tpu.memory_space<vmem>>
      %dma_start3A_46 = arith.constant 0 : i32
      %dma_start3A_47 = arith.constant 0 : i32
      %dma_start3A_48 = tpu.memref_slice %arg2[%add3A_27, %dma_start3A_46, %dma_start3A_47] : memref<2560x2x128xi32, #tpu.memory_space<hbm>> -> memref<1x2x128xi32, #tpu.memory_space<hbm>>
      %dma_start3A_49 = tpu.memref_squeeze %dma_start3A_48 : memref<1x2x128xi32, #tpu.memory_space<hbm>> -> memref<2x128xi32, #tpu.memory_space<hbm>>
      %dma_start3A_50 = arith.constant 0 : i32
      %dma_start3A_51 = arith.constant 0 : i32
      %dma_start3A_52 = tpu.memref_slice %arg5[%run_scoped3A_28, %dma_start3A_50, %dma_start3A_51] : memref<2x2x128xi32, #tpu.memory_space<vmem>> -> memref<1x2x128xi32, #tpu.memory_space<vmem>>
      %dma_start3A_53 = tpu.memref_squeeze %dma_start3A_52 : memref<1x2x128xi32, #tpu.memory_space<vmem>> -> memref<2x128xi32, #tpu.memory_space<vmem>>
      %dma_start3A_54 = arith.constant 0 : i32
      %dma_start3A_55 = arith.constant 0 : i32
      %dma_start3A_56 = tpu.memref_slice %arg2[%add3A_27, %dma_start3A_54, %dma_start3A_55] : memref<2560x2x128xi32, #tpu.memory_space<hbm>> -> memref<1x2x128xi32, #tpu.memory_space<hbm>>
      %dma_start3A_57 = tpu.memref_squeeze %dma_start3A_56 : memref<1x2x128xi32, #tpu.memory_space<hbm>> -> memref<2x128xi32, #tpu.memory_space<hbm>>
      tpu.enqueue_dma source(%dma_start3A_57 : memref<2x128xi32, #tpu.memory_space<hbm>>) target(%dma_start3A_53 : memref<2x128xi32, #tpu.memory_space<vmem>>) target_semaphore(%run_scoped3A_42 : memref<!tpu.dma_semaphore, #tpu.memory_space<semaphore_mem>>)
      %dma_wait3A = arith.constant 0 : i32
      %dma_wait3A_58 = arith.constant 0 : i32
      %dma_wait3A_59 = tpu.memref_slice %arg5[%run_scoped3A_28, %dma_wait3A, %dma_wait3A_58] : memref<2x2x128xi32, #tpu.memory_space<vmem>> -> memref<1x2x128xi32, #tpu.memory_space<vmem>>
      %dma_wait3A_60 = tpu.memref_squeeze %dma_wait3A_59 : memref<1x2x128xi32, #tpu.memory_space<vmem>> -> memref<2x128xi32, #tpu.memory_space<vmem>>
      %dma_wait3A_61 = arith.constant 0 : i32
      %dma_wait3A_62 = arith.constant 0 : i32
      %dma_wait3A_63 = tpu.memref_slice %arg2[%add3A_27, %dma_wait3A_61, %dma_wait3A_62] : memref<2560x2x128xi32, #tpu.memory_space<hbm>> -> memref<1x2x128xi32, #tpu.memory_space<hbm>>
      %dma_wait3A_64 = tpu.memref_squeeze %dma_wait3A_63 : memref<1x2x128xi32, #tpu.memory_space<hbm>> -> memref<2x128xi32, #tpu.memory_space<hbm>>
      %dma_wait3A_65 = arith.constant 0 : i32
      %dma_wait3A_66 = arith.constant 0 : i32
      %dma_wait3A_67 = tpu.memref_slice %arg5[%run_scoped3A_28, %dma_wait3A_65, %dma_wait3A_66] : memref<2x2x128xi32, #tpu.memory_space<vmem>> -> memref<1x2x128xi32, #tpu.memory_space<vmem>>
      %dma_wait3A_68 = tpu.memref_squeeze %dma_wait3A_67 : memref<1x2x128xi32, #tpu.memory_space<vmem>> -> memref<2x128xi32, #tpu.memory_space<vmem>>
      %dma_wait3A_69 = arith.constant 0 : i32
      %dma_wait3A_70 = arith.constant 0 : i32
      %dma_wait3A_71 = tpu.memref_slice %arg2[%add3A_27, %dma_wait3A_69, %dma_wait3A_70] : memref<2560x2x128xi32, #tpu.memory_space<hbm>> -> memref<1x2x128xi32, #tpu.memory_space<hbm>>
      %dma_wait3A_72 = tpu.memref_squeeze %dma_wait3A_71 : memref<1x2x128xi32, #tpu.memory_space<hbm>> -> memref<2x128xi32, #tpu.memory_space<hbm>>
      tpu.wait_dma2 semaphore(%run_scoped3A_42 : memref<!tpu.dma_semaphore, #tpu.memory_space<semaphore_mem>>) src(%dma_wait3A_72 : memref<2x128xi32, #tpu.memory_space<hbm>>) dst(%dma_wait3A_68 : memref<2x128xi32, #tpu.memory_space<vmem>>)
      tpu.yield
    }) : () -> ()
    %scan3A_29 = arith.constant 0 : i32
    %scan3A_30 = arith.constant 40 : i32
    %scan3A_31 = arith.addi %scan3A_29, %scan3A_30 : i32
    %scan3A_32 = arith.constant 1 : i32
    scf.for %scan3A_42 = %scan3A_29 to %scan3A_31 step %scan3A_32  : i32 {
      %mul3A_43 = arith.constant 2 : i32
      %mul3A_44 = arith.muli %scan3A_42, %mul3A_43 : i32
      %add3A_45 = arith.constant 0 : i32
      %add3A_46 = arith.addi %mul3A_44, %add3A_45 : i32
      %ge3A = arith.constant 2 : i32
      %ge3A_47 = arith.cmpi sge, %add3A_46, %ge3A : i32
      %convert_element_type3A_48 = arith.extui %ge3A_47 : i1 to i32
      %cond3A_49 = arith.constant 0 : i32
      %cond3A_50 = arith.cmpi ne, %convert_element_type3A_48, %cond3A_49 : i32
      scf.if %cond3A_50 {
        %dma_wait3A = arith.constant 0 : i32
        %dma_wait3A_77 = arith.constant 0 : i32
        %dma_wait3A_78 = arith.constant 0 : i32
        %dma_wait3A_79 = tpu.memref_slice %arg5[%dma_wait3A, %dma_wait3A_77, %dma_wait3A_78] : memref<2x2x128xi32, #tpu.memory_space<vmem>> -> memref<1x2x128xi32, #tpu.memory_space<vmem>>
        %dma_wait3A_80 = tpu.memref_squeeze %dma_wait3A_79 : memref<1x2x128xi32, #tpu.memory_space<vmem>> -> memref<2x128xi32, #tpu.memory_space<vmem>>
        %dma_wait3A_81 = arith.constant 0 : i32
        %dma_wait3A_82 = arith.constant 0 : i32
        %dma_wait3A_83 = tpu.memref_slice %arg2[%add3A, %dma_wait3A_81, %dma_wait3A_82] : memref<2560x2x128xi32, #tpu.memory_space<hbm>> -> memref<1x2x128xi32, #tpu.memory_space<hbm>>
        %dma_wait3A_84 = tpu.memref_squeeze %dma_wait3A_83 : memref<1x2x128xi32, #tpu.memory_space<hbm>> -> memref<2x128xi32, #tpu.memory_space<hbm>>
        %dma_wait3A_85 = arith.constant 0 : i32
        %dma_wait3A_86 = arith.constant 0 : i32
        %dma_wait3A_87 = tpu.memref_slice %arg5[%dma_wait3A, %dma_wait3A_85, %dma_wait3A_86] : memref<2x2x128xi32, #tpu.memory_space<vmem>> -> memref<1x2x128xi32, #tpu.memory_space<vmem>>
        %dma_wait3A_88 = tpu.memref_squeeze %dma_wait3A_87 : memref<1x2x128xi32, #tpu.memory_space<vmem>> -> memref<2x128xi32, #tpu.memory_space<vmem>>
        %dma_wait3A_89 = arith.constant 0 : i32
        %dma_wait3A_90 = arith.constant 0 : i32
        %dma_wait3A_91 = tpu.memref_slice %arg2[%add3A, %dma_wait3A_89, %dma_wait3A_90] : memref<2560x2x128xi32, #tpu.memory_space<hbm>> -> memref<1x2x128xi32, #tpu.memory_space<hbm>>
        %dma_wait3A_92 = tpu.memref_squeeze %dma_wait3A_91 : memref<1x2x128xi32, #tpu.memory_space<hbm>> -> memref<2x128xi32, #tpu.memory_space<hbm>>
        tpu.wait_dma2 semaphore(%arg8 : memref<!tpu.dma_semaphore, #tpu.memory_space<semaphore_mem>>) src(%dma_wait3A_92 : memref<2x128xi32, #tpu.memory_space<hbm>>) dst(%dma_wait3A_88 : memref<2x128xi32, #tpu.memory_space<vmem>>)
      } else {
      }
      %run_scoped3A_51 = arith.constant 0 : i32
      %run_scoped3A_52 = arith.constant 0 : i32
      %run_scoped3A_53 = arith.constant 1 : i32
      "tpu.region"() ({
        %run_scoped3A_77 = tpu.sem_alloc : memref<!tpu.dma_semaphore, #tpu.memory_space<semaphore_mem>>
        %dma_start3A = arith.constant 0 : i32
        %dma_start3A_78 = arith.constant 0 : i32
        %dma_start3A_79 = tpu.memref_slice %arg6[%run_scoped3A_51, %dma_start3A, %dma_start3A_78] : memref<2x128x128xf32, #tpu.memory_space<vmem>> -> memref<1x128x128xf32, #tpu.memory_space<vmem>>
        %dma_start3A_80 = tpu.memref_squeeze %dma_start3A_79 : memref<1x128x128xf32, #tpu.memory_space<vmem>> -> memref<128x128xf32, #tpu.memory_space<vmem>>
        %dma_start3A_81 = arith.constant 0 : i32
        %dma_start3A_82 = tpu.memref_slice %arg5[%run_scoped3A_52, %run_scoped3A_53, %dma_start3A_81] : memref<2x2x128xi32, #tpu.memory_space<vmem>> -> memref<1x1x128xi32, #tpu.memory_space<vmem>>
        %dma_start3A_83 = tpu.memref_squeeze %dma_start3A_82 : memref<1x1x128xi32, #tpu.memory_space<vmem>> -> memref<128xi32, #tpu.memory_space<vmem>>
        %dma_start3A_84 = arith.constant 0 : i32
        %dma_start3A_85 = arith.constant 0 : i32
        %dma_start3A_86 = tpu.memref_slice %arg4[%dma_start3A_84, %dma_start3A_85] : memref<10256x128xf32, #tpu.memory_space<vmem_shared>> -> memref<10256x128xf32, #tpu.memory_space<vmem_shared>>
        tpu.enqueue_indirect_dma source(%dma_start3A_80 : memref<128x128xf32, #tpu.memory_space<vmem>>) target(%dma_start3A_86 : memref<10256x128xf32, #tpu.memory_space<vmem_shared>>) offsets(%dma_start3A_83 : memref<128xi32, #tpu.memory_space<vmem>>) semaphore(%run_scoped3A_77 : memref<!tpu.dma_semaphore, #tpu.memory_space<semaphore_mem>>) {add = true}
        %dma_wait3A = arith.constant 0 : i32
        %dma_wait3A_87 = arith.constant 0 : i32
        %dma_wait3A_88 = tpu.memref_slice %arg6[%run_scoped3A_51, %dma_wait3A, %dma_wait3A_87] : memref<2x128x128xf32, #tpu.memory_space<vmem>> -> memref<1x128x128xf32, #tpu.memory_space<vmem>>
        %dma_wait3A_89 = tpu.memref_squeeze %dma_wait3A_88 : memref<1x128x128xf32, #tpu.memory_space<vmem>> -> memref<128x128xf32, #tpu.memory_space<vmem>>
        %dma_wait3A_90 = arith.constant 0 : i32
        %dma_wait3A_91 = tpu.memref_slice %arg5[%run_scoped3A_52, %run_scoped3A_53, %dma_wait3A_90] : memref<2x2x128xi32, #tpu.memory_space<vmem>> -> memref<1x1x128xi32, #tpu.memory_space<vmem>>
        %dma_wait3A_92 = tpu.memref_squeeze %dma_wait3A_91 : memref<1x1x128xi32, #tpu.memory_space<vmem>> -> memref<128xi32, #tpu.memory_space<vmem>>
        %dma_wait3A_93 = arith.constant 0 : i32
        %dma_wait3A_94 = arith.constant 0 : i32
        %dma_wait3A_95 = tpu.memref_slice %arg4[%dma_wait3A_93, %dma_wait3A_94] : memref<10256x128xf32, #tpu.memory_space<vmem_shared>> -> memref<10256x128xf32, #tpu.memory_space<vmem_shared>>
        tpu.wait_indirect_dma semaphore(%run_scoped3A_77 : memref<!tpu.dma_semaphore, #tpu.memory_space<semaphore_mem>>) src(%dma_wait3A_89 : memref<128x128xf32, #tpu.memory_space<vmem>>) dst(%dma_wait3A_95 : memref<10256x128xf32, #tpu.memory_space<vmem_shared>>)
        tpu.yield
      }) : () -> ()
      %add3A_54 = arith.constant 2 : i32
      %add3A_55 = arith.addi %add3A_46, %add3A_54 : i32
      %lt3A = arith.constant 80 : i32
      %lt3A_56 = arith.cmpi slt, %add3A_55, %lt3A : i32
      %convert_element_type3A_57 = arith.extui %lt3A_56 : i1 to i32
      %cond3A_58 = arith.constant 0 : i32
      %cond3A_59 = arith.cmpi ne, %convert_element_type3A_57, %cond3A_58 : i32
      scf.if %cond3A_59 {
        %add3A_77 = arith.constant 2 : i32
        %add3A_78 = arith.addi %add3A_46, %add3A_77 : i32
        %mul3A_79 = arith.constant 32 : i32
        %mul3A_80 = arith.muli %add3A_78, %mul3A_79 : i32
        %add3A_81 = arith.addi %add3A, %mul3A_80 : i32
        %dma_start3A = arith.constant 0 : i32
        %dma_start3A_82 = arith.constant 0 : i32
        %dma_start3A_83 = arith.constant 0 : i32
        %dma_start3A_84 = tpu.memref_slice %arg5[%dma_start3A, %dma_start3A_82, %dma_start3A_83] : memref<2x2x128xi32, #tpu.memory_space<vmem>> -> memref<1x2x128xi32, #tpu.memory_space<vmem>>
        %dma_start3A_85 = tpu.memref_squeeze %dma_start3A_84 : memref<1x2x128xi32, #tpu.memory_space<vmem>> -> memref<2x128xi32, #tpu.memory_space<vmem>>
        %dma_start3A_86 = arith.constant 0 : i32
        %dma_start3A_87 = arith.constant 0 : i32
        %dma_start3A_88 = tpu.memref_slice %arg2[%add3A_81, %dma_start3A_86, %dma_start3A_87] : memref<2560x2x128xi32, #tpu.memory_space<hbm>> -> memref<1x2x128xi32, #tpu.memory_space<hbm>>
        %dma_start3A_89 = tpu.memref_squeeze %dma_start3A_88 : memref<1x2x128xi32, #tpu.memory_space<hbm>> -> memref<2x128xi32, #tpu.memory_space<hbm>>
        %dma_start3A_90 = arith.constant 0 : i32
        %dma_start3A_91 = arith.constant 0 : i32
        %dma_start3A_92 = tpu.memref_slice %arg5[%dma_start3A, %dma_start3A_90, %dma_start3A_91] : memref<2x2x128xi32, #tpu.memory_space<vmem>> -> memref<1x2x128xi32, #tpu.memory_space<vmem>>
        %dma_start3A_93 = tpu.memref_squeeze %dma_start3A_92 : memref<1x2x128xi32, #tpu.memory_space<vmem>> -> memref<2x128xi32, #tpu.memory_space<vmem>>
        %dma_start3A_94 = arith.constant 0 : i32
        %dma_start3A_95 = arith.constant 0 : i32
        %dma_start3A_96 = tpu.memref_slice %arg2[%add3A_81, %dma_start3A_94, %dma_start3A_95] : memref<2560x2x128xi32, #tpu.memory_space<hbm>> -> memref<1x2x128xi32, #tpu.memory_space<hbm>>
        %dma_start3A_97 = tpu.memref_squeeze %dma_start3A_96 : memref<1x2x128xi32, #tpu.memory_space<hbm>> -> memref<2x128xi32, #tpu.memory_space<hbm>>
        tpu.enqueue_dma source(%dma_start3A_97 : memref<2x128xi32, #tpu.memory_space<hbm>>) target(%dma_start3A_93 : memref<2x128xi32, #tpu.memory_space<vmem>>) target_semaphore(%arg8 : memref<!tpu.dma_semaphore, #tpu.memory_space<semaphore_mem>>)
      } else {
      }
      %add3A_60 = arith.constant 1 : i32
      %add3A_61 = arith.addi %mul3A_44, %add3A_60 : i32
      %ge3A_62 = arith.constant 2 : i32
      %ge3A_63 = arith.cmpi sge, %add3A_61, %ge3A_62 : i32
      %convert_element_type3A_64 = arith.extui %ge3A_63 : i1 to i32
      %cond3A_65 = arith.constant 0 : i32
      %cond3A_66 = arith.cmpi ne, %convert_element_type3A_64, %cond3A_65 : i32
      scf.if %cond3A_66 {
        %dma_wait3A = arith.constant 1 : i32
        %dma_wait3A_77 = arith.constant 0 : i32
        %dma_wait3A_78 = arith.constant 0 : i32
        %dma_wait3A_79 = tpu.memref_slice %arg5[%dma_wait3A, %dma_wait3A_77, %dma_wait3A_78] : memref<2x2x128xi32, #tpu.memory_space<vmem>> -> memref<1x2x128xi32, #tpu.memory_space<vmem>>
        %dma_wait3A_80 = tpu.memref_squeeze %dma_wait3A_79 : memref<1x2x128xi32, #tpu.memory_space<vmem>> -> memref<2x128xi32, #tpu.memory_space<vmem>>
        %dma_wait3A_81 = arith.constant 0 : i32
        %dma_wait3A_82 = arith.constant 0 : i32
        %dma_wait3A_83 = tpu.memref_slice %arg2[%add3A, %dma_wait3A_81, %dma_wait3A_82] : memref<2560x2x128xi32, #tpu.memory_space<hbm>> -> memref<1x2x128xi32, #tpu.memory_space<hbm>>
        %dma_wait3A_84 = tpu.memref_squeeze %dma_wait3A_83 : memref<1x2x128xi32, #tpu.memory_space<hbm>> -> memref<2x128xi32, #tpu.memory_space<hbm>>
        %dma_wait3A_85 = arith.constant 0 : i32
        %dma_wait3A_86 = arith.constant 0 : i32
        %dma_wait3A_87 = tpu.memref_slice %arg5[%dma_wait3A, %dma_wait3A_85, %dma_wait3A_86] : memref<2x2x128xi32, #tpu.memory_space<vmem>> -> memref<1x2x128xi32, #tpu.memory_space<vmem>>
        %dma_wait3A_88 = tpu.memref_squeeze %dma_wait3A_87 : memref<1x2x128xi32, #tpu.memory_space<vmem>> -> memref<2x128xi32, #tpu.memory_space<vmem>>
        %dma_wait3A_89 = arith.constant 0 : i32
        %dma_wait3A_90 = arith.constant 0 : i32
        %dma_wait3A_91 = tpu.memref_slice %arg2[%add3A, %dma_wait3A_89, %dma_wait3A_90] : memref<2560x2x128xi32, #tpu.memory_space<hbm>> -> memref<1x2x128xi32, #tpu.memory_space<hbm>>
        %dma_wait3A_92 = tpu.memref_squeeze %dma_wait3A_91 : memref<1x2x128xi32, #tpu.memory_space<hbm>> -> memref<2x128xi32, #tpu.memory_space<hbm>>
        tpu.wait_dma2 semaphore(%arg9 : memref<!tpu.dma_semaphore, #tpu.memory_space<semaphore_mem>>) src(%dma_wait3A_92 : memref<2x128xi32, #tpu.memory_space<hbm>>) dst(%dma_wait3A_88 : memref<2x128xi32, #tpu.memory_space<vmem>>)
      } else {
      }
      %run_scoped3A_67 = arith.constant 0 : i32
      %run_scoped3A_68 = arith.constant 1 : i32
      %run_scoped3A_69 = arith.constant 1 : i32
      "tpu.region"() ({
        %run_scoped3A_77 = tpu.sem_alloc : memref<!tpu.dma_semaphore, #tpu.memory_space<semaphore_mem>>
        %dma_start3A = arith.constant 0 : i32
        %dma_start3A_78 = arith.constant 0 : i32
        %dma_start3A_79 = tpu.memref_slice %arg6[%run_scoped3A_67, %dma_start3A, %dma_start3A_78] : memref<2x128x128xf32, #tpu.memory_space<vmem>> -> memref<1x128x128xf32, #tpu.memory_space<vmem>>
        %dma_start3A_80 = tpu.memref_squeeze %dma_start3A_79 : memref<1x128x128xf32, #tpu.memory_space<vmem>> -> memref<128x128xf32, #tpu.memory_space<vmem>>
        %dma_start3A_81 = arith.constant 0 : i32
        %dma_start3A_82 = tpu.memref_slice %arg5[%run_scoped3A_68, %run_scoped3A_69, %dma_start3A_81] : memref<2x2x128xi32, #tpu.memory_space<vmem>> -> memref<1x1x128xi32, #tpu.memory_space<vmem>>
        %dma_start3A_83 = tpu.memref_squeeze %dma_start3A_82 : memref<1x1x128xi32, #tpu.memory_space<vmem>> -> memref<128xi32, #tpu.memory_space<vmem>>
        %dma_start3A_84 = arith.constant 0 : i32
        %dma_start3A_85 = arith.constant 0 : i32
        %dma_start3A_86 = tpu.memref_slice %arg4[%dma_start3A_84, %dma_start3A_85] : memref<10256x128xf32, #tpu.memory_space<vmem_shared>> -> memref<10256x128xf32, #tpu.memory_space<vmem_shared>>
        tpu.enqueue_indirect_dma source(%dma_start3A_80 : memref<128x128xf32, #tpu.memory_space<vmem>>) target(%dma_start3A_86 : memref<10256x128xf32, #tpu.memory_space<vmem_shared>>) offsets(%dma_start3A_83 : memref<128xi32, #tpu.memory_space<vmem>>) semaphore(%run_scoped3A_77 : memref<!tpu.dma_semaphore, #tpu.memory_space<semaphore_mem>>) {add = true}
        %dma_wait3A = arith.constant 0 : i32
        %dma_wait3A_87 = arith.constant 0 : i32
        %dma_wait3A_88 = tpu.memref_slice %arg6[%run_scoped3A_67, %dma_wait3A, %dma_wait3A_87] : memref<2x128x128xf32, #tpu.memory_space<vmem>> -> memref<1x128x128xf32, #tpu.memory_space<vmem>>
        %dma_wait3A_89 = tpu.memref_squeeze %dma_wait3A_88 : memref<1x128x128xf32, #tpu.memory_space<vmem>> -> memref<128x128xf32, #tpu.memory_space<vmem>>
        %dma_wait3A_90 = arith.constant 0 : i32
        %dma_wait3A_91 = tpu.memref_slice %arg5[%run_scoped3A_68, %run_scoped3A_69, %dma_wait3A_90] : memref<2x2x128xi32, #tpu.memory_space<vmem>> -> memref<1x1x128xi32, #tpu.memory_space<vmem>>
        %dma_wait3A_92 = tpu.memref_squeeze %dma_wait3A_91 : memref<1x1x128xi32, #tpu.memory_space<vmem>> -> memref<128xi32, #tpu.memory_space<vmem>>
        %dma_wait3A_93 = arith.constant 0 : i32
        %dma_wait3A_94 = arith.constant 0 : i32
        %dma_wait3A_95 = tpu.memref_slice %arg4[%dma_wait3A_93, %dma_wait3A_94] : memref<10256x128xf32, #tpu.memory_space<vmem_shared>> -> memref<10256x128xf32, #tpu.memory_space<vmem_shared>>
        tpu.wait_indirect_dma semaphore(%run_scoped3A_77 : memref<!tpu.dma_semaphore, #tpu.memory_space<semaphore_mem>>) src(%dma_wait3A_89 : memref<128x128xf32, #tpu.memory_space<vmem>>) dst(%dma_wait3A_95 : memref<10256x128xf32, #tpu.memory_space<vmem_shared>>)
        tpu.yield
      }) : () -> ()
      %add3A_70 = arith.constant 2 : i32
      %add3A_71 = arith.addi %add3A_61, %add3A_70 : i32
      %lt3A_72 = arith.constant 80 : i32
      %lt3A_73 = arith.cmpi slt, %add3A_71, %lt3A_72 : i32
      %convert_element_type3A_74 = arith.extui %lt3A_73 : i1 to i32
      %cond3A_75 = arith.constant 0 : i32
      %cond3A_76 = arith.cmpi ne, %convert_element_type3A_74, %cond3A_75 : i32
      scf.if %cond3A_76 {
        %add3A_77 = arith.constant 2 : i32
        %add3A_78 = arith.addi %add3A_61, %add3A_77 : i32
        %mul3A_79 = arith.constant 32 : i32
        %mul3A_80 = arith.muli %add3A_78, %mul3A_79 : i32
        %add3A_81 = arith.addi %add3A, %mul3A_80 : i32
        %dma_start3A = arith.constant 1 : i32
        %dma_start3A_82 = arith.constant 0 : i32
        %dma_start3A_83 = arith.constant 0 : i32
        %dma_start3A_84 = tpu.memref_slice %arg5[%dma_start3A, %dma_start3A_82, %dma_start3A_83] : memref<2x2x128xi32, #tpu.memory_space<vmem>> -> memref<1x2x128xi32, #tpu.memory_space<vmem>>
        %dma_start3A_85 = tpu.memref_squeeze %dma_start3A_84 : memref<1x2x128xi32, #tpu.memory_space<vmem>> -> memref<2x128xi32, #tpu.memory_space<vmem>>
        %dma_start3A_86 = arith.constant 0 : i32
        %dma_start3A_87 = arith.constant 0 : i32
        %dma_start3A_88 = tpu.memref_slice %arg2[%add3A_81, %dma_start3A_86, %dma_start3A_87] : memref<2560x2x128xi32, #tpu.memory_space<hbm>> -> memref<1x2x128xi32, #tpu.memory_space<hbm>>
        %dma_start3A_89 = tpu.memref_squeeze %dma_start3A_88 : memref<1x2x128xi32, #tpu.memory_space<hbm>> -> memref<2x128xi32, #tpu.memory_space<hbm>>
        %dma_start3A_90 = arith.constant 0 : i32
        %dma_start3A_91 = arith.constant 0 : i32
        %dma_start3A_92 = tpu.memref_slice %arg5[%dma_start3A, %dma_start3A_90, %dma_start3A_91] : memref<2x2x128xi32, #tpu.memory_space<vmem>> -> memref<1x2x128xi32, #tpu.memory_space<vmem>>
        %dma_start3A_93 = tpu.memref_squeeze %dma_start3A_92 : memref<1x2x128xi32, #tpu.memory_space<vmem>> -> memref<2x128xi32, #tpu.memory_space<vmem>>
        %dma_start3A_94 = arith.constant 0 : i32
        %dma_start3A_95 = arith.constant 0 : i32
        %dma_start3A_96 = tpu.memref_slice %arg2[%add3A_81, %dma_start3A_94, %dma_start3A_95] : memref<2560x2x128xi32, #tpu.memory_space<hbm>> -> memref<1x2x128xi32, #tpu.memory_space<hbm>>
        %dma_start3A_97 = tpu.memref_squeeze %dma_start3A_96 : memref<1x2x128xi32, #tpu.memory_space<hbm>> -> memref<2x128xi32, #tpu.memory_space<hbm>>
        tpu.enqueue_dma source(%dma_start3A_97 : memref<2x128xi32, #tpu.memory_space<hbm>>) target(%dma_start3A_93 : memref<2x128xi32, #tpu.memory_space<vmem>>) target_semaphore(%arg9 : memref<!tpu.dma_semaphore, #tpu.memory_space<semaphore_mem>>)
      } else {
      }
    }
    %scan3A_33 = arith.constant 40 : i32
    %barrier3A_34 = arith.constant 0 : index
    tpu.barrier barrier_id(%barrier3A_34)
    %mul3A_35 = arith.constant 624 : i32
    %mul3A_36 = arith.muli %arg1, %mul3A_35 : i32
    "tpu.region"() ({
      %run_scoped3A_42 = tpu.sem_alloc : memref<!tpu.dma_semaphore, #tpu.memory_space<semaphore_mem>>
      %dma_start3A = arith.constant 0 : i32
      %dma_start3A_43 = tpu.memref_slice %arg3[%arg0, %mul3A_36, %dma_start3A] : memref<2x10000x128xf32, #tpu.memory_space<hbm>> -> memref<1x624x128xf32, #tpu.memory_space<hbm>>
      %dma_start3A_44 = tpu.memref_squeeze %dma_start3A_43 : memref<1x624x128xf32, #tpu.memory_space<hbm>> -> memref<624x128xf32, #tpu.memory_space<hbm>>
      %dma_start3A_45 = arith.constant 0 : i32
      %dma_start3A_46 = tpu.memref_slice %arg4[%mul3A_36, %dma_start3A_45] : memref<10256x128xf32, #tpu.memory_space<vmem_shared>> -> memref<624x128xf32, #tpu.memory_space<vmem_shared>>
      tpu.enqueue_dma source(%dma_start3A_46 : memref<624x128xf32, #tpu.memory_space<vmem_shared>>) target(%dma_start3A_44 : memref<624x128xf32, #tpu.memory_space<hbm>>) target_semaphore(%run_scoped3A_42 : memref<!tpu.dma_semaphore, #tpu.memory_space<semaphore_mem>>)
      %dma_wait3A = arith.constant 0 : i32
      %dma_wait3A_47 = tpu.memref_slice %arg3[%arg0, %mul3A_36, %dma_wait3A] : memref<2x10000x128xf32, #tpu.memory_space<hbm>> -> memref<1x624x128xf32, #tpu.memory_space<hbm>>
      %dma_wait3A_48 = tpu.memref_squeeze %dma_wait3A_47 : memref<1x624x128xf32, #tpu.memory_space<hbm>> -> memref<624x128xf32, #tpu.memory_space<hbm>>
      %dma_wait3A_49 = arith.constant 0 : i32
      %dma_wait3A_50 = tpu.memref_slice %arg4[%mul3A_36, %dma_wait3A_49] : memref<10256x128xf32, #tpu.memory_space<vmem_shared>> -> memref<624x128xf32, #tpu.memory_space<vmem_shared>>
      tpu.wait_dma2 semaphore(%run_scoped3A_42 : memref<!tpu.dma_semaphore, #tpu.memory_space<semaphore_mem>>) src(%dma_wait3A_50 : memref<624x128xf32, #tpu.memory_space<vmem_shared>>) dst(%dma_wait3A_48 : memref<624x128xf32, #tpu.memory_space<hbm>>)
      tpu.yield
    }) : () -> ()
    %eq3A_37 = arith.constant 0 : i32
    %eq3A_38 = arith.cmpi eq, %arg1, %eq3A_37 : i32
    %convert_element_type3A_39 = arith.extui %eq3A_38 : i1 to i32
    %cond3A_40 = arith.constant 0 : i32
    %cond3A_41 = arith.cmpi ne, %convert_element_type3A_39, %cond3A_40 : i32
    scf.if %cond3A_41 {
      "tpu.region"() ({
        %run_scoped3A_42 = tpu.sem_alloc : memref<!tpu.dma_semaphore, #tpu.memory_space<semaphore_mem>>
        %dma_start3A = arith.constant 9984 : i32
        %dma_start3A_43 = arith.constant 0 : i32
        %dma_start3A_44 = tpu.memref_slice %arg3[%arg0, %dma_start3A, %dma_start3A_43] : memref<2x10000x128xf32, #tpu.memory_space<hbm>> -> memref<1x16x128xf32, #tpu.memory_space<hbm>>
        %dma_start3A_45 = tpu.memref_squeeze %dma_start3A_44 : memref<1x16x128xf32, #tpu.memory_space<hbm>> -> memref<16x128xf32, #tpu.memory_space<hbm>>
        %dma_start3A_46 = arith.constant 9984 : i32
        %dma_start3A_47 = arith.constant 0 : i32
        %dma_start3A_48 = tpu.memref_slice %arg4[%dma_start3A_46, %dma_start3A_47] : memref<10256x128xf32, #tpu.memory_space<vmem_shared>> -> memref<16x128xf32, #tpu.memory_space<vmem_shared>>
        tpu.enqueue_dma source(%dma_start3A_48 : memref<16x128xf32, #tpu.memory_space<vmem_shared>>) target(%dma_start3A_45 : memref<16x128xf32, #tpu.memory_space<hbm>>) target_semaphore(%run_scoped3A_42 : memref<!tpu.dma_semaphore, #tpu.memory_space<semaphore_mem>>)
        %dma_wait3A = arith.constant 9984 : i32
        %dma_wait3A_49 = arith.constant 0 : i32
        %dma_wait3A_50 = tpu.memref_slice %arg3[%arg0, %dma_wait3A, %dma_wait3A_49] : memref<2x10000x128xf32, #tpu.memory_space<hbm>> -> memref<1x16x128xf32, #tpu.memory_space<hbm>>
        %dma_wait3A_51 = tpu.memref_squeeze %dma_wait3A_50 : memref<1x16x128xf32, #tpu.memory_space<hbm>> -> memref<16x128xf32, #tpu.memory_space<hbm>>
        %dma_wait3A_52 = arith.constant 9984 : i32
        %dma_wait3A_53 = arith.constant 0 : i32
        %dma_wait3A_54 = tpu.memref_slice %arg4[%dma_wait3A_52, %dma_wait3A_53] : memref<10256x128xf32, #tpu.memory_space<vmem_shared>> -> memref<16x128xf32, #tpu.memory_space<vmem_shared>>
        tpu.wait_dma2 semaphore(%run_scoped3A_42 : memref<!tpu.dma_semaphore, #tpu.memory_space<semaphore_mem>>) src(%dma_wait3A_54 : memref<16x128xf32, #tpu.memory_space<vmem_shared>>) dst(%dma_wait3A_51 : memref<16x128xf32, #tpu.memory_space<hbm>>)
        tpu.yield
      }) : () -> ()
    } else {
    }
    return
  }
}

#map = affine_map<(d0, d1) -> (0, 0)>
#map1 = affine_map<(d0, d1) -> (0, 0, 0)>
module attributes {stable_mosaic.version = 14 : i64} {
  func.func @_sc_agg_body(%arg0: i32, %arg1: i32, %arg2: memref<160000x128xf32, #tpu.memory_space<hbm>>, %arg3: memref<2560x2x128xi32, #tpu.memory_space<hbm>>, %arg4: memref<2x10000x128xf32, #tpu.memory_space<hbm>>, %arg5: memref<10256x128xf32, #tpu.memory_space<vmem_shared>>, %arg6: memref<4x2x128xi32, #tpu.memory_space<vmem>>, %arg7: memref<2x128x128xf32, #tpu.memory_space<vmem>>, %arg8: memref<104x128xf32, #tpu.memory_space<vmem>>, %arg9: memref<!tpu.dma_semaphore, #tpu.memory_space<semaphore_mem>>, %arg10: memref<!tpu.dma_semaphore, #tpu.memory_space<semaphore_mem>>, %arg11: memref<!tpu.dma_semaphore, #tpu.memory_space<semaphore_mem>>, %arg12: memref<!tpu.dma_semaphore, #tpu.memory_space<semaphore_mem>>, %arg13: memref<!tpu.dma_semaphore, #tpu.memory_space<semaphore_mem>>, %arg14: memref<!tpu.dma_semaphore, #tpu.memory_space<semaphore_mem>>) attributes {dimension_semantics = [#tpu.dimension_semantics<core_parallel>, #tpu.dimension_semantics<subcore_parallel>], iteration_bounds = array<i64: 2, 16>, scalar_prefetch = 0 : i64, scratch_operands = 10 : i64, tpu.core_type = #tpu.core_type<sc_vector_subcore>, window_params = [{transform_indices = #map}, {transform_indices = #map1}, {transform_indices = #map1}]} {
    %mul3A = arith.constant 16 : i32
    %mul3A_0 = arith.muli %arg0, %mul3A : i32
    %add3A = arith.addi %mul3A_0, %arg1 : i32
    %scan3A = arith.constant 0 : i32
    %scan3A_1 = arith.constant 104 : i32
    %scan3A_2 = arith.addi %scan3A, %scan3A_1 : i32
    %scan3A_3 = arith.constant 1 : i32
    scf.for %scan3A_90 = %scan3A to %scan3A_2 step %scan3A_3  : i32 {
      %broadcast_in_dim3A = arith.constant 0.000000e+00 : f32
      %broadcast_in_dim3A_91 = vector.broadcast %broadcast_in_dim3A : f32 to vector<16xf32>
      %swap3A = arith.index_cast %scan3A_90 : i32 to index
      %swap3A_92 = arith.constant 0 : index
      %swap3A_93 = tpu.vector_load %arg8[%swap3A, %swap3A_92] {strides = array<i32>} : memref<104x128xf32, #tpu.memory_space<vmem>>, vector<1x16xf32>,
      %swap3A_94 = vector.shape_cast %swap3A_93 : vector<1x16xf32> to vector<16xf32>
      %swap3A_95 = vector.shape_cast %broadcast_in_dim3A_91 : vector<16xf32> to vector<1x16xf32>
      tpu.vector_store %arg8[%swap3A, %swap3A_92], %swap3A_95 {strides = array<i32>} : memref<104x128xf32, #tpu.memory_space<vmem>>, vector<1x16xf32>,
      %broadcast_in_dim3A_96 = arith.constant 0.000000e+00 : f32
      %broadcast_in_dim3A_97 = vector.broadcast %broadcast_in_dim3A_96 : f32 to vector<16xf32>
      %swap3A_98 = arith.index_cast %scan3A_90 : i32 to index
      %swap3A_99 = arith.constant 16 : index
      %swap3A_100 = tpu.vector_load %arg8[%swap3A_98, %swap3A_99] {strides = array<i32>} : memref<104x128xf32, #tpu.memory_space<vmem>>, vector<1x16xf32>,
      %swap3A_101 = vector.shape_cast %swap3A_100 : vector<1x16xf32> to vector<16xf32>
      %swap3A_102 = vector.shape_cast %broadcast_in_dim3A_97 : vector<16xf32> to vector<1x16xf32>
      tpu.vector_store %arg8[%swap3A_98, %swap3A_99], %swap3A_102 {strides = array<i32>} : memref<104x128xf32, #tpu.memory_space<vmem>>, vector<1x16xf32>,
      %broadcast_in_dim3A_103 = arith.constant 0.000000e+00 : f32
      %broadcast_in_dim3A_104 = vector.broadcast %broadcast_in_dim3A_103 : f32 to vector<16xf32>
      %swap3A_105 = arith.index_cast %scan3A_90 : i32 to index
      %swap3A_106 = arith.constant 32 : index
      %swap3A_107 = tpu.vector_load %arg8[%swap3A_105, %swap3A_106] {strides = array<i32>} : memref<104x128xf32, #tpu.memory_space<vmem>>, vector<1x16xf32>,
      %swap3A_108 = vector.shape_cast %swap3A_107 : vector<1x16xf32> to vector<16xf32>
      %swap3A_109 = vector.shape_cast %broadcast_in_dim3A_104 : vector<16xf32> to vector<1x16xf32>
      tpu.vector_store %arg8[%swap3A_105, %swap3A_106], %swap3A_109 {strides = array<i32>} : memref<104x128xf32, #tpu.memory_space<vmem>>, vector<1x16xf32>,
      %broadcast_in_dim3A_110 = arith.constant 0.000000e+00 : f32
      %broadcast_in_dim3A_111 = vector.broadcast %broadcast_in_dim3A_110 : f32 to vector<16xf32>
      %swap3A_112 = arith.index_cast %scan3A_90 : i32 to index
      %swap3A_113 = arith.constant 48 : index
      %swap3A_114 = tpu.vector_load %arg8[%swap3A_112, %swap3A_113] {strides = array<i32>} : memref<104x128xf32, #tpu.memory_space<vmem>>, vector<1x16xf32>,
      %swap3A_115 = vector.shape_cast %swap3A_114 : vector<1x16xf32> to vector<16xf32>
      %swap3A_116 = vector.shape_cast %broadcast_in_dim3A_111 : vector<16xf32> to vector<1x16xf32>
      tpu.vector_store %arg8[%swap3A_112, %swap3A_113], %swap3A_116 {strides = array<i32>} : memref<104x128xf32, #tpu.memory_space<vmem>>, vector<1x16xf32>,
      %broadcast_in_dim3A_117 = arith.constant 0.000000e+00 : f32
      %broadcast_in_dim3A_118 = vector.broadcast %broadcast_in_dim3A_117 : f32 to vector<16xf32>
      %swap3A_119 = arith.index_cast %scan3A_90 : i32 to index
      %swap3A_120 = arith.constant 64 : index
      %swap3A_121 = tpu.vector_load %arg8[%swap3A_119, %swap3A_120] {strides = array<i32>} : memref<104x128xf32, #tpu.memory_space<vmem>>, vector<1x16xf32>,
      %swap3A_122 = vector.shape_cast %swap3A_121 : vector<1x16xf32> to vector<16xf32>
      %swap3A_123 = vector.shape_cast %broadcast_in_dim3A_118 : vector<16xf32> to vector<1x16xf32>
      tpu.vector_store %arg8[%swap3A_119, %swap3A_120], %swap3A_123 {strides = array<i32>} : memref<104x128xf32, #tpu.memory_space<vmem>>, vector<1x16xf32>,
      %broadcast_in_dim3A_124 = arith.constant 0.000000e+00 : f32
      %broadcast_in_dim3A_125 = vector.broadcast %broadcast_in_dim3A_124 : f32 to vector<16xf32>
      %swap3A_126 = arith.index_cast %scan3A_90 : i32 to index
      %swap3A_127 = arith.constant 80 : index
      %swap3A_128 = tpu.vector_load %arg8[%swap3A_126, %swap3A_127] {strides = array<i32>} : memref<104x128xf32, #tpu.memory_space<vmem>>, vector<1x16xf32>,
      %swap3A_129 = vector.shape_cast %swap3A_128 : vector<1x16xf32> to vector<16xf32>
      %swap3A_130 = vector.shape_cast %broadcast_in_dim3A_125 : vector<16xf32> to vector<1x16xf32>
      tpu.vector_store %arg8[%swap3A_126, %swap3A_127], %swap3A_130 {strides = array<i32>} : memref<104x128xf32, #tpu.memory_space<vmem>>, vector<1x16xf32>,
      %broadcast_in_dim3A_131 = arith.constant 0.000000e+00 : f32
      %broadcast_in_dim3A_132 = vector.broadcast %broadcast_in_dim3A_131 : f32 to vector<16xf32>
      %swap3A_133 = arith.index_cast %scan3A_90 : i32 to index
      %swap3A_134 = arith.constant 96 : index
      %swap3A_135 = tpu.vector_load %arg8[%swap3A_133, %swap3A_134] {strides = array<i32>} : memref<104x128xf32, #tpu.memory_space<vmem>>, vector<1x16xf32>,
      %swap3A_136 = vector.shape_cast %swap3A_135 : vector<1x16xf32> to vector<16xf32>
      %swap3A_137 = vector.shape_cast %broadcast_in_dim3A_132 : vector<16xf32> to vector<1x16xf32>
      tpu.vector_store %arg8[%swap3A_133, %swap3A_134], %swap3A_137 {strides = array<i32>} : memref<104x128xf32, #tpu.memory_space<vmem>>, vector<1x16xf32>,
      %broadcast_in_dim3A_138 = arith.constant 0.000000e+00 : f32
      %broadcast_in_dim3A_139 = vector.broadcast %broadcast_in_dim3A_138 : f32 to vector<16xf32>
      %swap3A_140 = arith.index_cast %scan3A_90 : i32 to index
      %swap3A_141 = arith.constant 112 : index
      %swap3A_142 = tpu.vector_load %arg8[%swap3A_140, %swap3A_141] {strides = array<i32>} : memref<104x128xf32, #tpu.memory_space<vmem>>, vector<1x16xf32>,
      %swap3A_143 = vector.shape_cast %swap3A_142 : vector<1x16xf32> to vector<16xf32>
      %swap3A_144 = vector.shape_cast %broadcast_in_dim3A_139 : vector<16xf32> to vector<1x16xf32>
      tpu.vector_store %arg8[%swap3A_140, %swap3A_141], %swap3A_144 {strides = array<i32>} : memref<104x128xf32, #tpu.memory_space<vmem>>, vector<1x16xf32>,
    }
    %scan3A_4 = arith.constant 104 : i32
    %mul3A_5 = arith.constant 624 : i32
    %mul3A_6 = arith.muli %arg1, %mul3A_5 : i32
    %add3A_7 = arith.constant 0 : i32
    %add3A_8 = arith.addi %mul3A_6, %add3A_7 : i32
    "tpu.region"() ({
      %run_scoped3A_90 = tpu.sem_alloc : memref<!tpu.dma_semaphore, #tpu.memory_space<semaphore_mem>>
      %dma_start3A_91 = arith.constant 0 : i32
      %dma_start3A_92 = tpu.memref_slice %arg5[%add3A_8, %dma_start3A_91] : memref<10256x128xf32, #tpu.memory_space<vmem_shared>> -> memref<104x128xf32, #tpu.memory_space<vmem_shared>>
      %dma_start3A_93 = arith.constant 0 : i32
      %dma_start3A_94 = tpu.memref_slice %arg5[%add3A_8, %dma_start3A_93] : memref<10256x128xf32, #tpu.memory_space<vmem_shared>> -> memref<104x128xf32, #tpu.memory_space<vmem_shared>>
      tpu.enqueue_dma source(%arg8 : memref<104x128xf32, #tpu.memory_space<vmem>>) target(%dma_start3A_94 : memref<104x128xf32, #tpu.memory_space<vmem_shared>>) target_semaphore(%run_scoped3A_90 : memref<!tpu.dma_semaphore, #tpu.memory_space<semaphore_mem>>)
      %dma_wait3A_95 = arith.constant 0 : i32
      %dma_wait3A_96 = tpu.memref_slice %arg5[%add3A_8, %dma_wait3A_95] : memref<10256x128xf32, #tpu.memory_space<vmem_shared>> -> memref<104x128xf32, #tpu.memory_space<vmem_shared>>
      %dma_wait3A_97 = arith.constant 0 : i32
      %dma_wait3A_98 = tpu.memref_slice %arg5[%add3A_8, %dma_wait3A_97] : memref<10256x128xf32, #tpu.memory_space<vmem_shared>> -> memref<104x128xf32, #tpu.memory_space<vmem_shared>>
      tpu.wait_dma2 semaphore(%run_scoped3A_90 : memref<!tpu.dma_semaphore, #tpu.memory_space<semaphore_mem>>) src(%arg8 : memref<104x128xf32, #tpu.memory_space<vmem>>) dst(%dma_wait3A_98 : memref<104x128xf32, #tpu.memory_space<vmem_shared>>)
      tpu.yield
    }) : () -> ()
    %add3A_9 = arith.constant 104 : i32
    %add3A_10 = arith.addi %mul3A_6, %add3A_9 : i32
    "tpu.region"() ({
      %run_scoped3A_90 = tpu.sem_alloc : memref<!tpu.dma_semaphore, #tpu.memory_space<semaphore_mem>>
      %dma_start3A_91 = arith.constant 0 : i32
      %dma_start3A_92 = tpu.memref_slice %arg5[%add3A_10, %dma_start3A_91] : memref<10256x128xf32, #tpu.memory_space<vmem_shared>> -> memref<104x128xf32, #tpu.memory_space<vmem_shared>>
      %dma_start3A_93 = arith.constant 0 : i32
      %dma_start3A_94 = tpu.memref_slice %arg5[%add3A_10, %dma_start3A_93] : memref<10256x128xf32, #tpu.memory_space<vmem_shared>> -> memref<104x128xf32, #tpu.memory_space<vmem_shared>>
      tpu.enqueue_dma source(%arg8 : memref<104x128xf32, #tpu.memory_space<vmem>>) target(%dma_start3A_94 : memref<104x128xf32, #tpu.memory_space<vmem_shared>>) target_semaphore(%run_scoped3A_90 : memref<!tpu.dma_semaphore, #tpu.memory_space<semaphore_mem>>)
      %dma_wait3A_95 = arith.constant 0 : i32
      %dma_wait3A_96 = tpu.memref_slice %arg5[%add3A_10, %dma_wait3A_95] : memref<10256x128xf32, #tpu.memory_space<vmem_shared>> -> memref<104x128xf32, #tpu.memory_space<vmem_shared>>
      %dma_wait3A_97 = arith.constant 0 : i32
      %dma_wait3A_98 = tpu.memref_slice %arg5[%add3A_10, %dma_wait3A_97] : memref<10256x128xf32, #tpu.memory_space<vmem_shared>> -> memref<104x128xf32, #tpu.memory_space<vmem_shared>>
      tpu.wait_dma2 semaphore(%run_scoped3A_90 : memref<!tpu.dma_semaphore, #tpu.memory_space<semaphore_mem>>) src(%arg8 : memref<104x128xf32, #tpu.memory_space<vmem>>) dst(%dma_wait3A_98 : memref<104x128xf32, #tpu.memory_space<vmem_shared>>)
      tpu.yield
    }) : () -> ()
    %add3A_11 = arith.constant 208 : i32
    %add3A_12 = arith.addi %mul3A_6, %add3A_11 : i32
    "tpu.region"() ({
      %run_scoped3A_90 = tpu.sem_alloc : memref<!tpu.dma_semaphore, #tpu.memory_space<semaphore_mem>>
      %dma_start3A_91 = arith.constant 0 : i32
      %dma_start3A_92 = tpu.memref_slice %arg5[%add3A_12, %dma_start3A_91] : memref<10256x128xf32, #tpu.memory_space<vmem_shared>> -> memref<104x128xf32, #tpu.memory_space<vmem_shared>>
      %dma_start3A_93 = arith.constant 0 : i32
      %dma_start3A_94 = tpu.memref_slice %arg5[%add3A_12, %dma_start3A_93] : memref<10256x128xf32, #tpu.memory_space<vmem_shared>> -> memref<104x128xf32, #tpu.memory_space<vmem_shared>>
      tpu.enqueue_dma source(%arg8 : memref<104x128xf32, #tpu.memory_space<vmem>>) target(%dma_start3A_94 : memref<104x128xf32, #tpu.memory_space<vmem_shared>>) target_semaphore(%run_scoped3A_90 : memref<!tpu.dma_semaphore, #tpu.memory_space<semaphore_mem>>)
      %dma_wait3A_95 = arith.constant 0 : i32
      %dma_wait3A_96 = tpu.memref_slice %arg5[%add3A_12, %dma_wait3A_95] : memref<10256x128xf32, #tpu.memory_space<vmem_shared>> -> memref<104x128xf32, #tpu.memory_space<vmem_shared>>
      %dma_wait3A_97 = arith.constant 0 : i32
      %dma_wait3A_98 = tpu.memref_slice %arg5[%add3A_12, %dma_wait3A_97] : memref<10256x128xf32, #tpu.memory_space<vmem_shared>> -> memref<104x128xf32, #tpu.memory_space<vmem_shared>>
      tpu.wait_dma2 semaphore(%run_scoped3A_90 : memref<!tpu.dma_semaphore, #tpu.memory_space<semaphore_mem>>) src(%arg8 : memref<104x128xf32, #tpu.memory_space<vmem>>) dst(%dma_wait3A_98 : memref<104x128xf32, #tpu.memory_space<vmem_shared>>)
      tpu.yield
    }) : () -> ()
    %add3A_13 = arith.constant 312 : i32
    %add3A_14 = arith.addi %mul3A_6, %add3A_13 : i32
    "tpu.region"() ({
      %run_scoped3A_90 = tpu.sem_alloc : memref<!tpu.dma_semaphore, #tpu.memory_space<semaphore_mem>>
      %dma_start3A_91 = arith.constant 0 : i32
      %dma_start3A_92 = tpu.memref_slice %arg5[%add3A_14, %dma_start3A_91] : memref<10256x128xf32, #tpu.memory_space<vmem_shared>> -> memref<104x128xf32, #tpu.memory_space<vmem_shared>>
      %dma_start3A_93 = arith.constant 0 : i32
      %dma_start3A_94 = tpu.memref_slice %arg5[%add3A_14, %dma_start3A_93] : memref<10256x128xf32, #tpu.memory_space<vmem_shared>> -> memref<104x128xf32, #tpu.memory_space<vmem_shared>>
      tpu.enqueue_dma source(%arg8 : memref<104x128xf32, #tpu.memory_space<vmem>>) target(%dma_start3A_94 : memref<104x128xf32, #tpu.memory_space<vmem_shared>>) target_semaphore(%run_scoped3A_90 : memref<!tpu.dma_semaphore, #tpu.memory_space<semaphore_mem>>)
      %dma_wait3A_95 = arith.constant 0 : i32
      %dma_wait3A_96 = tpu.memref_slice %arg5[%add3A_14, %dma_wait3A_95] : memref<10256x128xf32, #tpu.memory_space<vmem_shared>> -> memref<104x128xf32, #tpu.memory_space<vmem_shared>>
      %dma_wait3A_97 = arith.constant 0 : i32
      %dma_wait3A_98 = tpu.memref_slice %arg5[%add3A_14, %dma_wait3A_97] : memref<10256x128xf32, #tpu.memory_space<vmem_shared>> -> memref<104x128xf32, #tpu.memory_space<vmem_shared>>
      tpu.wait_dma2 semaphore(%run_scoped3A_90 : memref<!tpu.dma_semaphore, #tpu.memory_space<semaphore_mem>>) src(%arg8 : memref<104x128xf32, #tpu.memory_space<vmem>>) dst(%dma_wait3A_98 : memref<104x128xf32, #tpu.memory_space<vmem_shared>>)
      tpu.yield
    }) : () -> ()
    %add3A_15 = arith.constant 416 : i32
    %add3A_16 = arith.addi %mul3A_6, %add3A_15 : i32
    "tpu.region"() ({
      %run_scoped3A_90 = tpu.sem_alloc : memref<!tpu.dma_semaphore, #tpu.memory_space<semaphore_mem>>
      %dma_start3A_91 = arith.constant 0 : i32
      %dma_start3A_92 = tpu.memref_slice %arg5[%add3A_16, %dma_start3A_91] : memref<10256x128xf32, #tpu.memory_space<vmem_shared>> -> memref<104x128xf32, #tpu.memory_space<vmem_shared>>
      %dma_start3A_93 = arith.constant 0 : i32
      %dma_start3A_94 = tpu.memref_slice %arg5[%add3A_16, %dma_start3A_93] : memref<10256x128xf32, #tpu.memory_space<vmem_shared>> -> memref<104x128xf32, #tpu.memory_space<vmem_shared>>
      tpu.enqueue_dma source(%arg8 : memref<104x128xf32, #tpu.memory_space<vmem>>) target(%dma_start3A_94 : memref<104x128xf32, #tpu.memory_space<vmem_shared>>) target_semaphore(%run_scoped3A_90 : memref<!tpu.dma_semaphore, #tpu.memory_space<semaphore_mem>>)
      %dma_wait3A_95 = arith.constant 0 : i32
      %dma_wait3A_96 = tpu.memref_slice %arg5[%add3A_16, %dma_wait3A_95] : memref<10256x128xf32, #tpu.memory_space<vmem_shared>> -> memref<104x128xf32, #tpu.memory_space<vmem_shared>>
      %dma_wait3A_97 = arith.constant 0 : i32
      %dma_wait3A_98 = tpu.memref_slice %arg5[%add3A_16, %dma_wait3A_97] : memref<10256x128xf32, #tpu.memory_space<vmem_shared>> -> memref<104x128xf32, #tpu.memory_space<vmem_shared>>
      tpu.wait_dma2 semaphore(%run_scoped3A_90 : memref<!tpu.dma_semaphore, #tpu.memory_space<semaphore_mem>>) src(%arg8 : memref<104x128xf32, #tpu.memory_space<vmem>>) dst(%dma_wait3A_98 : memref<104x128xf32, #tpu.memory_space<vmem_shared>>)
      tpu.yield
    }) : () -> ()
    %add3A_17 = arith.constant 520 : i32
    %add3A_18 = arith.addi %mul3A_6, %add3A_17 : i32
    "tpu.region"() ({
      %run_scoped3A_90 = tpu.sem_alloc : memref<!tpu.dma_semaphore, #tpu.memory_space<semaphore_mem>>
      %dma_start3A_91 = arith.constant 0 : i32
      %dma_start3A_92 = tpu.memref_slice %arg5[%add3A_18, %dma_start3A_91] : memref<10256x128xf32, #tpu.memory_space<vmem_shared>> -> memref<104x128xf32, #tpu.memory_space<vmem_shared>>
      %dma_start3A_93 = arith.constant 0 : i32
      %dma_start3A_94 = tpu.memref_slice %arg5[%add3A_18, %dma_start3A_93] : memref<10256x128xf32, #tpu.memory_space<vmem_shared>> -> memref<104x128xf32, #tpu.memory_space<vmem_shared>>
      tpu.enqueue_dma source(%arg8 : memref<104x128xf32, #tpu.memory_space<vmem>>) target(%dma_start3A_94 : memref<104x128xf32, #tpu.memory_space<vmem_shared>>) target_semaphore(%run_scoped3A_90 : memref<!tpu.dma_semaphore, #tpu.memory_space<semaphore_mem>>)
      %dma_wait3A_95 = arith.constant 0 : i32
      %dma_wait3A_96 = tpu.memref_slice %arg5[%add3A_18, %dma_wait3A_95] : memref<10256x128xf32, #tpu.memory_space<vmem_shared>> -> memref<104x128xf32, #tpu.memory_space<vmem_shared>>
      %dma_wait3A_97 = arith.constant 0 : i32
      %dma_wait3A_98 = tpu.memref_slice %arg5[%add3A_18, %dma_wait3A_97] : memref<10256x128xf32, #tpu.memory_space<vmem_shared>> -> memref<104x128xf32, #tpu.memory_space<vmem_shared>>
      tpu.wait_dma2 semaphore(%run_scoped3A_90 : memref<!tpu.dma_semaphore, #tpu.memory_space<semaphore_mem>>) src(%arg8 : memref<104x128xf32, #tpu.memory_space<vmem>>) dst(%dma_wait3A_98 : memref<104x128xf32, #tpu.memory_space<vmem_shared>>)
      tpu.yield
    }) : () -> ()
    %eq3A = arith.constant 0 : i32
    %eq3A_19 = arith.cmpi eq, %arg1, %eq3A : i32
    %convert_element_type3A = arith.extui %eq3A_19 : i1 to i32
    %cond3A = arith.constant 0 : i32
    %cond3A_20 = arith.cmpi ne, %convert_element_type3A, %cond3A : i32
    scf.if %cond3A_20 {
      "tpu.region"() ({
        %run_scoped3A_90 = tpu.sem_alloc : memref<!tpu.dma_semaphore, #tpu.memory_space<semaphore_mem>>
        %dma_start3A_91 = arith.constant 0 : i32
        %dma_start3A_92 = arith.constant 0 : i32
        %dma_start3A_93 = tpu.memref_slice %arg8[%dma_start3A_91, %dma_start3A_92] : memref<104x128xf32, #tpu.memory_space<vmem>> -> memref<16x128xf32, #tpu.memory_space<vmem>>
        %dma_start3A_94 = arith.constant 9984 : i32
        %dma_start3A_95 = arith.constant 0 : i32
        %dma_start3A_96 = tpu.memref_slice %arg5[%dma_start3A_94, %dma_start3A_95] : memref<10256x128xf32, #tpu.memory_space<vmem_shared>> -> memref<16x128xf32, #tpu.memory_space<vmem_shared>>
        %dma_start3A_97 = arith.constant 9984 : i32
        %dma_start3A_98 = arith.constant 0 : i32
        %dma_start3A_99 = tpu.memref_slice %arg5[%dma_start3A_97, %dma_start3A_98] : memref<10256x128xf32, #tpu.memory_space<vmem_shared>> -> memref<16x128xf32, #tpu.memory_space<vmem_shared>>
        %dma_start3A_100 = arith.constant 0 : i32
        %dma_start3A_101 = arith.constant 0 : i32
        %dma_start3A_102 = tpu.memref_slice %arg8[%dma_start3A_100, %dma_start3A_101] : memref<104x128xf32, #tpu.memory_space<vmem>> -> memref<16x128xf32, #tpu.memory_space<vmem>>
        tpu.enqueue_dma source(%dma_start3A_102 : memref<16x128xf32, #tpu.memory_space<vmem>>) target(%dma_start3A_99 : memref<16x128xf32, #tpu.memory_space<vmem_shared>>) target_semaphore(%run_scoped3A_90 : memref<!tpu.dma_semaphore, #tpu.memory_space<semaphore_mem>>)
        %dma_wait3A_103 = arith.constant 0 : i32
        %dma_wait3A_104 = arith.constant 0 : i32
        %dma_wait3A_105 = tpu.memref_slice %arg8[%dma_wait3A_103, %dma_wait3A_104] : memref<104x128xf32, #tpu.memory_space<vmem>> -> memref<16x128xf32, #tpu.memory_space<vmem>>
        %dma_wait3A_106 = arith.constant 9984 : i32
        %dma_wait3A_107 = arith.constant 0 : i32
        %dma_wait3A_108 = tpu.memref_slice %arg5[%dma_wait3A_106, %dma_wait3A_107] : memref<10256x128xf32, #tpu.memory_space<vmem_shared>> -> memref<16x128xf32, #tpu.memory_space<vmem_shared>>
        %dma_wait3A_109 = arith.constant 9984 : i32
        %dma_wait3A_110 = arith.constant 0 : i32
        %dma_wait3A_111 = tpu.memref_slice %arg5[%dma_wait3A_109, %dma_wait3A_110] : memref<10256x128xf32, #tpu.memory_space<vmem_shared>> -> memref<16x128xf32, #tpu.memory_space<vmem_shared>>
        %dma_wait3A_112 = arith.constant 0 : i32
        %dma_wait3A_113 = arith.constant 0 : i32
        %dma_wait3A_114 = tpu.memref_slice %arg8[%dma_wait3A_112, %dma_wait3A_113] : memref<104x128xf32, #tpu.memory_space<vmem>> -> memref<16x128xf32, #tpu.memory_space<vmem>>
        tpu.wait_dma2 semaphore(%run_scoped3A_90 : memref<!tpu.dma_semaphore, #tpu.memory_space<semaphore_mem>>) src(%dma_wait3A_114 : memref<16x128xf32, #tpu.memory_space<vmem>>) dst(%dma_wait3A_111 : memref<16x128xf32, #tpu.memory_space<vmem_shared>>)
        tpu.yield
      }) : () -> ()
    } else {
    }
    %barrier3A = arith.constant 0 : index
    tpu.barrier barrier_id(%barrier3A)
    %run_scoped3A = arith.constant 0 : i32
    "tpu.region"() ({
      %run_scoped3A_90 = tpu.sem_alloc : memref<!tpu.dma_semaphore, #tpu.memory_space<semaphore_mem>>
      %dma_start3A_91 = arith.constant 0 : i32
      %dma_start3A_92 = arith.constant 0 : i32
      %dma_start3A_93 = tpu.memref_slice %arg6[%run_scoped3A, %dma_start3A_91, %dma_start3A_92] : memref<4x2x128xi32, #tpu.memory_space<vmem>> -> memref<1x2x128xi32, #tpu.memory_space<vmem>>
      %dma_start3A_94 = tpu.memref_squeeze %dma_start3A_93 : memref<1x2x128xi32, #tpu.memory_space<vmem>> -> memref<2x128xi32, #tpu.memory_space<vmem>>
      %dma_start3A_95 = arith.constant 0 : i32
      %dma_start3A_96 = arith.constant 0 : i32
      %dma_start3A_97 = tpu.memref_slice %arg3[%add3A, %dma_start3A_95, %dma_start3A_96] : memref<2560x2x128xi32, #tpu.memory_space<hbm>> -> memref<1x2x128xi32, #tpu.memory_space<hbm>>
      %dma_start3A_98 = tpu.memref_squeeze %dma_start3A_97 : memref<1x2x128xi32, #tpu.memory_space<hbm>> -> memref<2x128xi32, #tpu.memory_space<hbm>>
      %dma_start3A_99 = arith.constant 0 : i32
      %dma_start3A_100 = arith.constant 0 : i32
      %dma_start3A_101 = tpu.memref_slice %arg6[%run_scoped3A, %dma_start3A_99, %dma_start3A_100] : memref<4x2x128xi32, #tpu.memory_space<vmem>> -> memref<1x2x128xi32, #tpu.memory_space<vmem>>
      %dma_start3A_102 = tpu.memref_squeeze %dma_start3A_101 : memref<1x2x128xi32, #tpu.memory_space<vmem>> -> memref<2x128xi32, #tpu.memory_space<vmem>>
      %dma_start3A_103 = arith.constant 0 : i32
      %dma_start3A_104 = arith.constant 0 : i32
      %dma_start3A_105 = tpu.memref_slice %arg3[%add3A, %dma_start3A_103, %dma_start3A_104] : memref<2560x2x128xi32, #tpu.memory_space<hbm>> -> memref<1x2x128xi32, #tpu.memory_space<hbm>>
      %dma_start3A_106 = tpu.memref_squeeze %dma_start3A_105 : memref<1x2x128xi32, #tpu.memory_space<hbm>> -> memref<2x128xi32, #tpu.memory_space<hbm>>
      tpu.enqueue_dma source(%dma_start3A_106 : memref<2x128xi32, #tpu.memory_space<hbm>>) target(%dma_start3A_102 : memref<2x128xi32, #tpu.memory_space<vmem>>) target_semaphore(%run_scoped3A_90 : memref<!tpu.dma_semaphore, #tpu.memory_space<semaphore_mem>>)
      %dma_wait3A_107 = arith.constant 0 : i32
      %dma_wait3A_108 = arith.constant 0 : i32
      %dma_wait3A_109 = tpu.memref_slice %arg6[%run_scoped3A, %dma_wait3A_107, %dma_wait3A_108] : memref<4x2x128xi32, #tpu.memory_space<vmem>> -> memref<1x2x128xi32, #tpu.memory_space<vmem>>
      %dma_wait3A_110 = tpu.memref_squeeze %dma_wait3A_109 : memref<1x2x128xi32, #tpu.memory_space<vmem>> -> memref<2x128xi32, #tpu.memory_space<vmem>>
      %dma_wait3A_111 = arith.constant 0 : i32
      %dma_wait3A_112 = arith.constant 0 : i32
      %dma_wait3A_113 = tpu.memref_slice %arg3[%add3A, %dma_wait3A_111, %dma_wait3A_112] : memref<2560x2x128xi32, #tpu.memory_space<hbm>> -> memref<1x2x128xi32, #tpu.memory_space<hbm>>
      %dma_wait3A_114 = tpu.memref_squeeze %dma_wait3A_113 : memref<1x2x128xi32, #tpu.memory_space<hbm>> -> memref<2x128xi32, #tpu.memory_space<hbm>>
      %dma_wait3A_115 = arith.constant 0 : i32
      %dma_wait3A_116 = arith.constant 0 : i32
      %dma_wait3A_117 = tpu.memref_slice %arg6[%run_scoped3A, %dma_wait3A_115, %dma_wait3A_116] : memref<4x2x128xi32, #tpu.memory_space<vmem>> -> memref<1x2x128xi32, #tpu.memory_space<vmem>>
      %dma_wait3A_118 = tpu.memref_squeeze %dma_wait3A_117 : memref<1x2x128xi32, #tpu.memory_space<vmem>> -> memref<2x128xi32, #tpu.memory_space<vmem>>
      %dma_wait3A_119 = arith.constant 0 : i32
      %dma_wait3A_120 = arith.constant 0 : i32
      %dma_wait3A_121 = tpu.memref_slice %arg3[%add3A, %dma_wait3A_119, %dma_wait3A_120] : memref<2560x2x128xi32, #tpu.memory_space<hbm>> -> memref<1x2x128xi32, #tpu.memory_space<hbm>>
      %dma_wait3A_122 = tpu.memref_squeeze %dma_wait3A_121 : memref<1x2x128xi32, #tpu.memory_space<hbm>> -> memref<2x128xi32, #tpu.memory_space<hbm>>
      tpu.wait_dma2 semaphore(%run_scoped3A_90 : memref<!tpu.dma_semaphore, #tpu.memory_space<semaphore_mem>>) src(%dma_wait3A_122 : memref<2x128xi32, #tpu.memory_space<hbm>>) dst(%dma_wait3A_118 : memref<2x128xi32, #tpu.memory_space<vmem>>)
      tpu.yield
    }) : () -> ()
    %add3A_21 = arith.constant 32 : i32
    %add3A_22 = arith.addi %add3A, %add3A_21 : i32
    %dma_start3A = arith.constant 1 : i32
    %dma_start3A_23 = arith.constant 0 : i32
    %dma_start3A_24 = arith.constant 0 : i32
    %dma_start3A_25 = tpu.memref_slice %arg6[%dma_start3A, %dma_start3A_23, %dma_start3A_24] : memref<4x2x128xi32, #tpu.memory_space<vmem>> -> memref<1x2x128xi32, #tpu.memory_space<vmem>>
    %dma_start3A_26 = tpu.memref_squeeze %dma_start3A_25 : memref<1x2x128xi32, #tpu.memory_space<vmem>> -> memref<2x128xi32, #tpu.memory_space<vmem>>
    %dma_start3A_27 = arith.constant 0 : i32
    %dma_start3A_28 = arith.constant 0 : i32
    %dma_start3A_29 = tpu.memref_slice %arg3[%add3A_22, %dma_start3A_27, %dma_start3A_28] : memref<2560x2x128xi32, #tpu.memory_space<hbm>> -> memref<1x2x128xi32, #tpu.memory_space<hbm>>
    %dma_start3A_30 = tpu.memref_squeeze %dma_start3A_29 : memref<1x2x128xi32, #tpu.memory_space<hbm>> -> memref<2x128xi32, #tpu.memory_space<hbm>>
    %dma_start3A_31 = arith.constant 0 : i32
    %dma_start3A_32 = arith.constant 0 : i32
    %dma_start3A_33 = tpu.memref_slice %arg6[%dma_start3A, %dma_start3A_31, %dma_start3A_32] : memref<4x2x128xi32, #tpu.memory_space<vmem>> -> memref<1x2x128xi32, #tpu.memory_space<vmem>>
    %dma_start3A_34 = tpu.memref_squeeze %dma_start3A_33 : memref<1x2x128xi32, #tpu.memory_space<vmem>> -> memref<2x128xi32, #tpu.memory_space<vmem>>
    %dma_start3A_35 = arith.constant 0 : i32
    %dma_start3A_36 = arith.constant 0 : i32
    %dma_start3A_37 = tpu.memref_slice %arg3[%add3A_22, %dma_start3A_35, %dma_start3A_36] : memref<2560x2x128xi32, #tpu.memory_space<hbm>> -> memref<1x2x128xi32, #tpu.memory_space<hbm>>
    %dma_start3A_38 = tpu.memref_squeeze %dma_start3A_37 : memref<1x2x128xi32, #tpu.memory_space<hbm>> -> memref<2x128xi32, #tpu.memory_space<hbm>>
    tpu.enqueue_dma source(%dma_start3A_38 : memref<2x128xi32, #tpu.memory_space<hbm>>) target(%dma_start3A_34 : memref<2x128xi32, #tpu.memory_space<vmem>>) target_semaphore(%arg12 : memref<!tpu.dma_semaphore, #tpu.memory_space<semaphore_mem>>)
    %dma_start3A_39 = arith.constant 0 : i32
    %dma_start3A_40 = arith.constant 0 : i32
    %dma_start3A_41 = arith.constant 0 : i32
    %dma_start3A_42 = arith.constant 0 : i32
    %dma_start3A_43 = arith.constant 0 : i32
    %dma_start3A_44 = tpu.memref_slice %arg7[%dma_start3A_41, %dma_start3A_42, %dma_start3A_43] : memref<2x128x128xf32, #tpu.memory_space<vmem>> -> memref<1x128x128xf32, #tpu.memory_space<vmem>>
    %dma_start3A_45 = tpu.memref_squeeze %dma_start3A_44 : memref<1x128x128xf32, #tpu.memory_space<vmem>> -> memref<128x128xf32, #tpu.memory_space<vmem>>
    %dma_start3A_46 = arith.constant 0 : i32
    %dma_start3A_47 = tpu.memref_slice %arg6[%dma_start3A_39, %dma_start3A_40, %dma_start3A_46] : memref<4x2x128xi32, #tpu.memory_space<vmem>> -> memref<1x1x128xi32, #tpu.memory_space<vmem>>
    %dma_start3A_48 = tpu.memref_squeeze %dma_start3A_47 : memref<1x1x128xi32, #tpu.memory_space<vmem>> -> memref<128xi32, #tpu.memory_space<vmem>>
    %dma_start3A_49 = arith.constant 0 : i32
    %dma_start3A_50 = arith.constant 0 : i32
    %dma_start3A_51 = tpu.memref_slice %arg2[%dma_start3A_49, %dma_start3A_50] : memref<160000x128xf32, #tpu.memory_space<hbm>> -> memref<160000x128xf32, #tpu.memory_space<hbm>>
    tpu.enqueue_indirect_dma source(%dma_start3A_51 : memref<160000x128xf32, #tpu.memory_space<hbm>>) target(%dma_start3A_45 : memref<128x128xf32, #tpu.memory_space<vmem>>) offsets(%dma_start3A_48 : memref<128xi32, #tpu.memory_space<vmem>>) semaphore(%arg9 : memref<!tpu.dma_semaphore, #tpu.memory_space<semaphore_mem>>)
    %scan3A_52 = arith.constant 0 : i32
    %scan3A_53 = arith.constant 40 : i32
    %scan3A_54 = arith.addi %scan3A_52, %scan3A_53 : i32
    %scan3A_55 = arith.constant 1 : i32
    scf.for %scan3A_90 = %scan3A_52 to %scan3A_54 step %scan3A_55  : i32 {
      %mul3A_91 = arith.constant 2 : i32
      %mul3A_92 = arith.muli %scan3A_90, %mul3A_91 : i32
      %add3A_93 = arith.constant 0 : i32
      %add3A_94 = arith.addi %mul3A_92, %add3A_93 : i32
      %jit3A = arith.constant 4 : i32
      %eq3A_95 = arith.constant 0 : i32
      %eq3A_96 = arith.cmpi eq, %jit3A, %eq3A_95 : i32
      %jit3A_97 = arith.constant 1 : i32
      %select_n3A = arith.select %eq3A_96, %jit3A_97, %jit3A : i32
      %rem3A = arith.remsi %add3A_94, %select_n3A : i32
      %ne3A = arith.constant 0 : i32
      %ne3A_98 = arith.cmpi ne, %rem3A, %ne3A : i32
      %lt3A = arith.constant 0 : i32
      %lt3A_99 = arith.cmpi slt, %rem3A, %lt3A : i32
      %lt3A_100 = arith.constant 0 : i32
      %lt3A_101 = arith.cmpi slt, %select_n3A, %lt3A_100 : i32
      %ne3A_102 = arith.xori %lt3A_99, %lt3A_101 : i1
      %and3A = arith.andi %ne3A_102, %ne3A_98 : i1
      %add3A_103 = arith.addi %rem3A, %select_n3A : i32
      %select_n3A_104 = arith.select %and3A, %add3A_103, %rem3A : i32
      %add3A_105 = arith.constant 1 : i32
      %add3A_106 = arith.addi %add3A_94, %add3A_105 : i32
      %jit3A_107 = arith.constant 4 : i32
      %eq3A_108 = arith.constant 0 : i32
      %eq3A_109 = arith.cmpi eq, %jit3A_107, %eq3A_108 : i32
      %jit3A_110 = arith.constant 1 : i32
      %select_n3A_111 = arith.select %eq3A_109, %jit3A_110, %jit3A_107 : i32
      %rem3A_112 = arith.remsi %add3A_106, %select_n3A_111 : i32
      %ne3A_113 = arith.constant 0 : i32
      %ne3A_114 = arith.cmpi ne, %rem3A_112, %ne3A_113 : i32
      %lt3A_115 = arith.constant 0 : i32
      %lt3A_116 = arith.cmpi slt, %rem3A_112, %lt3A_115 : i32
      %lt3A_117 = arith.constant 0 : i32
      %lt3A_118 = arith.cmpi slt, %select_n3A_111, %lt3A_117 : i32
      %ne3A_119 = arith.xori %lt3A_116, %lt3A_118 : i1
      %and3A_120 = arith.andi %ne3A_119, %ne3A_114 : i1
      %add3A_121 = arith.addi %rem3A_112, %select_n3A_111 : i32
      %select_n3A_122 = arith.select %and3A_120, %add3A_121, %rem3A_112 : i32
      %dma_wait3A_123 = arith.constant 0 : i32
      %dma_wait3A_124 = arith.constant 0 : i32
      %dma_wait3A_125 = arith.constant 0 : i32
      %dma_wait3A_126 = arith.constant 0 : i32
      %dma_wait3A_127 = tpu.memref_slice %arg7[%dma_wait3A_124, %dma_wait3A_125, %dma_wait3A_126] : memref<2x128x128xf32, #tpu.memory_space<vmem>> -> memref<1x128x128xf32, #tpu.memory_space<vmem>>
      %dma_wait3A_128 = tpu.memref_squeeze %dma_wait3A_127 : memref<1x128x128xf32, #tpu.memory_space<vmem>> -> memref<128x128xf32, #tpu.memory_space<vmem>>
      %dma_wait3A_129 = arith.constant 0 : i32
      %dma_wait3A_130 = tpu.memref_slice %arg6[%select_n3A_104, %dma_wait3A_123, %dma_wait3A_129] : memref<4x2x128xi32, #tpu.memory_space<vmem>> -> memref<1x1x128xi32, #tpu.memory_space<vmem>>
      %dma_wait3A_131 = tpu.memref_squeeze %dma_wait3A_130 : memref<1x1x128xi32, #tpu.memory_space<vmem>> -> memref<128xi32, #tpu.memory_space<vmem>>
      %dma_wait3A_132 = arith.constant 0 : i32
      %dma_wait3A_133 = arith.constant 0 : i32
      %dma_wait3A_134 = tpu.memref_slice %arg2[%dma_wait3A_132, %dma_wait3A_133] : memref<160000x128xf32, #tpu.memory_space<hbm>> -> memref<160000x128xf32, #tpu.memory_space<hbm>>
      tpu.wait_indirect_dma semaphore(%arg9 : memref<!tpu.dma_semaphore, #tpu.memory_space<semaphore_mem>>) src(%dma_wait3A_134 : memref<160000x128xf32, #tpu.memory_space<hbm>>) dst(%dma_wait3A_128 : memref<128x128xf32, #tpu.memory_space<vmem>>)
      %add3A_135 = arith.constant 1 : i32
      %add3A_136 = arith.addi %add3A_94, %add3A_135 : i32
      %lt3A_137 = arith.constant 80 : i32
      %lt3A_138 = arith.cmpi slt, %add3A_136, %lt3A_137 : i32
      %convert_element_type3A_139 = arith.extui %lt3A_138 : i1 to i32
      %cond3A_140 = arith.constant 0 : i32
      %cond3A_141 = arith.cmpi ne, %convert_element_type3A_139, %cond3A_140 : i32
      scf.if %cond3A_141 {
        %dma_wait3A_235 = arith.constant 0 : i32
        %dma_wait3A_236 = arith.constant 0 : i32
        %dma_wait3A_237 = tpu.memref_slice %arg6[%select_n3A_122, %dma_wait3A_235, %dma_wait3A_236] : memref<4x2x128xi32, #tpu.memory_space<vmem>> -> memref<1x2x128xi32, #tpu.memory_space<vmem>>
        %dma_wait3A_238 = tpu.memref_squeeze %dma_wait3A_237 : memref<1x2x128xi32, #tpu.memory_space<vmem>> -> memref<2x128xi32, #tpu.memory_space<vmem>>
        %dma_wait3A_239 = arith.constant 0 : i32
        %dma_wait3A_240 = arith.constant 0 : i32
        %dma_wait3A_241 = tpu.memref_slice %arg3[%add3A, %dma_wait3A_239, %dma_wait3A_240] : memref<2560x2x128xi32, #tpu.memory_space<hbm>> -> memref<1x2x128xi32, #tpu.memory_space<hbm>>
        %dma_wait3A_242 = tpu.memref_squeeze %dma_wait3A_241 : memref<1x2x128xi32, #tpu.memory_space<hbm>> -> memref<2x128xi32, #tpu.memory_space<hbm>>
        %dma_wait3A_243 = arith.constant 0 : i32
        %dma_wait3A_244 = arith.constant 0 : i32
        %dma_wait3A_245 = tpu.memref_slice %arg6[%select_n3A_122, %dma_wait3A_243, %dma_wait3A_244] : memref<4x2x128xi32, #tpu.memory_space<vmem>> -> memref<1x2x128xi32, #tpu.memory_space<vmem>>
        %dma_wait3A_246 = tpu.memref_squeeze %dma_wait3A_245 : memref<1x2x128xi32, #tpu.memory_space<vmem>> -> memref<2x128xi32, #tpu.memory_space<vmem>>
        %dma_wait3A_247 = arith.constant 0 : i32
        %dma_wait3A_248 = arith.constant 0 : i32
        %dma_wait3A_249 = tpu.memref_slice %arg3[%add3A, %dma_wait3A_247, %dma_wait3A_248] : memref<2560x2x128xi32, #tpu.memory_space<hbm>> -> memref<1x2x128xi32, #tpu.memory_space<hbm>>
        %dma_wait3A_250 = tpu.memref_squeeze %dma_wait3A_249 : memref<1x2x128xi32, #tpu.memory_space<hbm>> -> memref<2x128xi32, #tpu.memory_space<hbm>>
        tpu.wait_dma2 semaphore(%arg12 : memref<!tpu.dma_semaphore, #tpu.memory_space<semaphore_mem>>) src(%dma_wait3A_250 : memref<2x128xi32, #tpu.memory_space<hbm>>) dst(%dma_wait3A_246 : memref<2x128xi32, #tpu.memory_space<vmem>>)
        %ge3A = arith.constant 1 : i32
        %ge3A_251 = arith.cmpi sge, %add3A_94, %ge3A : i32
        %convert_element_type3A_252 = arith.extui %ge3A_251 : i1 to i32
        %cond3A_253 = arith.constant 0 : i32
        %cond3A_254 = arith.cmpi ne, %convert_element_type3A_252, %cond3A_253 : i32
        scf.if %cond3A_254 {
          %add3A_267 = arith.constant 3 : i32
          %add3A_268 = arith.addi %add3A_94, %add3A_267 : i32
          %jit3A_269 = arith.constant 4 : i32
          %eq3A_270 = arith.constant 0 : i32
          %eq3A_271 = arith.cmpi eq, %jit3A_269, %eq3A_270 : i32
          %jit3A_272 = arith.constant 1 : i32
          %select_n3A_273 = arith.select %eq3A_271, %jit3A_272, %jit3A_269 : i32
          %rem3A_274 = arith.remsi %add3A_268, %select_n3A_273 : i32
          %ne3A_275 = arith.constant 0 : i32
          %ne3A_276 = arith.cmpi ne, %rem3A_274, %ne3A_275 : i32
          %lt3A_277 = arith.constant 0 : i32
          %lt3A_278 = arith.cmpi slt, %rem3A_274, %lt3A_277 : i32
          %lt3A_279 = arith.constant 0 : i32
          %lt3A_280 = arith.cmpi slt, %select_n3A_273, %lt3A_279 : i32
          %ne3A_281 = arith.xori %lt3A_278, %lt3A_280 : i1
          %and3A_282 = arith.andi %ne3A_281, %ne3A_276 : i1
          %add3A_283 = arith.addi %rem3A_274, %select_n3A_273 : i32
          %select_n3A_284 = arith.select %and3A_282, %add3A_283, %rem3A_274 : i32
          %dma_wait3A_285 = arith.constant 1 : i32
          %dma_wait3A_286 = arith.constant 1 : i32
          %dma_wait3A_287 = arith.constant 0 : i32
          %dma_wait3A_288 = arith.constant 0 : i32
          %dma_wait3A_289 = tpu.memref_slice %arg7[%dma_wait3A_285, %dma_wait3A_287, %dma_wait3A_288] : memref<2x128x128xf32, #tpu.memory_space<vmem>> -> memref<1x128x128xf32, #tpu.memory_space<vmem>>
          %dma_wait3A_290 = tpu.memref_squeeze %dma_wait3A_289 : memref<1x128x128xf32, #tpu.memory_space<vmem>> -> memref<128x128xf32, #tpu.memory_space<vmem>>
          %dma_wait3A_291 = arith.constant 0 : i32
          %dma_wait3A_292 = tpu.memref_slice %arg6[%select_n3A_284, %dma_wait3A_286, %dma_wait3A_291] : memref<4x2x128xi32, #tpu.memory_space<vmem>> -> memref<1x1x128xi32, #tpu.memory_space<vmem>>
          %dma_wait3A_293 = tpu.memref_squeeze %dma_wait3A_292 : memref<1x1x128xi32, #tpu.memory_space<vmem>> -> memref<128xi32, #tpu.memory_space<vmem>>
          %dma_wait3A_294 = arith.constant 0 : i32
          %dma_wait3A_295 = arith.constant 0 : i32
          %dma_wait3A_296 = tpu.memref_slice %arg5[%dma_wait3A_294, %dma_wait3A_295] : memref<10256x128xf32, #tpu.memory_space<vmem_shared>> -> memref<10256x128xf32, #tpu.memory_space<vmem_shared>>
          tpu.wait_indirect_dma semaphore(%arg14 : memref<!tpu.dma_semaphore, #tpu.memory_space<semaphore_mem>>) src(%dma_wait3A_290 : memref<128x128xf32, #tpu.memory_space<vmem>>) dst(%dma_wait3A_296 : memref<10256x128xf32, #tpu.memory_space<vmem_shared>>)
        } else {
        }
        %dma_start3A_255 = arith.constant 0 : i32
        %dma_start3A_256 = arith.constant 1 : i32
        %dma_start3A_257 = arith.constant 0 : i32
        %dma_start3A_258 = arith.constant 0 : i32
        %dma_start3A_259 = tpu.memref_slice %arg7[%dma_start3A_256, %dma_start3A_257, %dma_start3A_258] : memref<2x128x128xf32, #tpu.memory_space<vmem>> -> memref<1x128x128xf32, #tpu.memory_space<vmem>>
        %dma_start3A_260 = tpu.memref_squeeze %dma_start3A_259 : memref<1x128x128xf32, #tpu.memory_space<vmem>> -> memref<128x128xf32, #tpu.memory_space<vmem>>
        %dma_start3A_261 = arith.constant 0 : i32
        %dma_start3A_262 = tpu.memref_slice %arg6[%select_n3A_122, %dma_start3A_255, %dma_start3A_261] : memref<4x2x128xi32, #tpu.memory_space<vmem>> -> memref<1x1x128xi32, #tpu.memory_space<vmem>>
        %dma_start3A_263 = tpu.memref_squeeze %dma_start3A_262 : memref<1x1x128xi32, #tpu.memory_space<vmem>> -> memref<128xi32, #tpu.memory_space<vmem>>
        %dma_start3A_264 = arith.constant 0 : i32
        %dma_start3A_265 = arith.constant 0 : i32
        %dma_start3A_266 = tpu.memref_slice %arg2[%dma_start3A_264, %dma_start3A_265] : memref<160000x128xf32, #tpu.memory_space<hbm>> -> memref<160000x128xf32, #tpu.memory_space<hbm>>
        tpu.enqueue_indirect_dma source(%dma_start3A_266 : memref<160000x128xf32, #tpu.memory_space<hbm>>) target(%dma_start3A_260 : memref<128x128xf32, #tpu.memory_space<vmem>>) offsets(%dma_start3A_263 : memref<128xi32, #tpu.memory_space<vmem>>) semaphore(%arg10 : memref<!tpu.dma_semaphore, #tpu.memory_space<semaphore_mem>>)
      } else {
      }
      %dma_start3A_142 = arith.constant 0 : i32
      %dma_start3A_143 = arith.constant 1 : i32
      %dma_start3A_144 = arith.constant 0 : i32
      %dma_start3A_145 = arith.constant 0 : i32
      %dma_start3A_146 = tpu.memref_slice %arg7[%dma_start3A_142, %dma_start3A_144, %dma_start3A_145] : memref<2x128x128xf32, #tpu.memory_space<vmem>> -> memref<1x128x128xf32, #tpu.memory_space<vmem>>
      %dma_start3A_147 = tpu.memref_squeeze %dma_start3A_146 : memref<1x128x128xf32, #tpu.memory_space<vmem>> -> memref<128x128xf32, #tpu.memory_space<vmem>>
      %dma_start3A_148 = arith.constant 0 : i32
      %dma_start3A_149 = tpu.memref_slice %arg6[%select_n3A_104, %dma_start3A_143, %dma_start3A_148] : memref<4x2x128xi32, #tpu.memory_space<vmem>> -> memref<1x1x128xi32, #tpu.memory_space<vmem>>
      %dma_start3A_150 = tpu.memref_squeeze %dma_start3A_149 : memref<1x1x128xi32, #tpu.memory_space<vmem>> -> memref<128xi32, #tpu.memory_space<vmem>>
      %dma_start3A_151 = arith.constant 0 : i32
      %dma_start3A_152 = arith.constant 0 : i32
      %dma_start3A_153 = tpu.memref_slice %arg5[%dma_start3A_151, %dma_start3A_152] : memref<10256x128xf32, #tpu.memory_space<vmem_shared>> -> memref<10256x128xf32, #tpu.memory_space<vmem_shared>>
      tpu.enqueue_indirect_dma source(%dma_start3A_147 : memref<128x128xf32, #tpu.memory_space<vmem>>) target(%dma_start3A_153 : memref<10256x128xf32, #tpu.memory_space<vmem_shared>>) offsets(%dma_start3A_150 : memref<128xi32, #tpu.memory_space<vmem>>) semaphore(%arg13 : memref<!tpu.dma_semaphore, #tpu.memory_space<semaphore_mem>>) {add = true}
      %add3A_154 = arith.constant 2 : i32
      %add3A_155 = arith.addi %add3A_94, %add3A_154 : i32
      %lt3A_156 = arith.constant 80 : i32
      %lt3A_157 = arith.cmpi slt, %add3A_155, %lt3A_156 : i32
      %convert_element_type3A_158 = arith.extui %lt3A_157 : i1 to i32
      %cond3A_159 = arith.constant 0 : i32
      %cond3A_160 = arith.cmpi ne, %convert_element_type3A_158, %cond3A_159 : i32
      scf.if %cond3A_160 {
        %add3A_235 = arith.constant 2 : i32
        %add3A_236 = arith.addi %add3A_94, %add3A_235 : i32
        %mul3A_237 = arith.constant 32 : i32
        %mul3A_238 = arith.muli %add3A_236, %mul3A_237 : i32
        %add3A_239 = arith.addi %add3A, %mul3A_238 : i32
        %add3A_240 = arith.constant 2 : i32
        %add3A_241 = arith.addi %add3A_94, %add3A_240 : i32
        %jit3A_242 = arith.constant 4 : i32
        %eq3A_243 = arith.constant 0 : i32
        %eq3A_244 = arith.cmpi eq, %jit3A_242, %eq3A_243 : i32
        %jit3A_245 = arith.constant 1 : i32
        %select_n3A_246 = arith.select %eq3A_244, %jit3A_245, %jit3A_242 : i32
        %rem3A_247 = arith.remsi %add3A_241, %select_n3A_246 : i32
        %ne3A_248 = arith.constant 0 : i32
        %ne3A_249 = arith.cmpi ne, %rem3A_247, %ne3A_248 : i32
        %lt3A_250 = arith.constant 0 : i32
        %lt3A_251 = arith.cmpi slt, %rem3A_247, %lt3A_250 : i32
        %lt3A_252 = arith.constant 0 : i32
        %lt3A_253 = arith.cmpi slt, %select_n3A_246, %lt3A_252 : i32
        %ne3A_254 = arith.xori %lt3A_251, %lt3A_253 : i1
        %and3A_255 = arith.andi %ne3A_254, %ne3A_249 : i1
        %add3A_256 = arith.addi %rem3A_247, %select_n3A_246 : i32
        %select_n3A_257 = arith.select %and3A_255, %add3A_256, %rem3A_247 : i32
        %dma_start3A_258 = arith.constant 0 : i32
        %dma_start3A_259 = arith.constant 0 : i32
        %dma_start3A_260 = tpu.memref_slice %arg6[%select_n3A_257, %dma_start3A_258, %dma_start3A_259] : memref<4x2x128xi32, #tpu.memory_space<vmem>> -> memref<1x2x128xi32, #tpu.memory_space<vmem>>
        %dma_start3A_261 = tpu.memref_squeeze %dma_start3A_260 : memref<1x2x128xi32, #tpu.memory_space<vmem>> -> memref<2x128xi32, #tpu.memory_space<vmem>>
        %dma_start3A_262 = arith.constant 0 : i32
        %dma_start3A_263 = arith.constant 0 : i32
        %dma_start3A_264 = tpu.memref_slice %arg3[%add3A_239, %dma_start3A_262, %dma_start3A_263] : memref<2560x2x128xi32, #tpu.memory_space<hbm>> -> memref<1x2x128xi32, #tpu.memory_space<hbm>>
        %dma_start3A_265 = tpu.memref_squeeze %dma_start3A_264 : memref<1x2x128xi32, #tpu.memory_space<hbm>> -> memref<2x128xi32, #tpu.memory_space<hbm>>
        %dma_start3A_266 = arith.constant 0 : i32
        %dma_start3A_267 = arith.constant 0 : i32
        %dma_start3A_268 = tpu.memref_slice %arg6[%select_n3A_257, %dma_start3A_266, %dma_start3A_267] : memref<4x2x128xi32, #tpu.memory_space<vmem>> -> memref<1x2x128xi32, #tpu.memory_space<vmem>>
        %dma_start3A_269 = tpu.memref_squeeze %dma_start3A_268 : memref<1x2x128xi32, #tpu.memory_space<vmem>> -> memref<2x128xi32, #tpu.memory_space<vmem>>
        %dma_start3A_270 = arith.constant 0 : i32
        %dma_start3A_271 = arith.constant 0 : i32
        %dma_start3A_272 = tpu.memref_slice %arg3[%add3A_239, %dma_start3A_270, %dma_start3A_271] : memref<2560x2x128xi32, #tpu.memory_space<hbm>> -> memref<1x2x128xi32, #tpu.memory_space<hbm>>
        %dma_start3A_273 = tpu.memref_squeeze %dma_start3A_272 : memref<1x2x128xi32, #tpu.memory_space<hbm>> -> memref<2x128xi32, #tpu.memory_space<hbm>>
        tpu.enqueue_dma source(%dma_start3A_273 : memref<2x128xi32, #tpu.memory_space<hbm>>) target(%dma_start3A_269 : memref<2x128xi32, #tpu.memory_space<vmem>>) target_semaphore(%arg11 : memref<!tpu.dma_semaphore, #tpu.memory_space<semaphore_mem>>)
      } else {
      }
      %add3A_161 = arith.constant 1 : i32
      %add3A_162 = arith.addi %mul3A_92, %add3A_161 : i32
      %jit3A_163 = arith.constant 4 : i32
      %eq3A_164 = arith.constant 0 : i32
      %eq3A_165 = arith.cmpi eq, %jit3A_163, %eq3A_164 : i32
      %jit3A_166 = arith.constant 1 : i32
      %select_n3A_167 = arith.select %eq3A_165, %jit3A_166, %jit3A_163 : i32
      %rem3A_168 = arith.remsi %add3A_162, %select_n3A_167 : i32
      %ne3A_169 = arith.constant 0 : i32
      %ne3A_170 = arith.cmpi ne, %rem3A_168, %ne3A_169 : i32
      %lt3A_171 = arith.constant 0 : i32
      %lt3A_172 = arith.cmpi slt, %rem3A_168, %lt3A_171 : i32
      %lt3A_173 = arith.constant 0 : i32
      %lt3A_174 = arith.cmpi slt, %select_n3A_167, %lt3A_173 : i32
      %ne3A_175 = arith.xori %lt3A_172, %lt3A_174 : i1
      %and3A_176 = arith.andi %ne3A_175, %ne3A_170 : i1
      %add3A_177 = arith.addi %rem3A_168, %select_n3A_167 : i32
      %select_n3A_178 = arith.select %and3A_176, %add3A_177, %rem3A_168 : i32
      %add3A_179 = arith.constant 1 : i32
      %add3A_180 = arith.addi %add3A_162, %add3A_179 : i32
      %jit3A_181 = arith.constant 4 : i32
      %eq3A_182 = arith.constant 0 : i32
      %eq3A_183 = arith.cmpi eq, %jit3A_181, %eq3A_182 : i32
      %jit3A_184 = arith.constant 1 : i32
      %select_n3A_185 = arith.select %eq3A_183, %jit3A_184, %jit3A_181 : i32
      %rem3A_186 = arith.remsi %add3A_180, %select_n3A_185 : i32
      %ne3A_187 = arith.constant 0 : i32
      %ne3A_188 = arith.cmpi ne, %rem3A_186, %ne3A_187 : i32
      %lt3A_189 = arith.constant 0 : i32
      %lt3A_190 = arith.cmpi slt, %rem3A_186, %lt3A_189 : i32
      %lt3A_191 = arith.constant 0 : i32
      %lt3A_192 = arith.cmpi slt, %select_n3A_185, %lt3A_191 : i32
      %ne3A_193 = arith.xori %lt3A_190, %lt3A_192 : i1
      %and3A_194 = arith.andi %ne3A_193, %ne3A_188 : i1
      %add3A_195 = arith.addi %rem3A_186, %select_n3A_185 : i32
      %select_n3A_196 = arith.select %and3A_194, %add3A_195, %rem3A_186 : i32
      %dma_wait3A_197 = arith.constant 0 : i32
      %dma_wait3A_198 = arith.constant 1 : i32
      %dma_wait3A_199 = arith.constant 0 : i32
      %dma_wait3A_200 = arith.constant 0 : i32
      %dma_wait3A_201 = tpu.memref_slice %arg7[%dma_wait3A_198, %dma_wait3A_199, %dma_wait3A_200] : memref<2x128x128xf32, #tpu.memory_space<vmem>> -> memref<1x128x128xf32, #tpu.memory_space<vmem>>
      %dma_wait3A_202 = tpu.memref_squeeze %dma_wait3A_201 : memref<1x128x128xf32, #tpu.memory_space<vmem>> -> memref<128x128xf32, #tpu.memory_space<vmem>>
      %dma_wait3A_203 = arith.constant 0 : i32
      %dma_wait3A_204 = tpu.memref_slice %arg6[%select_n3A_178, %dma_wait3A_197, %dma_wait3A_203] : memref<4x2x128xi32, #tpu.memory_space<vmem>> -> memref<1x1x128xi32, #tpu.memory_space<vmem>>
      %dma_wait3A_205 = tpu.memref_squeeze %dma_wait3A_204 : memref<1x1x128xi32, #tpu.memory_space<vmem>> -> memref<128xi32, #tpu.memory_space<vmem>>
      %dma_wait3A_206 = arith.constant 0 : i32
      %dma_wait3A_207 = arith.constant 0 : i32
      %dma_wait3A_208 = tpu.memref_slice %arg2[%dma_wait3A_206, %dma_wait3A_207] : memref<160000x128xf32, #tpu.memory_space<hbm>> -> memref<160000x128xf32, #tpu.memory_space<hbm>>
      tpu.wait_indirect_dma semaphore(%arg10 : memref<!tpu.dma_semaphore, #tpu.memory_space<semaphore_mem>>) src(%dma_wait3A_208 : memref<160000x128xf32, #tpu.memory_space<hbm>>) dst(%dma_wait3A_202 : memref<128x128xf32, #tpu.memory_space<vmem>>)
      %add3A_209 = arith.constant 1 : i32
      %add3A_210 = arith.addi %add3A_162, %add3A_209 : i32
      %lt3A_211 = arith.constant 80 : i32
      %lt3A_212 = arith.cmpi slt, %add3A_210, %lt3A_211 : i32
      %convert_element_type3A_213 = arith.extui %lt3A_212 : i1 to i32
      %cond3A_214 = arith.constant 0 : i32
      %cond3A_215 = arith.cmpi ne, %convert_element_type3A_213, %cond3A_214 : i32
      scf.if %cond3A_215 {
        %dma_wait3A_235 = arith.constant 0 : i32
        %dma_wait3A_236 = arith.constant 0 : i32
        %dma_wait3A_237 = tpu.memref_slice %arg6[%select_n3A_196, %dma_wait3A_235, %dma_wait3A_236] : memref<4x2x128xi32, #tpu.memory_space<vmem>> -> memref<1x2x128xi32, #tpu.memory_space<vmem>>
        %dma_wait3A_238 = tpu.memref_squeeze %dma_wait3A_237 : memref<1x2x128xi32, #tpu.memory_space<vmem>> -> memref<2x128xi32, #tpu.memory_space<vmem>>
        %dma_wait3A_239 = arith.constant 0 : i32
        %dma_wait3A_240 = arith.constant 0 : i32
        %dma_wait3A_241 = tpu.memref_slice %arg3[%add3A, %dma_wait3A_239, %dma_wait3A_240] : memref<2560x2x128xi32, #tpu.memory_space<hbm>> -> memref<1x2x128xi32, #tpu.memory_space<hbm>>
        %dma_wait3A_242 = tpu.memref_squeeze %dma_wait3A_241 : memref<1x2x128xi32, #tpu.memory_space<hbm>> -> memref<2x128xi32, #tpu.memory_space<hbm>>
        %dma_wait3A_243 = arith.constant 0 : i32
        %dma_wait3A_244 = arith.constant 0 : i32
        %dma_wait3A_245 = tpu.memref_slice %arg6[%select_n3A_196, %dma_wait3A_243, %dma_wait3A_244] : memref<4x2x128xi32, #tpu.memory_space<vmem>> -> memref<1x2x128xi32, #tpu.memory_space<vmem>>
        %dma_wait3A_246 = tpu.memref_squeeze %dma_wait3A_245 : memref<1x2x128xi32, #tpu.memory_space<vmem>> -> memref<2x128xi32, #tpu.memory_space<vmem>>
        %dma_wait3A_247 = arith.constant 0 : i32
        %dma_wait3A_248 = arith.constant 0 : i32
        %dma_wait3A_249 = tpu.memref_slice %arg3[%add3A, %dma_wait3A_247, %dma_wait3A_248] : memref<2560x2x128xi32, #tpu.memory_space<hbm>> -> memref<1x2x128xi32, #tpu.memory_space<hbm>>
        %dma_wait3A_250 = tpu.memref_squeeze %dma_wait3A_249 : memref<1x2x128xi32, #tpu.memory_space<hbm>> -> memref<2x128xi32, #tpu.memory_space<hbm>>
        tpu.wait_dma2 semaphore(%arg11 : memref<!tpu.dma_semaphore, #tpu.memory_space<semaphore_mem>>) src(%dma_wait3A_250 : memref<2x128xi32, #tpu.memory_space<hbm>>) dst(%dma_wait3A_246 : memref<2x128xi32, #tpu.memory_space<vmem>>)
        %ge3A = arith.constant 1 : i32
        %ge3A_251 = arith.cmpi sge, %add3A_162, %ge3A : i32
        %convert_element_type3A_252 = arith.extui %ge3A_251 : i1 to i32
        %cond3A_253 = arith.constant 0 : i32
        %cond3A_254 = arith.cmpi ne, %convert_element_type3A_252, %cond3A_253 : i32
        scf.if %cond3A_254 {
          %add3A_267 = arith.constant 3 : i32
          %add3A_268 = arith.addi %add3A_162, %add3A_267 : i32
          %jit3A_269 = arith.constant 4 : i32
          %eq3A_270 = arith.constant 0 : i32
          %eq3A_271 = arith.cmpi eq, %jit3A_269, %eq3A_270 : i32
          %jit3A_272 = arith.constant 1 : i32
          %select_n3A_273 = arith.select %eq3A_271, %jit3A_272, %jit3A_269 : i32
          %rem3A_274 = arith.remsi %add3A_268, %select_n3A_273 : i32
          %ne3A_275 = arith.constant 0 : i32
          %ne3A_276 = arith.cmpi ne, %rem3A_274, %ne3A_275 : i32
          %lt3A_277 = arith.constant 0 : i32
          %lt3A_278 = arith.cmpi slt, %rem3A_274, %lt3A_277 : i32
          %lt3A_279 = arith.constant 0 : i32
          %lt3A_280 = arith.cmpi slt, %select_n3A_273, %lt3A_279 : i32
          %ne3A_281 = arith.xori %lt3A_278, %lt3A_280 : i1
          %and3A_282 = arith.andi %ne3A_281, %ne3A_276 : i1
          %add3A_283 = arith.addi %rem3A_274, %select_n3A_273 : i32
          %select_n3A_284 = arith.select %and3A_282, %add3A_283, %rem3A_274 : i32
          %dma_wait3A_285 = arith.constant 0 : i32
          %dma_wait3A_286 = arith.constant 1 : i32
          %dma_wait3A_287 = arith.constant 0 : i32
          %dma_wait3A_288 = arith.constant 0 : i32
          %dma_wait3A_289 = tpu.memref_slice %arg7[%dma_wait3A_285, %dma_wait3A_287, %dma_wait3A_288] : memref<2x128x128xf32, #tpu.memory_space<vmem>> -> memref<1x128x128xf32, #tpu.memory_space<vmem>>
          %dma_wait3A_290 = tpu.memref_squeeze %dma_wait3A_289 : memref<1x128x128xf32, #tpu.memory_space<vmem>> -> memref<128x128xf32, #tpu.memory_space<vmem>>
          %dma_wait3A_291 = arith.constant 0 : i32
          %dma_wait3A_292 = tpu.memref_slice %arg6[%select_n3A_284, %dma_wait3A_286, %dma_wait3A_291] : memref<4x2x128xi32, #tpu.memory_space<vmem>> -> memref<1x1x128xi32, #tpu.memory_space<vmem>>
          %dma_wait3A_293 = tpu.memref_squeeze %dma_wait3A_292 : memref<1x1x128xi32, #tpu.memory_space<vmem>> -> memref<128xi32, #tpu.memory_space<vmem>>
          %dma_wait3A_294 = arith.constant 0 : i32
          %dma_wait3A_295 = arith.constant 0 : i32
          %dma_wait3A_296 = tpu.memref_slice %arg5[%dma_wait3A_294, %dma_wait3A_295] : memref<10256x128xf32, #tpu.memory_space<vmem_shared>> -> memref<10256x128xf32, #tpu.memory_space<vmem_shared>>
          tpu.wait_indirect_dma semaphore(%arg13 : memref<!tpu.dma_semaphore, #tpu.memory_space<semaphore_mem>>) src(%dma_wait3A_290 : memref<128x128xf32, #tpu.memory_space<vmem>>) dst(%dma_wait3A_296 : memref<10256x128xf32, #tpu.memory_space<vmem_shared>>)
        } else {
        }
        %dma_start3A_255 = arith.constant 0 : i32
        %dma_start3A_256 = arith.constant 0 : i32
        %dma_start3A_257 = arith.constant 0 : i32
        %dma_start3A_258 = arith.constant 0 : i32
        %dma_start3A_259 = tpu.memref_slice %arg7[%dma_start3A_256, %dma_start3A_257, %dma_start3A_258] : memref<2x128x128xf32, #tpu.memory_space<vmem>> -> memref<1x128x128xf32, #tpu.memory_space<vmem>>
        %dma_start3A_260 = tpu.memref_squeeze %dma_start3A_259 : memref<1x128x128xf32, #tpu.memory_space<vmem>> -> memref<128x128xf32, #tpu.memory_space<vmem>>
        %dma_start3A_261 = arith.constant 0 : i32
        %dma_start3A_262 = tpu.memref_slice %arg6[%select_n3A_196, %dma_start3A_255, %dma_start3A_261] : memref<4x2x128xi32, #tpu.memory_space<vmem>> -> memref<1x1x128xi32, #tpu.memory_space<vmem>>
        %dma_start3A_263 = tpu.memref_squeeze %dma_start3A_262 : memref<1x1x128xi32, #tpu.memory_space<vmem>> -> memref<128xi32, #tpu.memory_space<vmem>>
        %dma_start3A_264 = arith.constant 0 : i32
        %dma_start3A_265 = arith.constant 0 : i32
        %dma_start3A_266 = tpu.memref_slice %arg2[%dma_start3A_264, %dma_start3A_265] : memref<160000x128xf32, #tpu.memory_space<hbm>> -> memref<160000x128xf32, #tpu.memory_space<hbm>>
        tpu.enqueue_indirect_dma source(%dma_start3A_266 : memref<160000x128xf32, #tpu.memory_space<hbm>>) target(%dma_start3A_260 : memref<128x128xf32, #tpu.memory_space<vmem>>) offsets(%dma_start3A_263 : memref<128xi32, #tpu.memory_space<vmem>>) semaphore(%arg9 : memref<!tpu.dma_semaphore, #tpu.memory_space<semaphore_mem>>)
      } else {
      }
      %dma_start3A_216 = arith.constant 1 : i32
      %dma_start3A_217 = arith.constant 1 : i32
      %dma_start3A_218 = arith.constant 0 : i32
      %dma_start3A_219 = arith.constant 0 : i32
      %dma_start3A_220 = tpu.memref_slice %arg7[%dma_start3A_216, %dma_start3A_218, %dma_start3A_219] : memref<2x128x128xf32, #tpu.memory_space<vmem>> -> memref<1x128x128xf32, #tpu.memory_space<vmem>>
      %dma_start3A_221 = tpu.memref_squeeze %dma_start3A_220 : memref<1x128x128xf32, #tpu.memory_space<vmem>> -> memref<128x128xf32, #tpu.memory_space<vmem>>
      %dma_start3A_222 = arith.constant 0 : i32
      %dma_start3A_223 = tpu.memref_slice %arg6[%select_n3A_178, %dma_start3A_217, %dma_start3A_222] : memref<4x2x128xi32, #tpu.memory_space<vmem>> -> memref<1x1x128xi32, #tpu.memory_space<vmem>>
      %dma_start3A_224 = tpu.memref_squeeze %dma_start3A_223 : memref<1x1x128xi32, #tpu.memory_space<vmem>> -> memref<128xi32, #tpu.memory_space<vmem>>
      %dma_start3A_225 = arith.constant 0 : i32
      %dma_start3A_226 = arith.constant 0 : i32
      %dma_start3A_227 = tpu.memref_slice %arg5[%dma_start3A_225, %dma_start3A_226] : memref<10256x128xf32, #tpu.memory_space<vmem_shared>> -> memref<10256x128xf32, #tpu.memory_space<vmem_shared>>
      tpu.enqueue_indirect_dma source(%dma_start3A_221 : memref<128x128xf32, #tpu.memory_space<vmem>>) target(%dma_start3A_227 : memref<10256x128xf32, #tpu.memory_space<vmem_shared>>) offsets(%dma_start3A_224 : memref<128xi32, #tpu.memory_space<vmem>>) semaphore(%arg14 : memref<!tpu.dma_semaphore, #tpu.memory_space<semaphore_mem>>) {add = true}
      %add3A_228 = arith.constant 2 : i32
      %add3A_229 = arith.addi %add3A_162, %add3A_228 : i32
      %lt3A_230 = arith.constant 80 : i32
      %lt3A_231 = arith.cmpi slt, %add3A_229, %lt3A_230 : i32
      %convert_element_type3A_232 = arith.extui %lt3A_231 : i1 to i32
      %cond3A_233 = arith.constant 0 : i32
      %cond3A_234 = arith.cmpi ne, %convert_element_type3A_232, %cond3A_233 : i32
      scf.if %cond3A_234 {
        %add3A_235 = arith.constant 2 : i32
        %add3A_236 = arith.addi %add3A_162, %add3A_235 : i32
        %mul3A_237 = arith.constant 32 : i32
        %mul3A_238 = arith.muli %add3A_236, %mul3A_237 : i32
        %add3A_239 = arith.addi %add3A, %mul3A_238 : i32
        %add3A_240 = arith.constant 2 : i32
        %add3A_241 = arith.addi %add3A_162, %add3A_240 : i32
        %jit3A_242 = arith.constant 4 : i32
        %eq3A_243 = arith.constant 0 : i32
        %eq3A_244 = arith.cmpi eq, %jit3A_242, %eq3A_243 : i32
        %jit3A_245 = arith.constant 1 : i32
        %select_n3A_246 = arith.select %eq3A_244, %jit3A_245, %jit3A_242 : i32
        %rem3A_247 = arith.remsi %add3A_241, %select_n3A_246 : i32
        %ne3A_248 = arith.constant 0 : i32
        %ne3A_249 = arith.cmpi ne, %rem3A_247, %ne3A_248 : i32
        %lt3A_250 = arith.constant 0 : i32
        %lt3A_251 = arith.cmpi slt, %rem3A_247, %lt3A_250 : i32
        %lt3A_252 = arith.constant 0 : i32
        %lt3A_253 = arith.cmpi slt, %select_n3A_246, %lt3A_252 : i32
        %ne3A_254 = arith.xori %lt3A_251, %lt3A_253 : i1
        %and3A_255 = arith.andi %ne3A_254, %ne3A_249 : i1
        %add3A_256 = arith.addi %rem3A_247, %select_n3A_246 : i32
        %select_n3A_257 = arith.select %and3A_255, %add3A_256, %rem3A_247 : i32
        %dma_start3A_258 = arith.constant 0 : i32
        %dma_start3A_259 = arith.constant 0 : i32
        %dma_start3A_260 = tpu.memref_slice %arg6[%select_n3A_257, %dma_start3A_258, %dma_start3A_259] : memref<4x2x128xi32, #tpu.memory_space<vmem>> -> memref<1x2x128xi32, #tpu.memory_space<vmem>>
        %dma_start3A_261 = tpu.memref_squeeze %dma_start3A_260 : memref<1x2x128xi32, #tpu.memory_space<vmem>> -> memref<2x128xi32, #tpu.memory_space<vmem>>
        %dma_start3A_262 = arith.constant 0 : i32
        %dma_start3A_263 = arith.constant 0 : i32
        %dma_start3A_264 = tpu.memref_slice %arg3[%add3A_239, %dma_start3A_262, %dma_start3A_263] : memref<2560x2x128xi32, #tpu.memory_space<hbm>> -> memref<1x2x128xi32, #tpu.memory_space<hbm>>
        %dma_start3A_265 = tpu.memref_squeeze %dma_start3A_264 : memref<1x2x128xi32, #tpu.memory_space<hbm>> -> memref<2x128xi32, #tpu.memory_space<hbm>>
        %dma_start3A_266 = arith.constant 0 : i32
        %dma_start3A_267 = arith.constant 0 : i32
        %dma_start3A_268 = tpu.memref_slice %arg6[%select_n3A_257, %dma_start3A_266, %dma_start3A_267] : memref<4x2x128xi32, #tpu.memory_space<vmem>> -> memref<1x2x128xi32, #tpu.memory_space<vmem>>
        %dma_start3A_269 = tpu.memref_squeeze %dma_start3A_268 : memref<1x2x128xi32, #tpu.memory_space<vmem>> -> memref<2x128xi32, #tpu.memory_space<vmem>>
        %dma_start3A_270 = arith.constant 0 : i32
        %dma_start3A_271 = arith.constant 0 : i32
        %dma_start3A_272 = tpu.memref_slice %arg3[%add3A_239, %dma_start3A_270, %dma_start3A_271] : memref<2560x2x128xi32, #tpu.memory_space<hbm>> -> memref<1x2x128xi32, #tpu.memory_space<hbm>>
        %dma_start3A_273 = tpu.memref_squeeze %dma_start3A_272 : memref<1x2x128xi32, #tpu.memory_space<hbm>> -> memref<2x128xi32, #tpu.memory_space<hbm>>
        tpu.enqueue_dma source(%dma_start3A_273 : memref<2x128xi32, #tpu.memory_space<hbm>>) target(%dma_start3A_269 : memref<2x128xi32, #tpu.memory_space<vmem>>) target_semaphore(%arg12 : memref<!tpu.dma_semaphore, #tpu.memory_space<semaphore_mem>>)
      } else {
      }
    }
    %scan3A_56 = arith.constant 40 : i32
    %dma_wait3A = arith.constant 0 : i32
    %dma_wait3A_57 = arith.constant 0 : i32
    %dma_wait3A_58 = arith.constant 1 : i32
    %dma_wait3A_59 = arith.constant 0 : i32
    %dma_wait3A_60 = arith.constant 0 : i32
    %dma_wait3A_61 = tpu.memref_slice %arg7[%dma_wait3A, %dma_wait3A_59, %dma_wait3A_60] : memref<2x128x128xf32, #tpu.memory_space<vmem>> -> memref<1x128x128xf32, #tpu.memory_space<vmem>>
    %dma_wait3A_62 = tpu.memref_squeeze %dma_wait3A_61 : memref<1x128x128xf32, #tpu.memory_space<vmem>> -> memref<128x128xf32, #tpu.memory_space<vmem>>
    %dma_wait3A_63 = arith.constant 0 : i32
    %dma_wait3A_64 = tpu.memref_slice %arg6[%dma_wait3A_57, %dma_wait3A_58, %dma_wait3A_63] : memref<4x2x128xi32, #tpu.memory_space<vmem>> -> memref<1x1x128xi32, #tpu.memory_space<vmem>>
    %dma_wait3A_65 = tpu.memref_squeeze %dma_wait3A_64 : memref<1x1x128xi32, #tpu.memory_space<vmem>> -> memref<128xi32, #tpu.memory_space<vmem>>
    %dma_wait3A_66 = arith.constant 0 : i32
    %dma_wait3A_67 = arith.constant 0 : i32
    %dma_wait3A_68 = tpu.memref_slice %arg5[%dma_wait3A_66, %dma_wait3A_67] : memref<10256x128xf32, #tpu.memory_space<vmem_shared>> -> memref<10256x128xf32, #tpu.memory_space<vmem_shared>>
    tpu.wait_indirect_dma semaphore(%arg13 : memref<!tpu.dma_semaphore, #tpu.memory_space<semaphore_mem>>) src(%dma_wait3A_62 : memref<128x128xf32, #tpu.memory_space<vmem>>) dst(%dma_wait3A_68 : memref<10256x128xf32, #tpu.memory_space<vmem_shared>>)
    %dma_wait3A_69 = arith.constant 1 : i32
    %dma_wait3A_70 = arith.constant 1 : i32
    %dma_wait3A_71 = arith.constant 1 : i32
    %dma_wait3A_72 = arith.constant 0 : i32
    %dma_wait3A_73 = arith.constant 0 : i32
    %dma_wait3A_74 = tpu.memref_slice %arg7[%dma_wait3A_69, %dma_wait3A_72, %dma_wait3A_73] : memref<2x128x128xf32, #tpu.memory_space<vmem>> -> memref<1x128x128xf32, #tpu.memory_space<vmem>>
    %dma_wait3A_75 = tpu.memref_squeeze %dma_wait3A_74 : memref<1x128x128xf32, #tpu.memory_space<vmem>> -> memref<128x128xf32, #tpu.memory_space<vmem>>
    %dma_wait3A_76 = arith.constant 0 : i32
    %dma_wait3A_77 = tpu.memref_slice %arg6[%dma_wait3A_70, %dma_wait3A_71, %dma_wait3A_76] : memref<4x2x128xi32, #tpu.memory_space<vmem>> -> memref<1x1x128xi32, #tpu.memory_space<vmem>>
    %dma_wait3A_78 = tpu.memref_squeeze %dma_wait3A_77 : memref<1x1x128xi32, #tpu.memory_space<vmem>> -> memref<128xi32, #tpu.memory_space<vmem>>
    %dma_wait3A_79 = arith.constant 0 : i32
    %dma_wait3A_80 = arith.constant 0 : i32
    %dma_wait3A_81 = tpu.memref_slice %arg5[%dma_wait3A_79, %dma_wait3A_80] : memref<10256x128xf32, #tpu.memory_space<vmem_shared>> -> memref<10256x128xf32, #tpu.memory_space<vmem_shared>>
    tpu.wait_indirect_dma semaphore(%arg14 : memref<!tpu.dma_semaphore, #tpu.memory_space<semaphore_mem>>) src(%dma_wait3A_75 : memref<128x128xf32, #tpu.memory_space<vmem>>) dst(%dma_wait3A_81 : memref<10256x128xf32, #tpu.memory_space<vmem_shared>>)
    %barrier3A_82 = arith.constant 0 : index
    tpu.barrier barrier_id(%barrier3A_82)
    %mul3A_83 = arith.constant 624 : i32
    %mul3A_84 = arith.muli %arg1, %mul3A_83 : i32
    "tpu.region"() ({
      %run_scoped3A_90 = tpu.sem_alloc : memref<!tpu.dma_semaphore, #tpu.memory_space<semaphore_mem>>
      %dma_start3A_91 = arith.constant 0 : i32
      %dma_start3A_92 = tpu.memref_slice %arg4[%arg0, %mul3A_84, %dma_start3A_91] : memref<2x10000x128xf32, #tpu.memory_space<hbm>> -> memref<1x624x128xf32, #tpu.memory_space<hbm>>
      %dma_start3A_93 = tpu.memref_squeeze %dma_start3A_92 : memref<1x624x128xf32, #tpu.memory_space<hbm>> -> memref<624x128xf32, #tpu.memory_space<hbm>>
      %dma_start3A_94 = arith.constant 0 : i32
      %dma_start3A_95 = tpu.memref_slice %arg5[%mul3A_84, %dma_start3A_94] : memref<10256x128xf32, #tpu.memory_space<vmem_shared>> -> memref<624x128xf32, #tpu.memory_space<vmem_shared>>
      tpu.enqueue_dma source(%dma_start3A_95 : memref<624x128xf32, #tpu.memory_space<vmem_shared>>) target(%dma_start3A_93 : memref<624x128xf32, #tpu.memory_space<hbm>>) target_semaphore(%run_scoped3A_90 : memref<!tpu.dma_semaphore, #tpu.memory_space<semaphore_mem>>)
      %dma_wait3A_96 = arith.constant 0 : i32
      %dma_wait3A_97 = tpu.memref_slice %arg4[%arg0, %mul3A_84, %dma_wait3A_96] : memref<2x10000x128xf32, #tpu.memory_space<hbm>> -> memref<1x624x128xf32, #tpu.memory_space<hbm>>
      %dma_wait3A_98 = tpu.memref_squeeze %dma_wait3A_97 : memref<1x624x128xf32, #tpu.memory_space<hbm>> -> memref<624x128xf32, #tpu.memory_space<hbm>>
      %dma_wait3A_99 = arith.constant 0 : i32
      %dma_wait3A_100 = tpu.memref_slice %arg5[%mul3A_84, %dma_wait3A_99] : memref<10256x128xf32, #tpu.memory_space<vmem_shared>> -> memref<624x128xf32, #tpu.memory_space<vmem_shared>>
      tpu.wait_dma2 semaphore(%run_scoped3A_90 : memref<!tpu.dma_semaphore, #tpu.memory_space<semaphore_mem>>) src(%dma_wait3A_100 : memref<624x128xf32, #tpu.memory_space<vmem_shared>>) dst(%dma_wait3A_98 : memref<624x128xf32, #tpu.memory_space<hbm>>)
      tpu.yield
    }) : () -> ()
    %eq3A_85 = arith.constant 0 : i32
    %eq3A_86 = arith.cmpi eq, %arg1, %eq3A_85 : i32
    %convert_element_type3A_87 = arith.extui %eq3A_86 : i1 to i32
    %cond3A_88 = arith.constant 0 : i32
    %cond3A_89 = arith.cmpi ne, %convert_element_type3A_87, %cond3A_88 : i32
    scf.if %cond3A_89 {
      "tpu.region"() ({
        %run_scoped3A_90 = tpu.sem_alloc : memref<!tpu.dma_semaphore, #tpu.memory_space<semaphore_mem>>
        %dma_start3A_91 = arith.constant 9984 : i32
        %dma_start3A_92 = arith.constant 0 : i32
        %dma_start3A_93 = tpu.memref_slice %arg4[%arg0, %dma_start3A_91, %dma_start3A_92] : memref<2x10000x128xf32, #tpu.memory_space<hbm>> -> memref<1x16x128xf32, #tpu.memory_space<hbm>>
        %dma_start3A_94 = tpu.memref_squeeze %dma_start3A_93 : memref<1x16x128xf32, #tpu.memory_space<hbm>> -> memref<16x128xf32, #tpu.memory_space<hbm>>
        %dma_start3A_95 = arith.constant 9984 : i32
        %dma_start3A_96 = arith.constant 0 : i32
        %dma_start3A_97 = tpu.memref_slice %arg5[%dma_start3A_95, %dma_start3A_96] : memref<10256x128xf32, #tpu.memory_space<vmem_shared>> -> memref<16x128xf32, #tpu.memory_space<vmem_shared>>
        tpu.enqueue_dma source(%dma_start3A_97 : memref<16x128xf32, #tpu.memory_space<vmem_shared>>) target(%dma_start3A_94 : memref<16x128xf32, #tpu.memory_space<hbm>>) target_semaphore(%run_scoped3A_90 : memref<!tpu.dma_semaphore, #tpu.memory_space<semaphore_mem>>)
        %dma_wait3A_98 = arith.constant 9984 : i32
        %dma_wait3A_99 = arith.constant 0 : i32
        %dma_wait3A_100 = tpu.memref_slice %arg4[%arg0, %dma_wait3A_98, %dma_wait3A_99] : memref<2x10000x128xf32, #tpu.memory_space<hbm>> -> memref<1x16x128xf32, #tpu.memory_space<hbm>>
        %dma_wait3A_101 = tpu.memref_squeeze %dma_wait3A_100 : memref<1x16x128xf32, #tpu.memory_space<hbm>> -> memref<16x128xf32, #tpu.memory_space<hbm>>
        %dma_wait3A_102 = arith.constant 9984 : i32
        %dma_wait3A_103 = arith.constant 0 : i32
        %dma_wait3A_104 = tpu.memref_slice %arg5[%dma_wait3A_102, %dma_wait3A_103] : memref<10256x128xf32, #tpu.memory_space<vmem_shared>> -> memref<16x128xf32, #tpu.memory_space<vmem_shared>>
        tpu.wait_dma2 semaphore(%run_scoped3A_90 : memref<!tpu.dma_semaphore, #tpu.memory_space<semaphore_mem>>) src(%dma_wait3A_104 : memref<16x128xf32, #tpu.memory_space<vmem_shared>>) dst(%dma_wait3A_101 : memref<16x128xf32, #tpu.memory_space<hbm>>)
        tpu.yield
      }) : () -> ()
    } else {
    }
    return
  }
}

module attributes {stable_mosaic.version = 14 : i64} {
  func.func @_fd_body(%arg0: i32, %arg1: memref<256x128xi32, #tpu.memory_space<vmem>>, %arg2: memref<256x128xi32, #tpu.memory_space<vmem>>, %arg3: memref<256x128xi32, #tpu.memory_space<vmem>>, %arg4: memref<256x2x128xi32, #tpu.memory_space<vmem>>) attributes {dimension_semantics = [#tpu.dimension_semantics<arbitrary>], iteration_bounds = array<i64: 10>, scalar_prefetch = 0 : i64, scratch_operands = 0 : i64, tpu.core_type = #tpu.core_type<tc>, window_params = [{transform_indices = @transform_0, window_bounds = array<i64: 256, 128>}, {transform_indices = @transform_1, window_bounds = array<i64: 256, 128>}, {transform_indices = @transform_2, window_bounds = array<i64: 256, 128>}, {transform_indices = @transform_3, window_bounds = array<i64: 256, 2, 128>}]} {
    %get3A = arith.constant 0 : index
    %get3A_0 = arith.constant 0 : index
    %get3A_1 = vector.load %arg2[%get3A, %get3A_0] : memref<256x128xi32, #tpu.memory_space<vmem>>, vector<256x128xi32>
    %mul3A = arith.constant 10000 : i32
    %mul3A_2 = vector.broadcast %mul3A : i32 to vector<256x128xi32>
    %mul3A_3 = arith.muli %get3A_1, %mul3A_2 : vector<256x128xi32>
    %get3A_4 = arith.constant 0 : index
    %get3A_5 = arith.constant 0 : index
    %get3A_6 = vector.load %arg1[%get3A_4, %get3A_5] : memref<256x128xi32, #tpu.memory_space<vmem>>, vector<256x128xi32>
    %add3A = arith.addi %mul3A_3, %get3A_6 : vector<256x128xi32>
    %swap3A = arith.constant 0 : index
    %swap3A_7 = arith.constant 0 : index
    %swap3A_8 = arith.constant 0 : index
    %swap3A_9 = vector.load %arg4[%swap3A, %swap3A_7, %swap3A_8] : memref<256x2x128xi32, #tpu.memory_space<vmem>>, vector<256x1x128xi32>
    %swap3A_10 = vector.shape_cast %swap3A_9 : vector<256x1x128xi32> to vector<256x128xi32>
    %swap3A_11 = vector.shape_cast %add3A : vector<256x128xi32> to vector<256x1x128xi32>
    tpu.vector_store %arg4[%swap3A, %swap3A_7, %swap3A_8], %swap3A_11 {strides = array<i32>} : memref<256x2x128xi32, #tpu.memory_space<vmem>>, vector<256x1x128xi32>,
    %get3A_12 = arith.constant 0 : index
    %get3A_13 = arith.constant 0 : index
    %get3A_14 = vector.load %arg3[%get3A_12, %get3A_13] : memref<256x128xi32, #tpu.memory_space<vmem>>, vector<256x128xi32>
    %swap3A_15 = arith.constant 0 : index
    %swap3A_16 = arith.constant 1 : index
    %swap3A_17 = arith.constant 0 : index
    %swap3A_18 = vector.load %arg4[%swap3A_15, %swap3A_16, %swap3A_17] : memref<256x2x128xi32, #tpu.memory_space<vmem>>, vector<256x1x128xi32>
    %swap3A_19 = vector.shape_cast %swap3A_18 : vector<256x1x128xi32> to vector<256x128xi32>
    %swap3A_20 = vector.shape_cast %get3A_14 : vector<256x128xi32> to vector<256x1x128xi32>
    tpu.vector_store %arg4[%swap3A_15, %swap3A_16, %swap3A_17], %swap3A_20 {strides = array<i32>} : memref<256x2x128xi32, #tpu.memory_space<vmem>>, vector<256x1x128xi32>,
    return
  }
  func.func @transform_0(%arg0: i32) -> (i32, i32) {
    %c0_i32 = arith.constant 0 : i32
    %c0_i32_0 = arith.constant 0 : i32
    return %arg0, %c0_i32 : i32, i32
  }
  func.func @transform_1(%arg0: i32) -> (i32, i32) {
    %c0_i32 = arith.constant 0 : i32
    %c0_i32_0 = arith.constant 0 : i32
    return %arg0, %c0_i32 : i32, i32
  }
  func.func @transform_2(%arg0: i32) -> (i32, i32) {
    %c0_i32 = arith.constant 0 : i32
    %c0_i32_0 = arith.constant 0 : i32
    return %arg0, %c0_i32 : i32, i32
  }
  func.func @transform_3(%arg0: i32) -> (i32, i32, i32) {
    %c0_i32 = arith.constant 0 : i32
    %c0_i32_0 = arith.constant 0 : i32
    %c0_i32_1 = arith.constant 0 : i32
    return %arg0, %c0_i32, %c0_i32_0 : i32, i32, i32
  }
}

module attributes {stable_mosaic.version = 14 : i64} {
  func.func @_pregate_body(%arg0: i32, %arg1: memref<1000x128xf32, #tpu.memory_space<vmem>>, %arg2: memref<16x128xf32, #tpu.memory_space<vmem>>, %arg3: memref<16x1000x128xf32, #tpu.memory_space<vmem>>) attributes {dimension_semantics = [#tpu.dimension_semantics<arbitrary>], iteration_bounds = array<i64: 10>, scalar_prefetch = 0 : i64, scratch_operands = 0 : i64, tpu.core_type = #tpu.core_type<tc>, window_params = [{transform_indices = @transform_0, window_bounds = array<i64: 1000, 128>}, {pipeline_mode = #tpu.pipeline_mode<synchronous>, transform_indices = @transform_1, window_bounds = array<i64: 16, 128>}, {transform_indices = @transform_2, window_bounds = array<i64: 16, 1000, 128>}]} {
    %get3A = arith.constant 0 : index
    %get3A_0 = arith.constant 0 : index
    %get3A_1 = vector.load %arg2[%get3A, %get3A_0] : memref<16x128xf32, #tpu.memory_space<vmem>>, vector<16x128xf32>
    %broadcast_in_dim3A = vector.shape_cast %get3A_1 : vector<16x128xf32> to vector<16x1x128xf32>
    %get3A_2 = arith.constant 0 : index
    %get3A_3 = arith.constant 0 : index
    %get3A_4 = vector.load %arg1[%get3A_2, %get3A_3] : memref<1000x128xf32, #tpu.memory_space<vmem>>, vector<1000x128xf32>
    %broadcast_in_dim3A_5 = vector.shape_cast %get3A_4 : vector<1000x128xf32> to vector<1x1000x128xf32>
    %mul3A = vector.broadcast %broadcast_in_dim3A : vector<16x1x128xf32> to vector<16x1000x128xf32>
    %mul3A_6 = vector.broadcast %broadcast_in_dim3A_5 : vector<1x1000x128xf32> to vector<16x1000x128xf32>
    %mul3A_7 = arith.mulf %mul3A, %mul3A_6 : vector<16x1000x128xf32>
    %swap3A = arith.constant 0 : index
    %swap3A_8 = arith.constant 0 : index
    %swap3A_9 = arith.constant 0 : index
    %swap3A_10 = vector.load %arg3[%swap3A, %swap3A_8, %swap3A_9] : memref<16x1000x128xf32, #tpu.memory_space<vmem>>, vector<16x1000x128xf32>
    tpu.vector_store %arg3[%swap3A, %swap3A_8, %swap3A_9], %mul3A_7 {strides = array<i32>} : memref<16x1000x128xf32, #tpu.memory_space<vmem>>, vector<16x1000x128xf32>,
    return
  }
  func.func @transform_0(%arg0: i32) -> (i32, i32) {
    %c0_i32 = arith.constant 0 : i32
    %c0_i32_0 = arith.constant 0 : i32
    return %arg0, %c0_i32 : i32, i32
  }
  func.func @transform_1(%arg0: i32) -> (i32, i32) {
    %c0_i32 = arith.constant 0 : i32
    %c0_i32_0 = arith.constant 0 : i32
    %c0_i32_1 = arith.constant 0 : i32
    return %c0_i32, %c0_i32_0 : i32, i32
  }
  func.func @transform_2(%arg0: i32) -> (i32, i32, i32) {
    %c0_i32 = arith.constant 0 : i32
    %c0_i32_0 = arith.constant 0 : i32
    %c0_i32_1 = arith.constant 0 : i32
    return %c0_i32, %arg0, %c0_i32_0 : i32, i32, i32
  }
}

module attributes {stable_mosaic.version = 14 : i64} {
  func.func @_dense_body(%arg0: i32, %arg1: memref<2x1000x128xf32, #tpu.memory_space<vmem>>, %arg2: memref<2x1000x128xf32, #tpu.memory_space<vmem>>, %arg3: memref<1000x128xf32, #tpu.memory_space<vmem>>, %arg4: memref<128x128xf32, #tpu.memory_space<vmem>>, %arg5: memref<1x128xf32, #tpu.memory_space<vmem>>, %arg6: memref<1x128xf32, #tpu.memory_space<vmem>>, %arg7: memref<1x128xf32, #tpu.memory_space<vmem>>, %arg8: memref<16x128xf32, #tpu.memory_space<vmem>>, %arg9: memref<1x128xf32, #tpu.memory_space<vmem>>, %arg10: memref<1000x128xf32, #tpu.memory_space<vmem>>, %arg11: memref<16x1000x128xf32, #tpu.memory_space<vmem>>) attributes {dimension_semantics = [#tpu.dimension_semantics<arbitrary>], iteration_bounds = array<i64: 10>, scalar_prefetch = 0 : i64, scratch_operands = 0 : i64, tpu.core_type = #tpu.core_type<tc>, window_params = [{transform_indices = @transform_0, window_bounds = array<i64: 2, 1000, 128>}, {transform_indices = @transform_1, window_bounds = array<i64: 2, 1000, 128>}, {transform_indices = @transform_2, window_bounds = array<i64: 1000, 128>}, {pipeline_mode = #tpu.pipeline_mode<synchronous>, transform_indices = @transform_3, window_bounds = array<i64: 128, 128>}, {pipeline_mode = #tpu.pipeline_mode<synchronous>, transform_indices = @transform_4, window_bounds = array<i64: 1, 128>}, {pipeline_mode = #tpu.pipeline_mode<synchronous>, transform_indices = @transform_5, window_bounds = array<i64: 1, 128>}, {pipeline_mode = #tpu.pipeline_mode<synchronous>, transform_indices = @transform_6, window_bounds = array<i64: 1, 128>}, {pipeline_mode = #tpu.pipeline_mode<synchronous>, transform_indices = @transform_7, window_bounds = array<i64: 16, 128>}, {pipeline_mode = #tpu.pipeline_mode<synchronous>, transform_indices = @transform_8, window_bounds = array<i64: 1, 128>}, {transform_indices = @transform_9, window_bounds = array<i64: 1000, 128>}, {transform_indices = @transform_10, window_bounds = array<i64: 16, 1000, 128>}]} {
    %get3A = arith.constant 0 : index
    %get3A_0 = arith.constant 0 : index
    %get3A_1 = arith.constant 0 : index
    %get3A_2 = vector.load %arg2[%get3A, %get3A_0, %get3A_1] : memref<2x1000x128xf32, #tpu.memory_space<vmem>>, vector<1x1000x1xf32>
    %get3A_3 = vector.shape_cast %get3A_2 : vector<1x1000x1xf32> to vector<1000x1xf32>
    %get3A_4 = arith.constant 1 : index
    %get3A_5 = arith.constant 0 : index
    %get3A_6 = arith.constant 0 : index
    %get3A_7 = vector.load %arg2[%get3A_4, %get3A_5, %get3A_6] : memref<2x1000x128xf32, #tpu.memory_space<vmem>>, vector<1x1000x1xf32>
    %get3A_8 = vector.shape_cast %get3A_7 : vector<1x1000x1xf32> to vector<1000x1xf32>
    %add3A = arith.addf %get3A_3, %get3A_8 : vector<1000x1xf32>
    %max3A = arith.constant 1.000000e+00 : f32
    %max3A_9 = vector.broadcast %max3A : f32 to vector<1000x1xf32>
    %max3A_10 = arith.maximumf %add3A, %max3A_9 : vector<1000x1xf32>
    %get3A_11 = arith.constant 0 : index
    %get3A_12 = arith.constant 0 : index
    %get3A_13 = arith.constant 0 : index
    %get3A_14 = vector.load %arg1[%get3A_11, %get3A_12, %get3A_13] : memref<2x1000x128xf32, #tpu.memory_space<vmem>>, vector<1x1000x128xf32>
    %get3A_15 = vector.shape_cast %get3A_14 : vector<1x1000x128xf32> to vector<1000x128xf32>
    %get3A_16 = arith.constant 1 : index
    %get3A_17 = arith.constant 0 : index
    %get3A_18 = arith.constant 0 : index
    %get3A_19 = vector.load %arg1[%get3A_16, %get3A_17, %get3A_18] : memref<2x1000x128xf32, #tpu.memory_space<vmem>>, vector<1x1000x128xf32>
    %get3A_20 = vector.shape_cast %get3A_19 : vector<1x1000x128xf32> to vector<1000x128xf32>
    %add3A_21 = arith.addf %get3A_15, %get3A_20 : vector<1000x128xf32>
    %div3A = vector.broadcast %max3A_10 : vector<1000x1xf32> to vector<1000x128xf32>
    %div3A_22 = arith.divf %add3A_21, %div3A : vector<1000x128xf32>
    %get3A_23 = arith.constant 0 : index
    %get3A_24 = arith.constant 0 : index
    %get3A_25 = vector.load %arg4[%get3A_23, %get3A_24] : memref<128x128xf32, #tpu.memory_space<vmem>>, vector<128x128xf32>
    %dot_general3A = arith.constant dense<0.000000e+00> : vector<1000x128xf32>
    %dot_general3A_26 = tpu.matmul %div3A_22, %get3A_25, %dot_general3A {dimension_numbers = #tpu.dot_dimension_numbers<[1], [0], [0], [1], [0, 0, 1, 1], [], []>, transpose_lhs_hint = false} : vector<1000x128xf32>, vector<128x128xf32>, vector<1000x128xf32> -> vector<1000x128xf32>
    %get3A_27 = arith.constant 0 : index
    %get3A_28 = arith.constant 0 : index
    %get3A_29 = vector.load %arg5[%get3A_27, %get3A_28] : memref<1x128xf32, #tpu.memory_space<vmem>>, vector<1x128xf32>
    %add3A_30 = vector.broadcast %get3A_29 : vector<1x128xf32> to vector<1000x128xf32>
    %add3A_31 = arith.addf %dot_general3A_26, %add3A_30 : vector<1000x128xf32>
    %max3A_32 = arith.constant 0.000000e+00 : f32
    %max3A_33 = vector.broadcast %max3A_32 : f32 to vector<1000x128xf32>
    %max3A_34 = arith.maximumf %add3A_31, %max3A_33 : vector<1000x128xf32>
    %get3A_35 = arith.constant 0 : index
    %get3A_36 = arith.constant 0 : index
    %get3A_37 = vector.load %arg3[%get3A_35, %get3A_36] : memref<1000x128xf32, #tpu.memory_space<vmem>>, vector<1000x128xf32>
    %add3A_38 = arith.addf %get3A_37, %max3A_34 : vector<1000x128xf32>
    %reduce_sum3A = arith.constant dense<0.000000e+00> : vector<1000xf32>
    %reduce_sum3A_39 = vector.multi_reduction <add>, %add3A_38, %reduce_sum3A [1] : vector<1000x128xf32> to vector<1000xf32>
    %broadcast_in_dim3A = vector.shape_cast %reduce_sum3A_39 : vector<1000xf32> to vector<1000x1xf32>
    %div3A_40 = arith.constant 1.280000e+02 : f32
    %div3A_41 = vector.broadcast %div3A_40 : f32 to vector<1000x1xf32>
    %div3A_42 = arith.divf %broadcast_in_dim3A, %div3A_41 : vector<1000x1xf32>
    %sub3A = vector.broadcast %div3A_42 : vector<1000x1xf32> to vector<1000x128xf32>
    %sub3A_43 = arith.subf %add3A_38, %sub3A : vector<1000x128xf32>
    %integer_pow3A = arith.mulf %sub3A_43, %sub3A_43 : vector<1000x128xf32>
    %reduce_sum3A_44 = arith.constant dense<0.000000e+00> : vector<1000xf32>
    %reduce_sum3A_45 = vector.multi_reduction <add>, %integer_pow3A, %reduce_sum3A_44 [1] : vector<1000x128xf32> to vector<1000xf32>
    %broadcast_in_dim3A_46 = vector.shape_cast %reduce_sum3A_45 : vector<1000xf32> to vector<1000x1xf32>
    %div3A_47 = arith.constant 1.280000e+02 : f32
    %div3A_48 = vector.broadcast %div3A_47 : f32 to vector<1000x1xf32>
    %div3A_49 = arith.divf %broadcast_in_dim3A_46, %div3A_48 : vector<1000x1xf32>
    %sub3A_50 = vector.broadcast %div3A_42 : vector<1000x1xf32> to vector<1000x128xf32>
    %sub3A_51 = arith.subf %add3A_38, %sub3A_50 : vector<1000x128xf32>
    %add3A_52 = arith.constant 9.99999974E-6 : f32
    %add3A_53 = vector.broadcast %add3A_52 : f32 to vector<1000x1xf32>
    %add3A_54 = arith.addf %div3A_49, %add3A_53 : vector<1000x1xf32>
    %rsqrt3A = math.rsqrt %add3A_54 : vector<1000x1xf32>
    %mul3A = vector.broadcast %rsqrt3A : vector<1000x1xf32> to vector<1000x128xf32>
    %mul3A_55 = arith.mulf %sub3A_51, %mul3A : vector<1000x128xf32>
    %get3A_56 = arith.constant 0 : index
    %get3A_57 = arith.constant 0 : index
    %get3A_58 = vector.load %arg6[%get3A_56, %get3A_57] : memref<1x128xf32, #tpu.memory_space<vmem>>, vector<1x128xf32>
    %mul3A_59 = vector.broadcast %get3A_58 : vector<1x128xf32> to vector<1000x128xf32>
    %mul3A_60 = arith.mulf %mul3A_55, %mul3A_59 : vector<1000x128xf32>
    %get3A_61 = arith.constant 0 : index
    %get3A_62 = arith.constant 0 : index
    %get3A_63 = vector.load %arg7[%get3A_61, %get3A_62] : memref<1x128xf32, #tpu.memory_space<vmem>>, vector<1x128xf32>
    %add3A_64 = vector.broadcast %get3A_63 : vector<1x128xf32> to vector<1000x128xf32>
    %add3A_65 = arith.addf %mul3A_60, %add3A_64 : vector<1000x128xf32>
    %swap3A = arith.constant 0 : index
    %swap3A_66 = arith.constant 0 : index
    %swap3A_67 = vector.load %arg10[%swap3A, %swap3A_66] : memref<1000x128xf32, #tpu.memory_space<vmem>>, vector<1000x128xf32>
    tpu.vector_store %arg10[%swap3A, %swap3A_66], %add3A_65 {strides = array<i32>} : memref<1000x128xf32, #tpu.memory_space<vmem>>, vector<1000x128xf32>,
    %get3A_68 = arith.constant 0 : index
    %get3A_69 = arith.constant 0 : index
    %get3A_70 = vector.load %arg8[%get3A_68, %get3A_69] : memref<16x128xf32, #tpu.memory_space<vmem>>, vector<16x128xf32>
    %broadcast_in_dim3A_71 = vector.shape_cast %get3A_70 : vector<16x128xf32> to vector<16x1x128xf32>
    %broadcast_in_dim3A_72 = vector.shape_cast %add3A_65 : vector<1000x128xf32> to vector<1x1000x128xf32>
    %mul3A_73 = vector.broadcast %broadcast_in_dim3A_71 : vector<16x1x128xf32> to vector<16x1000x128xf32>
    %mul3A_74 = vector.broadcast %broadcast_in_dim3A_72 : vector<1x1000x128xf32> to vector<16x1000x128xf32>
    %mul3A_75 = arith.mulf %mul3A_73, %mul3A_74 : vector<16x1000x128xf32>
    %swap3A_76 = arith.constant 0 : index
    %swap3A_77 = arith.constant 0 : index
    %swap3A_78 = arith.constant 0 : index
    %swap3A_79 = vector.load %arg11[%swap3A_76, %swap3A_77, %swap3A_78] : memref<16x1000x128xf32, #tpu.memory_space<vmem>>, vector<16x1000x128xf32>
    tpu.vector_store %arg11[%swap3A_76, %swap3A_77, %swap3A_78], %mul3A_75 {strides = array<i32>} : memref<16x1000x128xf32, #tpu.memory_space<vmem>>, vector<16x1000x128xf32>,
    return
  }
  func.func @transform_0(%arg0: i32) -> (i32, i32, i32) {
    %c0_i32 = arith.constant 0 : i32
    %c0_i32_0 = arith.constant 0 : i32
    %c0_i32_1 = arith.constant 0 : i32
    return %c0_i32, %arg0, %c0_i32_0 : i32, i32, i32
  }
  func.func @transform_1(%arg0: i32) -> (i32, i32, i32) {
    %c0_i32 = arith.constant 0 : i32
    %c0_i32_0 = arith.constant 0 : i32
    %c0_i32_1 = arith.constant 0 : i32
    return %c0_i32, %arg0, %c0_i32_0 : i32, i32, i32
  }
  func.func @transform_2(%arg0: i32) -> (i32, i32) {
    %c0_i32 = arith.constant 0 : i32
    %c0_i32_0 = arith.constant 0 : i32
    return %arg0, %c0_i32 : i32, i32
  }
  func.func @transform_3(%arg0: i32) -> (i32, i32) {
    %c0_i32 = arith.constant 0 : i32
    %c0_i32_0 = arith.constant 0 : i32
    %c0_i32_1 = arith.constant 0 : i32
    return %c0_i32, %c0_i32_0 : i32, i32
  }
  func.func @transform_4(%arg0: i32) -> (i32, i32) {
    %c0_i32 = arith.constant 0 : i32
    %c0_i32_0 = arith.constant 0 : i32
    %c0_i32_1 = arith.constant 0 : i32
    return %c0_i32, %c0_i32_0 : i32, i32
  }
  func.func @transform_5(%arg0: i32) -> (i32, i32) {
    %c0_i32 = arith.constant 0 : i32
    %c0_i32_0 = arith.constant 0 : i32
    %c0_i32_1 = arith.constant 0 : i32
    return %c0_i32, %c0_i32_0 : i32, i32
  }
  func.func @transform_6(%arg0: i32) -> (i32, i32) {
    %c0_i32 = arith.constant 0 : i32
    %c0_i32_0 = arith.constant 0 : i32
    %c0_i32_1 = arith.constant 0 : i32
    return %c0_i32, %c0_i32_0 : i32, i32
  }
  func.func @transform_7(%arg0: i32) -> (i32, i32) {
    %c0_i32 = arith.constant 0 : i32
    %c0_i32_0 = arith.constant 0 : i32
    %c0_i32_1 = arith.constant 0 : i32
    return %c0_i32, %c0_i32_0 : i32, i32
  }
  func.func @transform_8(%arg0: i32) -> (i32, i32) {
    %c0_i32 = arith.constant 0 : i32
    %c0_i32_0 = arith.constant 0 : i32
    %c0_i32_1 = arith.constant 0 : i32
    return %c0_i32, %c0_i32_0 : i32, i32
  }
  func.func @transform_9(%arg0: i32) -> (i32, i32) {
    %c0_i32 = arith.constant 0 : i32
    %c0_i32_0 = arith.constant 0 : i32
    return %arg0, %c0_i32 : i32, i32
  }
  func.func @transform_10(%arg0: i32) -> (i32, i32, i32) {
    %c0_i32 = arith.constant 0 : i32
    %c0_i32_0 = arith.constant 0 : i32
    %c0_i32_1 = arith.constant 0 : i32
    return %c0_i32, %arg0, %c0_i32_0 : i32, i32, i32
  }
}

module attributes {stable_mosaic.version = 14 : i64} {
  func.func @_dense_body(%arg0: i32, %arg1: memref<2x1000x128xf32, #tpu.memory_space<vmem>>, %arg2: memref<2x1000x128xf32, #tpu.memory_space<vmem>>, %arg3: memref<1000x128xf32, #tpu.memory_space<vmem>>, %arg4: memref<128x128xf32, #tpu.memory_space<vmem>>, %arg5: memref<1x128xf32, #tpu.memory_space<vmem>>, %arg6: memref<1x128xf32, #tpu.memory_space<vmem>>, %arg7: memref<1x128xf32, #tpu.memory_space<vmem>>, %arg8: memref<1x128xf32, #tpu.memory_space<vmem>>, %arg9: memref<1x128xf32, #tpu.memory_space<vmem>>, %arg10: memref<1000x128xf32, #tpu.memory_space<vmem>>) attributes {dimension_semantics = [#tpu.dimension_semantics<arbitrary>], iteration_bounds = array<i64: 10>, scalar_prefetch = 0 : i64, scratch_operands = 0 : i64, tpu.core_type = #tpu.core_type<tc>, window_params = [{transform_indices = @transform_0, window_bounds = array<i64: 2, 1000, 128>}, {transform_indices = @transform_1, window_bounds = array<i64: 2, 1000, 128>}, {transform_indices = @transform_2, window_bounds = array<i64: 1000, 128>}, {pipeline_mode = #tpu.pipeline_mode<synchronous>, transform_indices = @transform_3, window_bounds = array<i64: 128, 128>}, {pipeline_mode = #tpu.pipeline_mode<synchronous>, transform_indices = @transform_4, window_bounds = array<i64: 1, 128>}, {pipeline_mode = #tpu.pipeline_mode<synchronous>, transform_indices = @transform_5, window_bounds = array<i64: 1, 128>}, {pipeline_mode = #tpu.pipeline_mode<synchronous>, transform_indices = @transform_6, window_bounds = array<i64: 1, 128>}, {pipeline_mode = #tpu.pipeline_mode<synchronous>, transform_indices = @transform_7, window_bounds = array<i64: 1, 128>}, {pipeline_mode = #tpu.pipeline_mode<synchronous>, transform_indices = @transform_8, window_bounds = array<i64: 1, 128>}, {transform_indices = @transform_9, window_bounds = array<i64: 1000, 128>}]} {
    %get3A = arith.constant 0 : index
    %get3A_0 = arith.constant 0 : index
    %get3A_1 = arith.constant 0 : index
    %get3A_2 = vector.load %arg2[%get3A, %get3A_0, %get3A_1] : memref<2x1000x128xf32, #tpu.memory_space<vmem>>, vector<1x1000x1xf32>
    %get3A_3 = vector.shape_cast %get3A_2 : vector<1x1000x1xf32> to vector<1000x1xf32>
    %get3A_4 = arith.constant 1 : index
    %get3A_5 = arith.constant 0 : index
    %get3A_6 = arith.constant 0 : index
    %get3A_7 = vector.load %arg2[%get3A_4, %get3A_5, %get3A_6] : memref<2x1000x128xf32, #tpu.memory_space<vmem>>, vector<1x1000x1xf32>
    %get3A_8 = vector.shape_cast %get3A_7 : vector<1x1000x1xf32> to vector<1000x1xf32>
    %add3A = arith.addf %get3A_3, %get3A_8 : vector<1000x1xf32>
    %max3A = arith.constant 1.000000e+00 : f32
    %max3A_9 = vector.broadcast %max3A : f32 to vector<1000x1xf32>
    %max3A_10 = arith.maximumf %add3A, %max3A_9 : vector<1000x1xf32>
    %get3A_11 = arith.constant 0 : index
    %get3A_12 = arith.constant 0 : index
    %get3A_13 = arith.constant 0 : index
    %get3A_14 = vector.load %arg1[%get3A_11, %get3A_12, %get3A_13] : memref<2x1000x128xf32, #tpu.memory_space<vmem>>, vector<1x1000x128xf32>
    %get3A_15 = vector.shape_cast %get3A_14 : vector<1x1000x128xf32> to vector<1000x128xf32>
    %get3A_16 = arith.constant 1 : index
    %get3A_17 = arith.constant 0 : index
    %get3A_18 = arith.constant 0 : index
    %get3A_19 = vector.load %arg1[%get3A_16, %get3A_17, %get3A_18] : memref<2x1000x128xf32, #tpu.memory_space<vmem>>, vector<1x1000x128xf32>
    %get3A_20 = vector.shape_cast %get3A_19 : vector<1x1000x128xf32> to vector<1000x128xf32>
    %add3A_21 = arith.addf %get3A_15, %get3A_20 : vector<1000x128xf32>
    %div3A = vector.broadcast %max3A_10 : vector<1000x1xf32> to vector<1000x128xf32>
    %div3A_22 = arith.divf %add3A_21, %div3A : vector<1000x128xf32>
    %get3A_23 = arith.constant 0 : index
    %get3A_24 = arith.constant 0 : index
    %get3A_25 = vector.load %arg4[%get3A_23, %get3A_24] : memref<128x128xf32, #tpu.memory_space<vmem>>, vector<128x128xf32>
    %dot_general3A = arith.constant dense<0.000000e+00> : vector<1000x128xf32>
    %dot_general3A_26 = tpu.matmul %div3A_22, %get3A_25, %dot_general3A {dimension_numbers = #tpu.dot_dimension_numbers<[1], [0], [0], [1], [0, 0, 1, 1], [], []>, transpose_lhs_hint = false} : vector<1000x128xf32>, vector<128x128xf32>, vector<1000x128xf32> -> vector<1000x128xf32>
    %get3A_27 = arith.constant 0 : index
    %get3A_28 = arith.constant 0 : index
    %get3A_29 = vector.load %arg5[%get3A_27, %get3A_28] : memref<1x128xf32, #tpu.memory_space<vmem>>, vector<1x128xf32>
    %add3A_30 = vector.broadcast %get3A_29 : vector<1x128xf32> to vector<1000x128xf32>
    %add3A_31 = arith.addf %dot_general3A_26, %add3A_30 : vector<1000x128xf32>
    %max3A_32 = arith.constant 0.000000e+00 : f32
    %max3A_33 = vector.broadcast %max3A_32 : f32 to vector<1000x128xf32>
    %max3A_34 = arith.maximumf %add3A_31, %max3A_33 : vector<1000x128xf32>
    %get3A_35 = arith.constant 0 : index
    %get3A_36 = arith.constant 0 : index
    %get3A_37 = vector.load %arg3[%get3A_35, %get3A_36] : memref<1000x128xf32, #tpu.memory_space<vmem>>, vector<1000x128xf32>
    %add3A_38 = arith.addf %get3A_37, %max3A_34 : vector<1000x128xf32>
    %reduce_sum3A = arith.constant dense<0.000000e+00> : vector<1000xf32>
    %reduce_sum3A_39 = vector.multi_reduction <add>, %add3A_38, %reduce_sum3A [1] : vector<1000x128xf32> to vector<1000xf32>
    %broadcast_in_dim3A = vector.shape_cast %reduce_sum3A_39 : vector<1000xf32> to vector<1000x1xf32>
    %div3A_40 = arith.constant 1.280000e+02 : f32
    %div3A_41 = vector.broadcast %div3A_40 : f32 to vector<1000x1xf32>
    %div3A_42 = arith.divf %broadcast_in_dim3A, %div3A_41 : vector<1000x1xf32>
    %sub3A = vector.broadcast %div3A_42 : vector<1000x1xf32> to vector<1000x128xf32>
    %sub3A_43 = arith.subf %add3A_38, %sub3A : vector<1000x128xf32>
    %integer_pow3A = arith.mulf %sub3A_43, %sub3A_43 : vector<1000x128xf32>
    %reduce_sum3A_44 = arith.constant dense<0.000000e+00> : vector<1000xf32>
    %reduce_sum3A_45 = vector.multi_reduction <add>, %integer_pow3A, %reduce_sum3A_44 [1] : vector<1000x128xf32> to vector<1000xf32>
    %broadcast_in_dim3A_46 = vector.shape_cast %reduce_sum3A_45 : vector<1000xf32> to vector<1000x1xf32>
    %div3A_47 = arith.constant 1.280000e+02 : f32
    %div3A_48 = vector.broadcast %div3A_47 : f32 to vector<1000x1xf32>
    %div3A_49 = arith.divf %broadcast_in_dim3A_46, %div3A_48 : vector<1000x1xf32>
    %sub3A_50 = vector.broadcast %div3A_42 : vector<1000x1xf32> to vector<1000x128xf32>
    %sub3A_51 = arith.subf %add3A_38, %sub3A_50 : vector<1000x128xf32>
    %add3A_52 = arith.constant 9.99999974E-6 : f32
    %add3A_53 = vector.broadcast %add3A_52 : f32 to vector<1000x1xf32>
    %add3A_54 = arith.addf %div3A_49, %add3A_53 : vector<1000x1xf32>
    %rsqrt3A = math.rsqrt %add3A_54 : vector<1000x1xf32>
    %mul3A = vector.broadcast %rsqrt3A : vector<1000x1xf32> to vector<1000x128xf32>
    %mul3A_55 = arith.mulf %sub3A_51, %mul3A : vector<1000x128xf32>
    %get3A_56 = arith.constant 0 : index
    %get3A_57 = arith.constant 0 : index
    %get3A_58 = vector.load %arg6[%get3A_56, %get3A_57] : memref<1x128xf32, #tpu.memory_space<vmem>>, vector<1x128xf32>
    %mul3A_59 = vector.broadcast %get3A_58 : vector<1x128xf32> to vector<1000x128xf32>
    %mul3A_60 = arith.mulf %mul3A_55, %mul3A_59 : vector<1000x128xf32>
    %get3A_61 = arith.constant 0 : index
    %get3A_62 = arith.constant 0 : index
    %get3A_63 = vector.load %arg7[%get3A_61, %get3A_62] : memref<1x128xf32, #tpu.memory_space<vmem>>, vector<1x128xf32>
    %add3A_64 = vector.broadcast %get3A_63 : vector<1x128xf32> to vector<1000x128xf32>
    %add3A_65 = arith.addf %mul3A_60, %add3A_64 : vector<1000x128xf32>
    %reduce_sum3A_66 = arith.constant dense<0.000000e+00> : vector<1000xf32>
    %reduce_sum3A_67 = vector.multi_reduction <add>, %add3A_65, %reduce_sum3A_66 [1] : vector<1000x128xf32> to vector<1000xf32>
    %broadcast_in_dim3A_68 = vector.shape_cast %reduce_sum3A_67 : vector<1000xf32> to vector<1000x1xf32>
    %div3A_69 = arith.constant 1.280000e+02 : f32
    %div3A_70 = vector.broadcast %div3A_69 : f32 to vector<1000x1xf32>
    %div3A_71 = arith.divf %broadcast_in_dim3A_68, %div3A_70 : vector<1000x1xf32>
    %sub3A_72 = vector.broadcast %div3A_71 : vector<1000x1xf32> to vector<1000x128xf32>
    %sub3A_73 = arith.subf %add3A_65, %sub3A_72 : vector<1000x128xf32>
    %integer_pow3A_74 = arith.mulf %sub3A_73, %sub3A_73 : vector<1000x128xf32>
    %reduce_sum3A_75 = arith.constant dense<0.000000e+00> : vector<1000xf32>
    %reduce_sum3A_76 = vector.multi_reduction <add>, %integer_pow3A_74, %reduce_sum3A_75 [1] : vector<1000x128xf32> to vector<1000xf32>
    %broadcast_in_dim3A_77 = vector.shape_cast %reduce_sum3A_76 : vector<1000xf32> to vector<1000x1xf32>
    %div3A_78 = arith.constant 1.280000e+02 : f32
    %div3A_79 = vector.broadcast %div3A_78 : f32 to vector<1000x1xf32>
    %div3A_80 = arith.divf %broadcast_in_dim3A_77, %div3A_79 : vector<1000x1xf32>
    %sub3A_81 = vector.broadcast %div3A_71 : vector<1000x1xf32> to vector<1000x128xf32>
    %sub3A_82 = arith.subf %add3A_65, %sub3A_81 : vector<1000x128xf32>
    %add3A_83 = arith.constant 9.99999974E-6 : f32
    %add3A_84 = vector.broadcast %add3A_83 : f32 to vector<1000x1xf32>
    %add3A_85 = arith.addf %div3A_80, %add3A_84 : vector<1000x1xf32>
    %rsqrt3A_86 = math.rsqrt %add3A_85 : vector<1000x1xf32>
    %mul3A_87 = vector.broadcast %rsqrt3A_86 : vector<1000x1xf32> to vector<1000x128xf32>
    %mul3A_88 = arith.mulf %sub3A_82, %mul3A_87 : vector<1000x128xf32>
    %get3A_89 = arith.constant 0 : index
    %get3A_90 = arith.constant 0 : index
    %get3A_91 = vector.load %arg8[%get3A_89, %get3A_90] : memref<1x128xf32, #tpu.memory_space<vmem>>, vector<1x128xf32>
    %mul3A_92 = vector.broadcast %get3A_91 : vector<1x128xf32> to vector<1000x128xf32>
    %mul3A_93 = arith.mulf %mul3A_88, %mul3A_92 : vector<1000x128xf32>
    %get3A_94 = arith.constant 0 : index
    %get3A_95 = arith.constant 0 : index
    %get3A_96 = vector.load %arg9[%get3A_94, %get3A_95] : memref<1x128xf32, #tpu.memory_space<vmem>>, vector<1x128xf32>
    %add3A_97 = vector.broadcast %get3A_96 : vector<1x128xf32> to vector<1000x128xf32>
    %add3A_98 = arith.addf %mul3A_93, %add3A_97 : vector<1000x128xf32>
    %swap3A = arith.constant 0 : index
    %swap3A_99 = arith.constant 0 : index
    %swap3A_100 = vector.load %arg10[%swap3A, %swap3A_99] : memref<1000x128xf32, #tpu.memory_space<vmem>>, vector<1000x128xf32>
    tpu.vector_store %arg10[%swap3A, %swap3A_99], %add3A_98 {strides = array<i32>} : memref<1000x128xf32, #tpu.memory_space<vmem>>, vector<1000x128xf32>,
    return
  }
  func.func @transform_0(%arg0: i32) -> (i32, i32, i32) {
    %c0_i32 = arith.constant 0 : i32
    %c0_i32_0 = arith.constant 0 : i32
    %c0_i32_1 = arith.constant 0 : i32
    return %c0_i32, %arg0, %c0_i32_0 : i32, i32, i32
  }
  func.func @transform_1(%arg0: i32) -> (i32, i32, i32) {
    %c0_i32 = arith.constant 0 : i32
    %c0_i32_0 = arith.constant 0 : i32
    %c0_i32_1 = arith.constant 0 : i32
    return %c0_i32, %arg0, %c0_i32_0 : i32, i32, i32
  }
  func.func @transform_2(%arg0: i32) -> (i32, i32) {
    %c0_i32 = arith.constant 0 : i32
    %c0_i32_0 = arith.constant 0 : i32
    return %arg0, %c0_i32 : i32, i32
  }
  func.func @transform_3(%arg0: i32) -> (i32, i32) {
    %c0_i32 = arith.constant 0 : i32
    %c0_i32_0 = arith.constant 0 : i32
    %c0_i32_1 = arith.constant 0 : i32
    return %c0_i32, %c0_i32_0 : i32, i32
  }
  func.func @transform_4(%arg0: i32) -> (i32, i32) {
    %c0_i32 = arith.constant 0 : i32
    %c0_i32_0 = arith.constant 0 : i32
    %c0_i32_1 = arith.constant 0 : i32
    return %c0_i32, %c0_i32_0 : i32, i32
  }
  func.func @transform_5(%arg0: i32) -> (i32, i32) {
    %c0_i32 = arith.constant 0 : i32
    %c0_i32_0 = arith.constant 0 : i32
    %c0_i32_1 = arith.constant 0 : i32
    return %c0_i32, %c0_i32_0 : i32, i32
  }
  func.func @transform_6(%arg0: i32) -> (i32, i32) {
    %c0_i32 = arith.constant 0 : i32
    %c0_i32_0 = arith.constant 0 : i32
    %c0_i32_1 = arith.constant 0 : i32
    return %c0_i32, %c0_i32_0 : i32, i32
  }
  func.func @transform_7(%arg0: i32) -> (i32, i32) {
    %c0_i32 = arith.constant 0 : i32
    %c0_i32_0 = arith.constant 0 : i32
    %c0_i32_1 = arith.constant 0 : i32
    return %c0_i32, %c0_i32_0 : i32, i32
  }
  func.func @transform_8(%arg0: i32) -> (i32, i32) {
    %c0_i32 = arith.constant 0 : i32
    %c0_i32_0 = arith.constant 0 : i32
    %c0_i32_1 = arith.constant 0 : i32
    return %c0_i32, %c0_i32_0 : i32, i32
  }
  func.func @transform_9(%arg0: i32) -> (i32, i32) {
    %c0_i32 = arith.constant 0 : i32
    %c0_i32_0 = arith.constant 0 : i32
    return %arg0, %c0_i32 : i32, i32
  }
}

</mosaic_0001>

<sc_bundles>
// kernel: kernel.12.cloned.1.call-start
scs
__scs_entry_jumppad:
0x0: {  	(pc) =	sbr.rel $0x88, $3  }
0x1: {  	(tag) =	ssettag $0x0;
	lr =	simm.s32 $0x1  }
0x2: {  	[smem:$0x3F97] =	sst lr;
	_ =	strace $0xD0000000  }
0x3: {  	_ = 	snop  }
0x4: {  	_ = 	snop  }
0x5: {  	_ = 	snop  }
0x6: {  	_ = 	snop  }
0x7: {  	_ = 	snop  }
__scs_overlays_trampoline_lowered:
0x8: {  	[smem:$0x3FA6] =	sst s0  }
0x9: {  	[smem:$0x3FA7] =	sst s1  }
0xa: {  	[smem:$0x3FA8] =	sst s2  }
0xb: {  	[smem:$0x3FA9] =	sst s3  }
0xc: {  	[smem:$0x3FAA] =	sst s4  }
0xd: {  	[smem:$0x3FAB] =	sst s5  }
0xe: {  	[smem:$0x3FAC] =	sst s6  }
0xf: {  	[smem:$0x3FAD] =	sst s7  }
0x10: {  	[smem:$0x3FAE] =	sst s8  }
0x11: {  	[smem:$0x3FAF] =	sst s9;
	s0 =	simm.s32 @!p0 $0x0  }
0x12: {  	s1 =	sld [smem:$0x3F95];
	s0 =	simm.s32 @p0 $0x1  }
0x13: {  	[smem:$0x3FB0] =	sst s0;
	s0 =	simm.s32 @!p1 $0x0  }
0x14: {  	s2 =	sld [smem:$0x3F94];
	s0 =	simm.s32 @p1 $0x1  }
0x15: {  	[smem:$0x3FB1] =	sst s0;
	s0 =	simm.s32 @!p2 $0x0  }
0x16: {  	s3 =	sld [smem:$0x3FDB];
	s0 =	simm.s32 @p2 $0x1  }
0x17: {  	s4 =	simm.s32 $0x1BF5;
	[smem:$0x3FB3] =	sst s0  }
0x18: {  	s0 =	sld [smem:$0x3F96];
	_ =	swait.ge [sflag:s4], $0x0  }
0x19: {  	s7 =	sld [smem:$0x3F97]  }
0x1a: {  	s8 =	sadd.s32 $0xFFFFE003, lr  }
0x1b: {  	s9 =	sadd.s32 $0xFFFFFEF7, lr;
	s5 =	simm.s32 $0xFFFFFFFF;
	p2 =	slt.u32 s8, $0xFFFFF086  }
0x1c: {  	p1 =	slt.u32 s9, $0xF7A;
	s5 =	simm.s32 @!p2 $0x0  }
0x1d: {  	s5 =	simm.s32 @p1 $0x1;
	p0 =	seq.s32 s7, s2  }
0x1e: {  	s7 =	smul.u32 @!p0 $0xF7A, s2;
	p2 =	seq.s32 @!p0 s5, $0x0  }
0x1f: {  	s9 =	smul.u32 $0xF7A, s1;
	s8 =	simm.s32 @!p0 $0x1BF5;
	p2 =	por !p2, p0  }
0x20: {  	[sflag:s8] =	ssyncset.s32 @!p0 $0xFFFFF086;
	s6 =	sadd.s32 @!p0 s3, s7;
	s7 =	simm.s32 @!p0 $0x108  }
0x21: {  	s3 =	sadd.s32 s3, s9;
	s6 =	sadd.s32 @!p0 $0x88, s6;
	s7 =	simm.s32 @p2 $0x1082  }
0x22: {  	[simem:s7], [sflag:s8] =	dma.local @!p0 [hbm:s6], $0xF7A  }
0x23: {  	s9 =	sor.u32 $0xD0000000, s2;
	s6 =	simm.s32 $0x108;
	_ =	swait.ge @!p0 [sflag:s8], $0x0  }
0x24: {  	s3 =	sadd.s32 $0x88, s3;
	s6 =	simm.s32 @!p1 $0x1082;
	[sflag:s4] =	ssyncset.s32 $0xFFFFF086  }
0x25: {  	[simem:s6], [sflag:s4] =	dma.local [hbm:s3], $0xF7A  }
0x26: {  	[smem:$0x3F97] =	sst s1;
	(tag) =	ssettag s2;
	_ =	strace s9  }
0x27: {  	s1 =	sld [smem:$0x3FA7]  }
0x28: {  	s2 =	sld [smem:$0x3FA8]  }
0x29: {  	s4 =	sld [smem:$0x3FAA]  }
0x2a: {  	p0 =	seq.s32 s5, $0x0;
	s5 =	sld [smem:$0x3FAB]  }
0x2b: {  	s6 =	sld [smem:$0x3FAC]  }
0x2c: {  	s7 =	sld [smem:$0x3FAD]  }
0x2d: {  	s3 =	simm.s32 $0x108;
	s8 =	sld [smem:$0x3FAE]  }
0x2e: {  	s3 =	simm.s32 @!p0 $0x1082;
	s9 =	sld [smem:$0x3FAF]  }
0x2f: {  	lr =	sadd.s32 s0, s3;
	s0 =	sld [smem:$0x3FA6]  }
0x30: {  	s3 =	sld [smem:$0x3FA9]  }
0x31: {  	[smem:$0x3FB2] =	sst s10  }
0x32: {  	s10 =	sld [smem:$0x3FB0];
	_ =	sdelay $0x3  }
0x33: {  	p0 =	seq.s32 s10, $0x1;
	s10 =	sld [smem:$0x3FB2];
	_ =	sdelay $0x3  }
0x34: {  	[smem:$0x3FB2] =	sst s10  }
0x35: {  	s10 =	sld [smem:$0x3FB1];
	_ =	sdelay $0x3  }
0x36: {  	p1 =	seq.s32 s10, $0x1;
	s10 =	sld [smem:$0x3FB2];
	_ =	sdelay $0x3  }
0x37: {  	[smem:$0x3FB2] =	sst s10  }
0x38: {  	s10 =	sld [smem:$0x3FB3]  }
0x39: {  	_ = 	snop;
	(pc) =	sbr.ind lr, $3  }
0x3a: {  	_ = 	snop  }
0x3b: {  	_ = 	snop  }
0x3c: {  	p2 =	seq.s32 s10, $0x1;
	s10 =	sld [smem:$0x3FB2]  }
0x3d: {  	_ =	shalt  }
0x3e: {  	_ =	shalt  }
0x3f: {  	_ =	shalt  }
0x40: {  	_ =	shalt  }
0x41: {  	_ =	shalt  }
0x42: {  	_ =	shalt  }
0x43: {  	_ =	shalt  }
0x44: {  	_ =	shalt  }
0x45: {  	_ =	shalt  }
0x46: {  	_ =	shalt  }
0x47: {  	_ =	shalt  }
0x48: {  	_ =	shalt  }
0x49: {  	_ =	shalt  }
0x4a: {  	_ =	shalt  }
0x4b: {  	_ =	shalt  }
0x4c: {  	_ =	shalt  }
0x4d: {  	_ =	shalt  }
0x4e: {  	_ =	shalt  }
0x4f: {  	_ =	shalt  }
0x50: {  	_ =	shalt  }
0x51: {  	_ =	shalt  }
0x52: {  	_ =	shalt  }
0x53: {  	_ =	shalt  }
0x54: {  	_ =	shalt  }
0x55: {  	_ =	shalt  }
0x56: {  	_ =	shalt  }
0x57: {  	_ =	shalt  }
0x58: {  	_ =	shalt  }
0x59: {  	_ =	shalt  }
0x5a: {  	_ =	shalt  }
0x5b: {  	_ =	shalt  }
0x5c: {  	_ =	shalt  }
0x5d: {  	_ =	shalt  }
0x5e: {  	_ =	shalt  }
0x5f: {  	_ =	shalt  }
0x60: {  	_ =	shalt  }
0x61: {  	_ =	shalt  }
0x62: {  	_ =	shalt  }
0x63: {  	_ =	shalt  }
0x64: {  	_ =	shalt  }
0x65: {  	_ =	shalt  }
0x66: {  	_ =	shalt  }
0x67: {  	_ =	shalt  }
0x68: {  	_ =	shalt  }
0x69: {  	_ =	shalt  }
0x6a: {  	_ =	shalt  }
0x6b: {  	_ =	shalt  }
0x6c: {  	_ =	shalt  }
0x6d: {  	_ =	shalt  }
0x6e: {  	_ =	shalt  }
0x6f: {  	_ =	shalt  }
0x70: {  	_ =	shalt  }
0x71: {  	_ =	shalt  }
0x72: {  	_ =	shalt  }
0x73: {  	_ =	shalt  }
0x74: {  	_ =	shalt  }
0x75: {  	_ =	shalt  }
0x76: {  	_ =	shalt  }
0x77: {  	_ =	shalt  }
0x78: {  	_ =	shalt  }
0x79: {  	_ =	shalt  }
0x7a: {  	_ =	shalt  }
0x7b: {  	_ =	shalt  }
0x7c: {  	_ =	shalt  }
0x7d: {  	_ =	shalt  }
0x7e: {  	_ =	shalt  }
0x7f: {  	_ =	shalt  }
0x80: {  	_ =	shalt  }
0x81: {  	_ =	shalt  }
0x82: {  	_ =	shalt  }
0x83: {  	_ =	shalt  }
0x84: {  	_ =	shalt  }
0x85: {  	_ =	shalt  }
0x86: {  	_ =	shalt  }
0x87: {  	_ =	shalt  }
.Lfunc_end0:
.L_simem_size_0:
called_computation.1_lowered:
.L_overlay_start_0:
0x88: {  	s2 =	sld [smem:$0x3FD9]  }
0x89: {  	s3 =	sld [smem:$0x3FFE];
	_ =	sdelay $0x1  }
0x8a: {  	s1 =	srdreg.scid  }
0x8b: {  	s0 =	sand.u32 $0x1, s1  }
0x8c: {  	s17 =	sshll.u32 s0, $0xA;
	s2 =	sadd.s32 s3, s2  }
0x8d: {  	s2 =	sadd.s32 s2, s17  }
0x8e: {  	[smem:$0x3FBE] =	sst s2  }
0x8f: {  	_ = 	snop  }
0x90: {  	s18 =	sld [smem:$0x3FD0];
	(tm) =	ssettm $0x1  }
0x91: {  	s19 =	sld [smem:$0x3FFB];
	_ =	sdelay $0x3  }
0x92: {  	_ =	strace s19  }
0x93: {  	s2 =	sld [smem:$0x3FFC];
	_ =	sdelay $0x3  }
0x94: {  	_ =	strace s2  }
0x95: {  	s2 =	sld [smem:$0x3FFD];
	_ =	sdelay $0x3  }
0x96: {  	_ =	strace s2  }
0x97: {  	_ =	strace $0x8FFFFFFF  }
0x98: {  	s20 =	sld [smem:$0x3FDB];
	_ =	sdelay $0x1  }
0x99: {  	s4 =	simm.s32 $_scs_section_size  }
0x9a: {  	s5 =	simm.s32 $_size__tile_overlayer_lowered;
	s6 =	simm.s32 $_tile_overlayer_lowered  }
0x9b: {  	s7 =	simm.s32 $0x1BFF;
	s21 =	sshll.u32 s6, $0x1;
	s4 =	sadd.s32 s4, s20  }
0x9c: {  	s22 =	simm.s32 $0x0;
	s5 =	sshll.u32 s5, $0x1;
	s6 =	sadd.s32 s21, s4  }
0x9d: {  	[timem:s22], [sflag:s7] =	dma.local [hbm:s6], s5  }
0x9e: {  	_ =	swait.ge [sflag:s7], s5  }
0x9f: {  	s5 =	ssub.s32 $0x0, s5;
	[sflag:s7] =	ssyncset.done $0x0  }
0xa0: {  	[sflag:s7] =	ssyncadd.s32 s5;
	_ =	sdelay $0x1  }
0xa1: {  	s23 =	simm.s32 $0x1B8B  }
0xa2: {  	_ =	swait.ge [sflag:s23], $0x1  }
0xa3: {  	[sflag:s23] =	ssyncset.done $0x0  }
0xa4: {  	[sflag:s23] =	ssyncadd.s32 $0xFFFFFFFF  }
0xa5: {  	s5 =	sld [smem:$0x0]  }
0xa6: {  	s6 =	sand.u32 $0xFFFFFFFE, s1  }
0xa7: {  	p0 =	sne.s32 s1, s6  }
0xa8: {  	s6 =	sshll.u32 @p0 s6, $0xE  }
0xa9: {  	s6 =	sadd.s32 @p0 $0x11B8D, s6;
	s7 =	sshll.u32 @p0 s5, $0x11  }
0xaa: {  	s6 =	sor.u32 @p0 s7, s6  }
0xab: {  	[sflag:s6] =	ssyncadd.remote.s32 @p0 $0x1;
	_ =	sdelay $0x1  }
0xac: {  	s6 =	simm.s32 @p0 $0x1B8D  }
0xad: {  	_ =	swait.eq @p0 [sflag:s6], $0x1  }
0xae: {  	[sflag:s6] =	ssyncadd.s32 @p0 $0xFFFFFFFF  }
0xaf: {  	s7 =	sshll.u32 @!p0 s1, $0xE  }
0xb0: {  	s7 =	sor.u32 @!p0 $0x4000, s7;
	s6 =	simm.s32 @!p0 $0x1B8D  }
0xb1: {  	s5 =	sshll.u32 @!p0 s5, $0x11;
	s7 =	sadd.s32 @!p0 $0x11B8D, s7;
	_ =	swait.eq @!p0 [sflag:s6], $0x1  }
0xb2: {  	s5 =	sor.u32 @!p0 s5, s7;
	[sflag:s6] =	ssyncadd.s32 @!p0 $0xFFFFFFFF  }
0xb3: {  	s25 =	simm.s32 $0x1B8E;
	s24 =	sld [smem:$0x3FFE];
	[sflag:s5] =	ssyncadd.remote.s32 @!p0 $0x1  }
0xb4: {  	s26 =	simm.s32 $execute0_lowered;
	[smem:$0x3FD2] =	sst s25  }
0xb5: {  	s6 =	sshll.u32 s26, $0x1;
	_ =	strace $0x80000049;
	[dreg:$0x1] =	wrdreg $0xFFFFFFFF  }
0xb6: {  	s28 =	simm.s32 $_size_execute0_lowered;
	s4 =	sadd.s32 s4, s6;
	[dreg:$0x0] =	wrdreg $0x0  }
0xb7: {  	s6 =	sshll.u32 s28, $0x1;
	[dreg:$0x2] =	wrdreg s4  }
0xb8: {  	[dreg:$0x3] =	wrdreg s6  }
0xb9: {  	[dreg:$0x4] =	wrdreg $0xC0  }
0xba: {  	_ =	task [dreg:s22], $0x5FFFF  }
0xbb: {  	[dreg:$0x1] =	wrdreg $0xFFFFFFFF  }
0xbc: {  	[dreg:$0x0] =	wrdreg $0x60  }
0xbd: {  	[dreg:$0x2] =	wrdreg s24  }
0xbe: {  	[dreg:$0x3] =	wrdreg s18  }
0xbf: {  	[dreg:$0x4] =	wrdreg $0x0  }
0xc0: {  	[dreg:$0x5] =	wrdreg $0xA  }
0xc1: {  	_ =	task.clear_ibuf [dreg:s22], $0x6FFFF;
	_ =	strace $0x90000049  }
0xc2: {  	s29 =	simm.s32 $0xA;
	_ =	strace $0x8000004B  }
0xc3: {  	_ =	swait.ge [sflag:s29], $0x1  }
0xc4: {  	[sflag:s29] =	ssyncadd.s32 $0xFFFFFFFF  }
0xc5: {  	_ =	strace $0x9000004B  }
0xc6: {  	_ =	sfence  }
0xc7: {  	s30 =	sld [smem:$0x0];
	_ =	sdelay $0x2  }
0xc8: {  	s31 =	sshll.u32 s1, $0xD;
	s1 =	sshrl.u32 s1, $0x2  }
0xc9: {  	s4 =	sand.u32 $0x4000, s31;
	s1 =	sadd.s32 s1, s30  }
0xca: {  	s0 =	sor.u32 s4, s0;
	s1 =	sshll.u32 s1, $0x11  }
0xcb: {  	s0 =	sor.u32 s1, s0  }
0xcc: {  	s0 =	sadd.s32 $0x8F2B, s0  }
0xcd: {  	[sflag:s0] =	ssyncadd.remote.s32 $0x1  }
0xce: {  	_ =	sfence.sel $0xFFFF  }
0xcf: {  	[dreg:$0x0] =	wrdreg $0xFFFFFFFF;
	(pc) =	sbr.abs _section_cstart, $3  }
0xd0: {  	[dreg:$0x1] =	wrdreg $0xFFFFFFFF  }
0xd1: {  	_ =	task.clear_ibuf [dreg:s22], $0x2FFFF;
	_ =	strace $0x9FFFFFFF  }
0xd2: {  	(tm) =	ssettm $0x7FFFFFFF  }
0xd3: {  	_ =	shalt  }
tec
execute0_lowered:
.L_overlay_start_1:
0x0: {  	(tag) =	ssettag $0x1  }
0x1: {  	s0 =	rddreg [dreg:$0x0]  }
0x2: {  	s2 =	rddreg [dreg:$0x1]  }
0x3: {  	s1 =	rddreg [dreg:$0x2]  }
0x4: {  	s13 =	stileid.u32;
	s3 =	simm.s32 $0x0;
	s4 =	srdreg.scid  }
0x5: {  	s28 =	simm.s32 $0x4;
	s29 =	simm.s32 $0x18480;
	s31 =	simm.s32 $0x14280  }
0x6: {  	s30 =	simm.s32 $0x5;
	s5 =	smul.u32 $0x4E000, s13;
	[smem:$0x7FF] =	sst s3  }
0x7: {  	s6 =	sand.u32 $0x1, s4;
	s4 =	sadd.s32 $0x51000, s0;
	s0 =	sadd.s32 $0x2C2000, s0  }
0x8: {  	s24 =	smul.u32 $0x13800, s13;
	s11 =	sadd.s32 $0x138000, s1;
	s10 =	sshll.u32 s13, $0x5  }
0x9: {  	p0 =	sne.s32 s13, $0x0;
	_ =	strace $0x8000004A;
	s7 =	ssub.s32 $0x2, s6  }
0xa: {  	s22 =	smul.u32 $0x138800, s6;
	s6 =	sshll.u32 s6, $0x9;
	s5 =	sshrl.u32 s5, $0x2  }
0xb: {  	s8 =	sshrl.u32 s7, $0x1;
	s12 =	sor.u32 s10, s6;
	s26 =	sadd.s32 s6, s2  }
0xc: {  	s6 =	simm.s32 $0x6;
	s5 =	sadd.s32 s5, s1;
	s7 =	ssub.s32 s7, s8  }
0xd: {  	s8 =	sshrl.u32 s22, $0x3;
	s12 =	sadd.s32 s2, s12;
	s19 =	sadd.s32 $0x3400, s5  }
0xe: {  	s2 =	simm.s32 $0x3;
	s20 =	sadd.s32 $0x6800, s5;
	[dreg:$0x4] =	wrdreg s19  }
0xf: {  	s21 =	sadd.s32 $0x9C00, s5;
	s9 =	sadd.s32 $0xD000, s5;
	[dreg:$0x5] =	wrdreg s20  }
0x10: {  	s23 =	sadd.s32 $0x10400, s5;
	s8 =	sadd.s32 s0, s8;
	[dreg:$0x6] =	wrdreg s21  }
0x11: {  	s14 =	sadd.s32 $0x400, s12;
	s16 =	smax.u32 s7, $0x1;
	[dreg:$0x7] =	wrdreg s9  }
0x12: {  	s17 =	sadd.s32 $0x800, s12;
	s18 =	sadd.s32 $0xC00, s12;
	[dreg:$0x8] =	wrdreg s23  }
0x13: {  	s7 =	simm.s32 $0x0;
	s9 =	sadd.s32 s24, s22;
	[dreg:$0x9] =	wrdreg s14  }
.Ltmp0:
0x14: {  	s25 =	sadd.s32 $0x27000, s8;
	s19 =	sadd.s32 s10, s26;
	(pc) =	sbr.rel .LBB2_1-.Ltmp0, $4  }
0x15: {  	s20 =	simm.s32 $0x1C480;
	s21 =	simm.s32 $0x7;
	s22 =	simm.s32 $0x14080  }
0x16: {  	s23 =	simm.s32 $0x14180;
	s24 =	simm.s32 $0x80;
	s9 =	sshrl.u32 s9, $0x3  }
0x17: {  	s26 =	simm.s32 $0x1;
	[dreg:$0xb] =	wrdreg s25;
	s0 =	sadd.s32 s0, s9  }
0x18: {  	v0 =	vimm.f32 $0.0e+00;
	s25 =	simm.s32 $0x14480;
	[dreg:$0xa] =	wrdreg s0;
	s0 =	simm.s32 $0x2  }
.LBB2_6:
0x19: {  	_ =	swait.ge [sflag:s0], $0x4000  }
0x1a: {  	[sflag:s0] =	ssyncset.done $0x0  }
0x1b: {  	[sflag:s0] =	ssyncadd.s32 $0xFFFFC000  }
0x1c: {  	[spmem:s1] =	stream.indirect.scatter.add.f32 [tilespmem:s29], [sflag:$0x6], $0x80, s10, s24, $0xb8;
	[tilespmem:$0x1F880] =	vst v63  }
0x1d: {  	_ =	swait.ge [sflag:s30], $0x4000  }
0x1e: {  	[sflag:s30] =	ssyncset.done $0x0  }
0x1f: {  	[sflag:s30] =	ssyncadd.s32 $0xFFFFC000  }
0x20: {  	_ =	swait.ge [sflag:s6], $0x4000  }
0x21: {  	[sflag:s6] =	ssyncset.done $0x0  }
0x22: {  	s8 =	stileid.u32;
	[sflag:s6] =	ssyncadd.s32 $0xFFFFC000  }
0x23: {  	s8 =	sshll.u32 s8, $0x6;
	[bflag:$0x0] =	sbarrier.arrive $0xFFFF  }
0x24: {  	s9 =	sshrl.u32 s5, $0x3;
	s8 =	sor.u32 $0x1C07, s8;
	s15 =	rddreg [dreg:$0xa]  }
0x25: {  	[hbm:s15], [sflag:s8] =	dma.local [spmem:s9], $0x2700  }
0x26: {  	s7 =	sadd.s32 $0x1, s7;
	_ =	swait.ge [sflag:s21], $0x2700  }
0x27: {  	p1 =	sne.s32 s7, s16;
	[sflag:s21] =	ssyncset.done $0x0  }
0x28: {  	s9 =	sshrl.u32 @!p0 s11, $0x3;
	s10 =	rddreg [dreg:$0xb];
	[sflag:s21] =	ssyncadd.s32 $0xFFFFD900  }
0x29: {  	[hbm:s10], [sflag:s8] =	dma.local @!p0 [spmem:s9], $0x100  }
.Ltmp1:
0x2a: {  	_ = 	snop;
	(pc) =	sbr.rel @!p1 .LBB2_7-.Ltmp1, $4  }
0x2b: {  	s8 =	simm.s32 @!p0 $0x7  }
0x2c: {  	_ =	swait.ge @!p0 [sflag:s8], $0x100  }
0x2d: {  	[sflag:s8] =	ssyncset.done @!p0 $0x0  }
0x2e: {  	[sflag:s8] =	ssyncadd.s32 @!p0 $0xFFFFFF00  }
.LBB2_1:
0x2f: {  	s8 =	simm.s32 $0x0;
	s9 =	simm.s32 $0x200  }
.LBB2_2:
0x30: {  	p1 =	sne.s32 s9, $0xCE00;
	[tilespmem:s8+$0x1C4F0] =	vst v0  }
0x31: {  	[tilespmem:s8+$0x1C480] =	vst v0  }
0x32: {  	[tilespmem:s8+$0x1C490] =	vst v0  }
.Ltmp2:
0x33: {  	[tilespmem:s8+$0x1C4A0] =	vst v0;
	(pc) =	sbr.rel @p1 .LBB2_2-.Ltmp2, $4  }
0x34: {  	[tilespmem:s8+$0x1C4B0] =	vst v0  }
0x35: {  	[tilespmem:s8+$0x1C4C0] =	vst v0  }
0x36: {  	[tilespmem:s8+$0x1C4D0] =	vst v0  }
0x37: {  	[tilespmem:s8+$0x1C4E0] =	vst v0;
	s8 =	sshra.s32 s9, $0x2;
	s9 =	sadd.s32 $0x200, s9  }
0x38: {  	[tilespmem:s8+$0x1C4F0] =	vst v0  }
0x39: {  	[tilespmem:s8+$0x1C480] =	vst v0  }
0x3a: {  	[tilespmem:s8+$0x1C490] =	vst v0  }
0x3b: {  	[tilespmem:s8+$0x1C4A0] =	vst v0  }
0x3c: {  	[tilespmem:s8+$0x1C4B0] =	vst v0  }
0x3d: {  	[tilespmem:s8+$0x1C4C0] =	vst v0  }
0x3e: {  	[tilespmem:s8+$0x1C4D0] =	vst v0  }
0x3f: {  	[tilespmem:s8+$0x1C4E0] =	vst v0  }
0x40: {  	[spmem:s5] =	stream.linear.scatter [tilespmem:s20], [sflag:$0x7], $0x3400, $0x38;
	[tilespmem:$0x1F880] =	vst v63  }
0x41: {  	_ =	swait.ge [sflag:s21], $0x3400  }
0x42: {  	[sflag:s21] =	ssyncset.done $0x0  }
0x43: {  	s13 =	rddreg [dreg:$0x4];
	[sflag:s21] =	ssyncadd.s32 $0xFFFFCC00  }
0x44: {  	[spmem:s13] =	stream.linear.scatter [tilespmem:s20], [sflag:$0x7], $0x3400, $0x38;
	[tilespmem:$0x1F880] =	vst v63  }
0x45: {  	_ =	swait.ge [sflag:s21], $0x3400  }
0x46: {  	[sflag:s21] =	ssyncset.done $0x0  }
0x47: {  	s14 =	rddreg [dreg:$0x5];
	[sflag:s21] =	ssyncadd.s32 $0xFFFFCC00  }
0x48: {  	[spmem:s14] =	stream.linear.scatter [tilespmem:s20], [sflag:$0x7], $0x3400, $0x38;
	[tilespmem:$0x1F880] =	vst v63  }
0x49: {  	_ =	swait.ge [sflag:s21], $0x3400  }
0x4a: {  	[sflag:s21] =	ssyncset.done $0x0  }
0x4b: {  	s15 =	rddreg [dreg:$0x6];
	[sflag:s21] =	ssyncadd.s32 $0xFFFFCC00  }
0x4c: {  	[spmem:s15] =	stream.linear.scatter [tilespmem:s20], [sflag:$0x7], $0x3400, $0x38;
	[tilespmem:$0x1F880] =	vst v63  }
0x4d: {  	_ =	swait.ge [sflag:s21], $0x3400  }
0x4e: {  	[sflag:s21] =	ssyncset.done $0x0  }
0x4f: {  	s9 =	rddreg [dreg:$0x7];
	[sflag:s21] =	ssyncadd.s32 $0xFFFFCC00  }
0x50: {  	[spmem:s9] =	stream.linear.scatter [tilespmem:s20], [sflag:$0x7], $0x3400, $0x38;
	[tilespmem:$0x1F880] =	vst v63  }
0x51: {  	_ =	swait.ge [sflag:s21], $0x3400  }
0x52: {  	[sflag:s21] =	ssyncset.done $0x0  }
0x53: {  	s10 =	rddreg [dreg:$0x8];
	[sflag:s21] =	ssyncadd.s32 $0xFFFFCC00  }
0x54: {  	[spmem:s10] =	stream.linear.scatter [tilespmem:s20], [sflag:$0x7], $0x3400, $0x38;
	[tilespmem:$0x1F880] =	vst v63  }
0x55: {  	_ =	swait.ge [sflag:s21], $0x3400  }
0x56: {  	[sflag:s21] =	ssyncset.done $0x0  }
0x57: {  	s8 =	simm.s32 @!p0 $0x1C480;
	[sflag:s21] =	ssyncadd.s32 $0xFFFFCC00  }
0x58: {  	[spmem:s11] =	stream.linear.scatter @!p0 [tilespmem:s8], [sflag:$0x7], $0x800, $0x38;
	[tilespmem:$0x1F880] =	vst v63  }
0x59: {  	s8 =	simm.s32 @!p0 $0x7  }
0x5a: {  	_ =	swait.ge @!p0 [sflag:s8], $0x800  }
0x5b: {  	[sflag:s8] =	ssyncset.done @!p0 $0x0  }
0x5c: {  	[sflag:s8] =	ssyncadd.s32 @!p0 $0xFFFFF800  }
0x5d: {  	s8 =	simm.s32 $0x0;
	[bflag:$0x0] =	sbarrier.arrive $0xFFFF  }
0x5e: {  	[tilespmem:s22], [sflag:$0x7] =	stream.linear.gather [hbm4b:s12+s8], $0x100, $0x38;
	[tilespmem:$0x1F880] =	vst v63  }
0x5f: {  	_ =	swait.ge [sflag:s21], $0x100  }
0x60: {  	[sflag:s21] =	ssyncset.done $0x0  }
0x61: {  	s9 =	rddreg [dreg:$0x9];
	[sflag:s21] =	ssyncadd.s32 $0xFFFFFF00  }
0x62: {  	[tilespmem:s23], [sflag:$0x4] =	stream.linear.gather [hbm4b:s9+s8], $0x100, $0x38;
	[tilespmem:$0x1F880] =	vst v63  }
0x63: {  	_ = 	snop  }
0x64: {  	[tilespmem:s25], [sflag:$0x1] =	stream.indirect.gather [hbm4b:s4+s24], $0x80, s22, s24, $0xb8;
	[tilespmem:$0x1F880] =	vst v63  }
0x65: {  	_ =	swait.ge [sflag:s26], $0x4000  }
0x66: {  	[sflag:s26] =	ssyncset.done $0x0  }
0x67: {  	[sflag:s26] =	ssyncadd.s32 $0xFFFFC000  }
0x68: {  	_ =	swait.ge [sflag:s28], $0x100  }
0x69: {  	[sflag:s28] =	ssyncset.done $0x0  }
0x6a: {  	[sflag:s28] =	ssyncadd.s32 $0xFFFFFF00  }
0x6b: {  	[tilespmem:s29], [sflag:$0x2] =	stream.indirect.gather [hbm4b:s4+s24], $0x80, s23, s24, $0xb8;
	[tilespmem:$0x1F880] =	vst v63  }
0x6c: {  	s13 =	simm.s32 $0x14100  }
0x6d: {  	[spmem:s1] =	stream.indirect.scatter.add.f32 [tilespmem:s25], [sflag:$0x5], $0x80, s13, s24, $0xb8;
	[tilespmem:$0x1F880] =	vst v63  }
0x6e: {  	_ = 	snop  }
0x6f: {  	[tilespmem:s31], [sflag:$0x3] =	stream.linear.gather [hbm4b:s17+s8], $0x100, $0x38;
	[tilespmem:$0x1F880] =	vst v63  }
0x70: {  	_ =	swait.ge [sflag:s0], $0x4000  }
0x71: {  	[sflag:s0] =	ssyncset.done $0x0  }
0x72: {  	[sflag:s0] =	ssyncadd.s32 $0xFFFFC000  }
0x73: {  	_ =	swait.ge [sflag:s2], $0x100  }
0x74: {  	[sflag:s2] =	ssyncset.done $0x0  }
0x75: {  	[sflag:s2] =	ssyncadd.s32 $0xFFFFFF00  }
0x76: {  	_ =	swait.ge [sflag:s30], $0x4000  }
0x77: {  	[sflag:s30] =	ssyncset.done $0x0  }
0x78: {  	[sflag:s30] =	ssyncadd.s32 $0xFFFFC000  }
0x79: {  	[tilespmem:s25], [sflag:$0x1] =	stream.indirect.gather [hbm4b:s4+s24], $0x80, s31, s24, $0xb8;
	[tilespmem:$0x1F880] =	vst v63  }
0x7a: {  	s14 =	simm.s32 $0x14200  }
0x7b: {  	[spmem:s1] =	stream.indirect.scatter.add.f32 [tilespmem:s29], [sflag:$0x6], $0x80, s14, s24, $0xb8;
	[tilespmem:$0x1F880] =	vst v63  }
0x7c: {  	s15 =	simm.s32 $0x14380;
	s9 =	simm.s32 $0x500  }
0x7d: {  	[tilespmem:s15], [sflag:$0x4] =	stream.linear.gather [hbm4b:s18+s8], $0x100, $0x38;
	[tilespmem:$0x1F880] =	vst v63  }
.LBB2_4:
0x7e: {  	_ =	swait.ge [sflag:s26], $0x4000  }
0x7f: {  	[sflag:s26] =	ssyncset.done $0x0  }
0x80: {  	[sflag:s26] =	ssyncadd.s32 $0xFFFFC000  }
0x81: {  	_ =	swait.ge [sflag:s28], $0x100  }
0x82: {  	[sflag:s28] =	ssyncset.done $0x0  }
0x83: {  	s10 =	sxor.u32 $0xFFFFFFFF, s8;
	[sflag:s28] =	ssyncadd.s32 $0xFFFFFF00  }
0x84: {  	s15 =	sadd.s32 $0xFFFFFD00, s9;
	s10 =	sand.u32 $0x800, s10;
	_ =	swait.ge [sflag:s6], $0x4000  }
0x85: {  	p1 =	seq.s32 s9, $0x5100;
	s10 =	sshrl.u32 s10, $0x2;
	[sflag:s6] =	ssyncset.done $0x0  }
.Ltmp3:
0x86: {  	s13 =	sor.u32 $0x14180, s10;
	[sflag:s6] =	ssyncadd.s32 $0xFFFFC000;
	(pc) =	sbr.rel @p1 .LBB2_6-.Ltmp3, $4  }
0x87: {  	[tilespmem:s29], [sflag:$0x2] =	stream.indirect.gather [hbm4b:s4+s24], $0x80, s13, s24, $0xb8;
	[tilespmem:$0x1F880] =	vst v63  }
0x88: {  	s13 =	sand.u32 $0x200, s15  }
0x89: {  	s10 =	sadd.s32 $0x14200, s10;
	s13 =	sor.u32 $0x14100, s13  }
0x8a: {  	[spmem:s1] =	stream.indirect.scatter.add.f32 [tilespmem:s25], [sflag:$0x5], $0x80, s13, s24, $0xb8;
	[tilespmem:$0x1F880] =	vst v63  }
0x8b: {  	s13 =	sadd.s32 $0xFFFFFF00, s9  }
0x8c: {  	s14 =	sadd.s32 s8, s19;
	s13 =	sand.u32 $0x200, s13  }
0x8d: {  	s15 =	sadd.s32 $0x1000, s14;
	s13 =	sor.u32 $0x14080, s13  }
0x8e: {  	[tilespmem:s13], [sflag:$0x3] =	stream.linear.gather [hbm4b:s15+s3], $0x100, $0x38;
	[tilespmem:$0x1F880] =	vst v63  }
0x8f: {  	_ =	swait.ge [sflag:s0], $0x4000  }
0x90: {  	[sflag:s0] =	ssyncset.done $0x0  }
0x91: {  	[sflag:s0] =	ssyncadd.s32 $0xFFFFC000  }
0x92: {  	_ =	swait.ge [sflag:s2], $0x100  }
0x93: {  	[sflag:s2] =	ssyncset.done $0x0  }
0x94: {  	[sflag:s2] =	ssyncadd.s32 $0xFFFFFF00  }
0x95: {  	_ =	swait.ge [sflag:s30], $0x4000  }
0x96: {  	[sflag:s30] =	ssyncset.done $0x0  }
0x97: {  	[sflag:s30] =	ssyncadd.s32 $0xFFFFC000  }
0x98: {  	[tilespmem:s25], [sflag:$0x1] =	stream.indirect.gather [hbm4b:s4+s24], $0x80, s13, s24, $0xb8;
	[tilespmem:$0x1F880] =	vst v63  }
.Ltmp4:
0x99: {  	_ = 	snop;
	(pc) =	sbr.rel .LBB2_4-.Ltmp4, $4  }
0x9a: {  	s8 =	sadd.s32 $0x800, s8;
	s13 =	sand.u32 $0x300, s9  }
0x9b: {  	[spmem:s1] =	stream.indirect.scatter.add.f32 [tilespmem:s29], [sflag:$0x6], $0x80, s10, s24, $0xb8;
	[tilespmem:$0x1F880] =	vst v63  }
0x9c: {  	s15 =	sadd.s32 $0x1400, s14;
	s9 =	sadd.s32 $0x200, s9;
	s10 =	sor.u32 $0x14080, s13  }
0x9d: {  	[tilespmem:s10], [sflag:$0x4] =	stream.linear.gather [hbm4b:s15+s3], $0x100, $0x38;
	[tilespmem:$0x1F880] =	vst v63  }
.LBB2_7:
0x9e: {  	_ =	sfence.sel $0x180000  }
0x9f: {  	[bflag:$0x0] =	sbarrier.arrive $0xFFFF  }
0xa0: {  	_ =	strace $0x9000004A  }
0xa1: {  	[bflag:$0x2] =	sbarrier.arrive $0xFFFF  }
0xa2: {  	s0 =	rddreg [dreg:$0x3]  }
0xa3: {  	s0 =	sadd.s32 @!p0 $0x100000, s0  }
0xa4: {  	[sflag:s0] =	ssyncadd.tile.s32 @!p0 $0x1;
	_ =	shalt  }
.Lfunc_end2:
_tile_overlayer_lowered:
.L_overlay_start_2:
0xa5: {  	(tag) =	ssettag $0x2  }
0xa6: {  	s0 =	rddreg [dreg:$0x0];
	s2 =	stileid.u32  }
0xa7: {  	s1 =	rddreg [dreg:$0x1];
	p0 =	sne.s32 s2, $0x0  }
0xa8: {  	s3 =	rddreg [dreg:$0x2];
	[bflag:$0x3] =	sbarrier.arrive $0xFFFF;
	s2 =	simm.s32 @!p0 $0x1C07  }
0xa9: {  	[timem:s3], [sflag:s2] =	dma.local @!p0 [hbm:s0], s1  }
0xaa: {  	s0 =	simm.s32 @!p0 $0x7  }
0xab: {  	_ =	swait.ge @!p0 [sflag:s0], s1  }
0xac: {  	s1 =	ssub.s32 @!p0 $0x0, s1;
	[sflag:s0] =	ssyncset.done @!p0 $0x0  }
0xad: {  	[sflag:s0] =	ssyncadd.s32 @!p0 s1  }
0xae: {  	[bflag:$0x3] =	sbarrier.arrive $0xFFFF  }
0xaf: {  	_ =	shalt  }

// kernel: kernel.15.cloned.1.call-start
scs
__scs_entry_jumppad:
0x0: {  	(pc) =	sbr.rel $0x88, $3  }
0x1: {  	(tag) =	ssettag $0x0;
	lr =	simm.s32 $0x1  }
0x2: {  	[smem:$0x3F97] =	sst lr;
	_ =	strace $0xD0000000  }
0x3: {  	_ = 	snop  }
0x4: {  	_ = 	snop  }
0x5: {  	_ = 	snop  }
0x6: {  	_ = 	snop  }
0x7: {  	_ = 	snop  }
__scs_overlays_trampoline_lowered:
0x8: {  	[smem:$0x3FA6] =	sst s0  }
0x9: {  	[smem:$0x3FA7] =	sst s1  }
0xa: {  	[smem:$0x3FA8] =	sst s2  }
0xb: {  	[smem:$0x3FA9] =	sst s3  }
0xc: {  	[smem:$0x3FAA] =	sst s4  }
0xd: {  	[smem:$0x3FAB] =	sst s5  }
0xe: {  	[smem:$0x3FAC] =	sst s6  }
0xf: {  	[smem:$0x3FAD] =	sst s7  }
0x10: {  	[smem:$0x3FAE] =	sst s8  }
0x11: {  	[smem:$0x3FAF] =	sst s9;
	s0 =	simm.s32 @!p0 $0x0  }
0x12: {  	s1 =	sld [smem:$0x3F95];
	s0 =	simm.s32 @p0 $0x1  }
0x13: {  	[smem:$0x3FB0] =	sst s0;
	s0 =	simm.s32 @!p1 $0x0  }
0x14: {  	s2 =	sld [smem:$0x3F94];
	s0 =	simm.s32 @p1 $0x1  }
0x15: {  	[smem:$0x3FB1] =	sst s0;
	s0 =	simm.s32 @!p2 $0x0  }
0x16: {  	s3 =	sld [smem:$0x3FDB];
	s0 =	simm.s32 @p2 $0x1  }
0x17: {  	s4 =	simm.s32 $0x1BF5;
	[smem:$0x3FB3] =	sst s0  }
0x18: {  	s0 =	sld [smem:$0x3F96];
	_ =	swait.ge [sflag:s4], $0x0  }
0x19: {  	s7 =	sld [smem:$0x3F97]  }
0x1a: {  	s8 =	sadd.s32 $0xFFFFE003, lr  }
0x1b: {  	s9 =	sadd.s32 $0xFFFFFEF7, lr;
	s5 =	simm.s32 $0xFFFFFFFF;
	p2 =	slt.u32 s8, $0xFFFFF086  }
0x1c: {  	p1 =	slt.u32 s9, $0xF7A;
	s5 =	simm.s32 @!p2 $0x0  }
0x1d: {  	s5 =	simm.s32 @p1 $0x1;
	p0 =	seq.s32 s7, s2  }
0x1e: {  	s7 =	smul.u32 @!p0 $0xF7A, s2;
	p2 =	seq.s32 @!p0 s5, $0x0  }
0x1f: {  	s9 =	smul.u32 $0xF7A, s1;
	s8 =	simm.s32 @!p0 $0x1BF5;
	p2 =	por !p2, p0  }
0x20: {  	[sflag:s8] =	ssyncset.s32 @!p0 $0xFFFFF086;
	s6 =	sadd.s32 @!p0 s3, s7;
	s7 =	simm.s32 @!p0 $0x108  }
0x21: {  	s3 =	sadd.s32 s3, s9;
	s6 =	sadd.s32 @!p0 $0x88, s6;
	s7 =	simm.s32 @p2 $0x1082  }
0x22: {  	[simem:s7], [sflag:s8] =	dma.local @!p0 [hbm:s6], $0xF7A  }
0x23: {  	s9 =	sor.u32 $0xD0000000, s2;
	s6 =	simm.s32 $0x108;
	_ =	swait.ge @!p0 [sflag:s8], $0x0  }
0x24: {  	s3 =	sadd.s32 $0x88, s3;
	s6 =	simm.s32 @!p1 $0x1082;
	[sflag:s4] =	ssyncset.s32 $0xFFFFF086  }
0x25: {  	[simem:s6], [sflag:s4] =	dma.local [hbm:s3], $0xF7A  }
0x26: {  	[smem:$0x3F97] =	sst s1;
	(tag) =	ssettag s2;
	_ =	strace s9  }
0x27: {  	s1 =	sld [smem:$0x3FA7]  }
0x28: {  	s2 =	sld [smem:$0x3FA8]  }
0x29: {  	s4 =	sld [smem:$0x3FAA]  }
0x2a: {  	p0 =	seq.s32 s5, $0x0;
	s5 =	sld [smem:$0x3FAB]  }
0x2b: {  	s6 =	sld [smem:$0x3FAC]  }
0x2c: {  	s7 =	sld [smem:$0x3FAD]  }
0x2d: {  	s3 =	simm.s32 $0x108;
	s8 =	sld [smem:$0x3FAE]  }
0x2e: {  	s3 =	simm.s32 @!p0 $0x1082;
	s9 =	sld [smem:$0x3FAF]  }
0x2f: {  	lr =	sadd.s32 s0, s3;
	s0 =	sld [smem:$0x3FA6]  }
0x30: {  	s3 =	sld [smem:$0x3FA9]  }
0x31: {  	[smem:$0x3FB2] =	sst s10  }
0x32: {  	s10 =	sld [smem:$0x3FB0];
	_ =	sdelay $0x3  }
0x33: {  	p0 =	seq.s32 s10, $0x1;
	s10 =	sld [smem:$0x3FB2];
	_ =	sdelay $0x3  }
0x34: {  	[smem:$0x3FB2] =	sst s10  }
0x35: {  	s10 =	sld [smem:$0x3FB1];
	_ =	sdelay $0x3  }
0x36: {  	p1 =	seq.s32 s10, $0x1;
	s10 =	sld [smem:$0x3FB2];
	_ =	sdelay $0x3  }
0x37: {  	[smem:$0x3FB2] =	sst s10  }
0x38: {  	s10 =	sld [smem:$0x3FB3]  }
0x39: {  	_ = 	snop;
	(pc) =	sbr.ind lr, $3  }
0x3a: {  	_ = 	snop  }
0x3b: {  	_ = 	snop  }
0x3c: {  	p2 =	seq.s32 s10, $0x1;
	s10 =	sld [smem:$0x3FB2]  }
0x3d: {  	_ =	shalt  }
0x3e: {  	_ =	shalt  }
0x3f: {  	_ =	shalt  }
0x40: {  	_ =	shalt  }
0x41: {  	_ =	shalt  }
0x42: {  	_ =	shalt  }
0x43: {  	_ =	shalt  }
0x44: {  	_ =	shalt  }
0x45: {  	_ =	shalt  }
0x46: {  	_ =	shalt  }
0x47: {  	_ =	shalt  }
0x48: {  	_ =	shalt  }
0x49: {  	_ =	shalt  }
0x4a: {  	_ =	shalt  }
0x4b: {  	_ =	shalt  }
0x4c: {  	_ =	shalt  }
0x4d: {  	_ =	shalt  }
0x4e: {  	_ =	shalt  }
0x4f: {  	_ =	shalt  }
0x50: {  	_ =	shalt  }
0x51: {  	_ =	shalt  }
0x52: {  	_ =	shalt  }
0x53: {  	_ =	shalt  }
0x54: {  	_ =	shalt  }
0x55: {  	_ =	shalt  }
0x56: {  	_ =	shalt  }
0x57: {  	_ =	shalt  }
0x58: {  	_ =	shalt  }
0x59: {  	_ =	shalt  }
0x5a: {  	_ =	shalt  }
0x5b: {  	_ =	shalt  }
0x5c: {  	_ =	shalt  }
0x5d: {  	_ =	shalt  }
0x5e: {  	_ =	shalt  }
0x5f: {  	_ =	shalt  }
0x60: {  	_ =	shalt  }
0x61: {  	_ =	shalt  }
0x62: {  	_ =	shalt  }
0x63: {  	_ =	shalt  }
0x64: {  	_ =	shalt  }
0x65: {  	_ =	shalt  }
0x66: {  	_ =	shalt  }
0x67: {  	_ =	shalt  }
0x68: {  	_ =	shalt  }
0x69: {  	_ =	shalt  }
0x6a: {  	_ =	shalt  }
0x6b: {  	_ =	shalt  }
0x6c: {  	_ =	shalt  }
0x6d: {  	_ =	shalt  }
0x6e: {  	_ =	shalt  }
0x6f: {  	_ =	shalt  }
0x70: {  	_ =	shalt  }
0x71: {  	_ =	shalt  }
0x72: {  	_ =	shalt  }
0x73: {  	_ =	shalt  }
0x74: {  	_ =	shalt  }
0x75: {  	_ =	shalt  }
0x76: {  	_ =	shalt  }
0x77: {  	_ =	shalt  }
0x78: {  	_ =	shalt  }
0x79: {  	_ =	shalt  }
0x7a: {  	_ =	shalt  }
0x7b: {  	_ =	shalt  }
0x7c: {  	_ =	shalt  }
0x7d: {  	_ =	shalt  }
0x7e: {  	_ =	shalt  }
0x7f: {  	_ =	shalt  }
0x80: {  	_ =	shalt  }
0x81: {  	_ =	shalt  }
0x82: {  	_ =	shalt  }
0x83: {  	_ =	shalt  }
0x84: {  	_ =	shalt  }
0x85: {  	_ =	shalt  }
0x86: {  	_ =	shalt  }
0x87: {  	_ =	shalt  }
.Lfunc_end0:
.L_simem_size_0:
called_computation.2_lowered:
.L_overlay_start_0:
0x88: {  	s2 =	sld [smem:$0x3FD9]  }
0x89: {  	s3 =	sld [smem:$0x3FFE];
	_ =	sdelay $0x1  }
0x8a: {  	s1 =	srdreg.scid  }
0x8b: {  	s0 =	sand.u32 $0x1, s1  }
0x8c: {  	s17 =	sshll.u32 s0, $0xA;
	s2 =	sadd.s32 s3, s2  }
0x8d: {  	s2 =	sadd.s32 s2, s17  }
0x8e: {  	[smem:$0x3FBE] =	sst s2  }
0x8f: {  	_ = 	snop  }
0x90: {  	s2 =	sld [smem:$0x3FD0];
	(tm) =	ssettm $0x1  }
0x91: {  	s18 =	sld [smem:$0x3FFB];
	_ =	sdelay $0x3  }
0x92: {  	_ =	strace s18  }
0x93: {  	s3 =	sld [smem:$0x3FFC];
	_ =	sdelay $0x3  }
0x94: {  	_ =	strace s3  }
0x95: {  	s3 =	sld [smem:$0x3FFD];
	_ =	sdelay $0x3  }
0x96: {  	_ =	strace s3  }
0x97: {  	_ =	strace $0x8FFFFFFF  }
0x98: {  	s19 =	sld [smem:$0x3FDB];
	_ =	sdelay $0x1  }
0x99: {  	s4 =	simm.s32 $_scs_section_size  }
0x9a: {  	s5 =	simm.s32 $_size__tile_overlayer_lowered;
	s6 =	simm.s32 $_tile_overlayer_lowered  }
0x9b: {  	s22 =	simm.s32 $0x1BFF;
	s21 =	sshll.u32 s6, $0x1;
	s3 =	sadd.s32 s4, s19  }
0x9c: {  	s7 =	simm.s32 $0x0;
	s20 =	sshll.u32 s5, $0x1;
	s5 =	sadd.s32 s21, s3  }
0x9d: {  	[timem:s7], [sflag:s22] =	dma.local [hbm:s5], s20  }
0x9e: {  	_ =	swait.ge [sflag:s22], s20  }
0x9f: {  	s4 =	ssub.s32 $0x0, s20;
	[sflag:s22] =	ssyncset.done $0x0  }
0xa0: {  	[sflag:s22] =	ssyncadd.s32 s4;
	_ =	sdelay $0x1  }
0xa1: {  	s23 =	simm.s32 $0x1B8B  }
0xa2: {  	_ =	swait.ge [sflag:s23], $0x1  }
0xa3: {  	[sflag:s23] =	ssyncset.done $0x0  }
0xa4: {  	s25 =	simm.s32 $0x1B8E;
	s24 =	sld [smem:$0x3FFE];
	[sflag:s23] =	ssyncadd.s32 $0xFFFFFFFF  }
0xa5: {  	s26 =	simm.s32 $execute0_lowered;
	[smem:$0x3FD2] =	sst s25  }
0xa6: {  	s5 =	sshll.u32 s26, $0x1;
	_ =	strace $0x8000004C;
	[dreg:$0x1] =	wrdreg $0xFFFFFFFF  }
0xa7: {  	s28 =	simm.s32 $_size_execute0_lowered;
	s3 =	sadd.s32 s3, s5;
	[dreg:$0x0] =	wrdreg $0x0  }
0xa8: {  	s5 =	sshll.u32 s28, $0x1;
	[dreg:$0x2] =	wrdreg s3  }
0xa9: {  	[dreg:$0x3] =	wrdreg s5  }
0xaa: {  	[dreg:$0x4] =	wrdreg $0xC0  }
0xab: {  	_ =	task [dreg:s7], $0x5FFFF  }
0xac: {  	[dreg:$0x1] =	wrdreg $0xFFFFFFFF  }
0xad: {  	[dreg:$0x0] =	wrdreg $0x60  }
0xae: {  	[dreg:$0x2] =	wrdreg s24  }
0xaf: {  	[dreg:$0x3] =	wrdreg s2  }
0xb0: {  	[dreg:$0x4] =	wrdreg $0x0  }
0xb1: {  	[dreg:$0x5] =	wrdreg $0x9  }
0xb2: {  	_ =	task.clear_ibuf [dreg:s7], $0x6FFFF;
	_ =	strace $0x9000004C  }
0xb3: {  	s29 =	simm.s32 $0x9;
	_ =	strace $0x8000004E  }
0xb4: {  	_ =	swait.ge [sflag:s29], $0x1  }
0xb5: {  	[sflag:s29] =	ssyncadd.s32 $0xFFFFFFFF  }
0xb6: {  	_ =	strace $0x9000004E  }
0xb7: {  	_ =	sfence  }
0xb8: {  	s30 =	sld [smem:$0x0];
	_ =	sdelay $0x2  }
0xb9: {  	s31 =	sshll.u32 s1, $0xD;
	s1 =	sshrl.u32 s1, $0x2  }
0xba: {  	s3 =	sand.u32 $0x4000, s31;
	s1 =	sadd.s32 s1, s30  }
0xbb: {  	s0 =	sor.u32 s3, s0;
	s1 =	sshll.u32 s1, $0x11  }
0xbc: {  	s0 =	sor.u32 s1, s0  }
0xbd: {  	s0 =	sadd.s32 $0x8F2B, s0  }
0xbe: {  	[sflag:s0] =	ssyncadd.remote.s32 $0x1  }
0xbf: {  	_ =	sfence.sel $0xFFFF  }
0xc0: {  	[dreg:$0x0] =	wrdreg $0xFFFFFFFF;
	(pc) =	sbr.abs _section_cstart, $3  }
0xc1: {  	[dreg:$0x1] =	wrdreg $0xFFFFFFFF  }
0xc2: {  	_ =	task.clear_ibuf [dreg:s7], $0x2FFFF;
	_ =	strace $0x9FFFFFFF  }
0xc3: {  	(tm) =	ssettm $0x7FFFFFFF  }
tec
execute0_lowered:
.L_overlay_start_1:
0x0: {  	(tag) =	ssettag $0x1  }
0x1: {  	s0 =	rddreg [dreg:$0x0]  }
0x2: {  	s2 =	rddreg [dreg:$0x1]  }
0x3: {  	s1 =	rddreg [dreg:$0x2]  }
0x4: {  	s13 =	stileid.u32;
	s3 =	simm.s32 $0x0;
	s4 =	srdreg.scid  }
0x5: {  	s28 =	simm.s32 $0x4;
	s29 =	simm.s32 $0x18480;
	s31 =	simm.s32 $0x14280  }
0x6: {  	s30 =	simm.s32 $0x5;
	s5 =	smul.u32 $0x4E000, s13;
	[smem:$0x7FF] =	sst s3  }
0x7: {  	s6 =	sand.u32 $0x1, s4;
	s4 =	sadd.s32 $0x51000, s0;
	s0 =	sadd.s32 $0x2C2000, s0  }
0x8: {  	s24 =	smul.u32 $0x13800, s13;
	s11 =	sadd.s32 $0x138000, s1;
	s10 =	sshll.u32 s13, $0x5  }
0x9: {  	p0 =	sne.s32 s13, $0x0;
	_ =	strace $0x8000004D;
	s7 =	ssub.s32 $0x2, s6  }
0xa: {  	s22 =	smul.u32 $0x138800, s6;
	s6 =	sshll.u32 s6, $0x9;
	s5 =	sshrl.u32 s5, $0x2  }
0xb: {  	s8 =	sshrl.u32 s7, $0x1;
	s12 =	sor.u32 s10, s6;
	s26 =	sadd.s32 s6, s2  }
0xc: {  	s6 =	simm.s32 $0x6;
	s5 =	sadd.s32 s5, s1;
	s7 =	ssub.s32 s7, s8  }
0xd: {  	s8 =	sshrl.u32 s22, $0x3;
	s12 =	sadd.s32 s2, s12;
	s19 =	sadd.s32 $0x3400, s5  }
0xe: {  	s2 =	simm.s32 $0x3;
	s20 =	sadd.s32 $0x6800, s5;
	[dreg:$0x4] =	wrdreg s19  }
0xf: {  	s21 =	sadd.s32 $0x9C00, s5;
	s9 =	sadd.s32 $0xD000, s5;
	[dreg:$0x5] =	wrdreg s20  }
0x10: {  	s23 =	sadd.s32 $0x10400, s5;
	s8 =	sadd.s32 s0, s8;
	[dreg:$0x6] =	wrdreg s21  }
0x11: {  	s14 =	sadd.s32 $0x400, s12;
	s16 =	smax.u32 s7, $0x1;
	[dreg:$0x7] =	wrdreg s9  }
0x12: {  	s17 =	sadd.s32 $0x800, s12;
	s18 =	sadd.s32 $0xC00, s12;
	[dreg:$0x8] =	wrdreg s23  }
0x13: {  	s7 =	simm.s32 $0x0;
	s9 =	sadd.s32 s24, s22;
	[dreg:$0x9] =	wrdreg s14  }
.Ltmp0:
0x14: {  	s25 =	sadd.s32 $0x27000, s8;
	s19 =	sadd.s32 s10, s26;
	(pc) =	sbr.rel .LBB2_1-.Ltmp0, $4  }
0x15: {  	s20 =	simm.s32 $0x1C480;
	s21 =	simm.s32 $0x7;
	s22 =	simm.s32 $0x14080  }
0x16: {  	s23 =	simm.s32 $0x14180;
	s24 =	simm.s32 $0x80;
	s9 =	sshrl.u32 s9, $0x3  }
0x17: {  	s26 =	simm.s32 $0x1;
	[dreg:$0xb] =	wrdreg s25;
	s0 =	sadd.s32 s0, s9  }
0x18: {  	v0 =	vimm.f32 $0.0e+00;
	s25 =	simm.s32 $0x14480;
	[dreg:$0xa] =	wrdreg s0;
	s0 =	simm.s32 $0x2  }
.LBB2_6:
0x19: {  	_ =	swait.ge [sflag:s0], $0x4000  }
0x1a: {  	[sflag:s0] =	ssyncset.done $0x0  }
0x1b: {  	[sflag:s0] =	ssyncadd.s32 $0xFFFFC000  }
0x1c: {  	[spmem:s1] =	stream.indirect.scatter.add.f32 [tilespmem:s29], [sflag:$0x6], $0x80, s10, s24, $0xb8;
	[tilespmem:$0x1F880] =	vst v63  }
0x1d: {  	_ =	swait.ge [sflag:s30], $0x4000  }
0x1e: {  	[sflag:s30] =	ssyncset.done $0x0  }
0x1f: {  	[sflag:s30] =	ssyncadd.s32 $0xFFFFC000  }
0x20: {  	_ =	swait.ge [sflag:s6], $0x4000  }
0x21: {  	[sflag:s6] =	ssyncset.done $0x0  }
0x22: {  	s8 =	stileid.u32;
	[sflag:s6] =	ssyncadd.s32 $0xFFFFC000  }
0x23: {  	s8 =	sshll.u32 s8, $0x6;
	[bflag:$0x0] =	sbarrier.arrive $0xFFFF  }
0x24: {  	s9 =	sshrl.u32 s5, $0x3;
	s8 =	sor.u32 $0x1C07, s8;
	s15 =	rddreg [dreg:$0xa]  }
0x25: {  	[hbm:s15], [sflag:s8] =	dma.local [spmem:s9], $0x2700  }
0x26: {  	s7 =	sadd.s32 $0x1, s7;
	_ =	swait.ge [sflag:s21], $0x2700  }
0x27: {  	p1 =	sne.s32 s7, s16;
	[sflag:s21] =	ssyncset.done $0x0  }
0x28: {  	s9 =	sshrl.u32 @!p0 s11, $0x3;
	s10 =	rddreg [dreg:$0xb];
	[sflag:s21] =	ssyncadd.s32 $0xFFFFD900  }
0x29: {  	[hbm:s10], [sflag:s8] =	dma.local @!p0 [spmem:s9], $0x100  }
.Ltmp1:
0x2a: {  	_ = 	snop;
	(pc) =	sbr.rel @!p1 .LBB2_7-.Ltmp1, $4  }
0x2b: {  	s8 =	simm.s32 @!p0 $0x7  }
0x2c: {  	_ =	swait.ge @!p0 [sflag:s8], $0x100  }
0x2d: {  	[sflag:s8] =	ssyncset.done @!p0 $0x0  }
0x2e: {  	[sflag:s8] =	ssyncadd.s32 @!p0 $0xFFFFFF00  }
.LBB2_1:
0x2f: {  	s8 =	simm.s32 $0x0;
	s9 =	simm.s32 $0x200  }
.LBB2_2:
0x30: {  	p1 =	sne.s32 s9, $0xCE00;
	[tilespmem:s8+$0x1C4F0] =	vst v0  }
0x31: {  	[tilespmem:s8+$0x1C480] =	vst v0  }
0x32: {  	[tilespmem:s8+$0x1C490] =	vst v0  }
.Ltmp2:
0x33: {  	[tilespmem:s8+$0x1C4A0] =	vst v0;
	(pc) =	sbr.rel @p1 .LBB2_2-.Ltmp2, $4  }
0x34: {  	[tilespmem:s8+$0x1C4B0] =	vst v0  }
0x35: {  	[tilespmem:s8+$0x1C4C0] =	vst v0  }
0x36: {  	[tilespmem:s8+$0x1C4D0] =	vst v0  }
0x37: {  	[tilespmem:s8+$0x1C4E0] =	vst v0;
	s8 =	sshra.s32 s9, $0x2;
	s9 =	sadd.s32 $0x200, s9  }
0x38: {  	[tilespmem:s8+$0x1C4F0] =	vst v0  }
0x39: {  	[tilespmem:s8+$0x1C480] =	vst v0  }
0x3a: {  	[tilespmem:s8+$0x1C490] =	vst v0  }
0x3b: {  	[tilespmem:s8+$0x1C4A0] =	vst v0  }
0x3c: {  	[tilespmem:s8+$0x1C4B0] =	vst v0  }
0x3d: {  	[tilespmem:s8+$0x1C4C0] =	vst v0  }
0x3e: {  	[tilespmem:s8+$0x1C4D0] =	vst v0  }
0x3f: {  	[tilespmem:s8+$0x1C4E0] =	vst v0  }
0x40: {  	[spmem:s5] =	stream.linear.scatter [tilespmem:s20], [sflag:$0x7], $0x3400, $0x38;
	[tilespmem:$0x1F880] =	vst v63  }
0x41: {  	_ =	swait.ge [sflag:s21], $0x3400  }
0x42: {  	[sflag:s21] =	ssyncset.done $0x0  }
0x43: {  	s13 =	rddreg [dreg:$0x4];
	[sflag:s21] =	ssyncadd.s32 $0xFFFFCC00  }
0x44: {  	[spmem:s13] =	stream.linear.scatter [tilespmem:s20], [sflag:$0x7], $0x3400, $0x38;
	[tilespmem:$0x1F880] =	vst v63  }
0x45: {  	_ =	swait.ge [sflag:s21], $0x3400  }
0x46: {  	[sflag:s21] =	ssyncset.done $0x0  }
0x47: {  	s14 =	rddreg [dreg:$0x5];
	[sflag:s21] =	ssyncadd.s32 $0xFFFFCC00  }
0x48: {  	[spmem:s14] =	stream.linear.scatter [tilespmem:s20], [sflag:$0x7], $0x3400, $0x38;
	[tilespmem:$0x1F880] =	vst v63  }
0x49: {  	_ =	swait.ge [sflag:s21], $0x3400  }
0x4a: {  	[sflag:s21] =	ssyncset.done $0x0  }
0x4b: {  	s15 =	rddreg [dreg:$0x6];
	[sflag:s21] =	ssyncadd.s32 $0xFFFFCC00  }
0x4c: {  	[spmem:s15] =	stream.linear.scatter [tilespmem:s20], [sflag:$0x7], $0x3400, $0x38;
	[tilespmem:$0x1F880] =	vst v63  }
0x4d: {  	_ =	swait.ge [sflag:s21], $0x3400  }
0x4e: {  	[sflag:s21] =	ssyncset.done $0x0  }
0x4f: {  	s9 =	rddreg [dreg:$0x7];
	[sflag:s21] =	ssyncadd.s32 $0xFFFFCC00  }
0x50: {  	[spmem:s9] =	stream.linear.scatter [tilespmem:s20], [sflag:$0x7], $0x3400, $0x38;
	[tilespmem:$0x1F880] =	vst v63  }
0x51: {  	_ =	swait.ge [sflag:s21], $0x3400  }
0x52: {  	[sflag:s21] =	ssyncset.done $0x0  }
0x53: {  	s10 =	rddreg [dreg:$0x8];
	[sflag:s21] =	ssyncadd.s32 $0xFFFFCC00  }
0x54: {  	[spmem:s10] =	stream.linear.scatter [tilespmem:s20], [sflag:$0x7], $0x3400, $0x38;
	[tilespmem:$0x1F880] =	vst v63  }
0x55: {  	_ =	swait.ge [sflag:s21], $0x3400  }
0x56: {  	[sflag:s21] =	ssyncset.done $0x0  }
0x57: {  	s8 =	simm.s32 @!p0 $0x1C480;
	[sflag:s21] =	ssyncadd.s32 $0xFFFFCC00  }
0x58: {  	[spmem:s11] =	stream.linear.scatter @!p0 [tilespmem:s8], [sflag:$0x7], $0x800, $0x38;
	[tilespmem:$0x1F880] =	vst v63  }
0x59: {  	s8 =	simm.s32 @!p0 $0x7  }
0x5a: {  	_ =	swait.ge @!p0 [sflag:s8], $0x800  }
0x5b: {  	[sflag:s8] =	ssyncset.done @!p0 $0x0  }
0x5c: {  	[sflag:s8] =	ssyncadd.s32 @!p0 $0xFFFFF800  }
0x5d: {  	s8 =	simm.s32 $0x0;
	[bflag:$0x0] =	sbarrier.arrive $0xFFFF  }
0x5e: {  	[tilespmem:s22], [sflag:$0x7] =	stream.linear.gather [hbm4b:s12+s8], $0x100, $0x38;
	[tilespmem:$0x1F880] =	vst v63  }
0x5f: {  	_ =	swait.ge [sflag:s21], $0x100  }
0x60: {  	[sflag:s21] =	ssyncset.done $0x0  }
0x61: {  	s9 =	rddreg [dreg:$0x9];
	[sflag:s21] =	ssyncadd.s32 $0xFFFFFF00  }
0x62: {  	[tilespmem:s23], [sflag:$0x4] =	stream.linear.gather [hbm4b:s9+s8], $0x100, $0x38;
	[tilespmem:$0x1F880] =	vst v63  }
0x63: {  	_ = 	snop  }
0x64: {  	[tilespmem:s25], [sflag:$0x1] =	stream.indirect.gather [hbm4b:s4+s24], $0x80, s22, s24, $0xb8;
	[tilespmem:$0x1F880] =	vst v63  }
0x65: {  	_ =	swait.ge [sflag:s26], $0x4000  }
0x66: {  	[sflag:s26] =	ssyncset.done $0x0  }
0x67: {  	[sflag:s26] =	ssyncadd.s32 $0xFFFFC000  }
0x68: {  	_ =	swait.ge [sflag:s28], $0x100  }
0x69: {  	[sflag:s28] =	ssyncset.done $0x0  }
0x6a: {  	[sflag:s28] =	ssyncadd.s32 $0xFFFFFF00  }
0x6b: {  	[tilespmem:s29], [sflag:$0x2] =	stream.indirect.gather [hbm4b:s4+s24], $0x80, s23, s24, $0xb8;
	[tilespmem:$0x1F880] =	vst v63  }
0x6c: {  	s13 =	simm.s32 $0x14100  }
0x6d: {  	[spmem:s1] =	stream.indirect.scatter.add.f32 [tilespmem:s25], [sflag:$0x5], $0x80, s13, s24, $0xb8;
	[tilespmem:$0x1F880] =	vst v63  }
0x6e: {  	_ = 	snop  }
0x6f: {  	[tilespmem:s31], [sflag:$0x3] =	stream.linear.gather [hbm4b:s17+s8], $0x100, $0x38;
	[tilespmem:$0x1F880] =	vst v63  }
0x70: {  	_ =	swait.ge [sflag:s0], $0x4000  }
0x71: {  	[sflag:s0] =	ssyncset.done $0x0  }
0x72: {  	[sflag:s0] =	ssyncadd.s32 $0xFFFFC000  }
0x73: {  	_ =	swait.ge [sflag:s2], $0x100  }
0x74: {  	[sflag:s2] =	ssyncset.done $0x0  }
0x75: {  	[sflag:s2] =	ssyncadd.s32 $0xFFFFFF00  }
0x76: {  	_ =	swait.ge [sflag:s30], $0x4000  }
0x77: {  	[sflag:s30] =	ssyncset.done $0x0  }
0x78: {  	[sflag:s30] =	ssyncadd.s32 $0xFFFFC000  }
0x79: {  	[tilespmem:s25], [sflag:$0x1] =	stream.indirect.gather [hbm4b:s4+s24], $0x80, s31, s24, $0xb8;
	[tilespmem:$0x1F880] =	vst v63  }
0x7a: {  	s14 =	simm.s32 $0x14200  }
0x7b: {  	[spmem:s1] =	stream.indirect.scatter.add.f32 [tilespmem:s29], [sflag:$0x6], $0x80, s14, s24, $0xb8;
	[tilespmem:$0x1F880] =	vst v63  }
0x7c: {  	s15 =	simm.s32 $0x14380;
	s9 =	simm.s32 $0x500  }
0x7d: {  	[tilespmem:s15], [sflag:$0x4] =	stream.linear.gather [hbm4b:s18+s8], $0x100, $0x38;
	[tilespmem:$0x1F880] =	vst v63  }
.LBB2_4:
0x7e: {  	_ =	swait.ge [sflag:s26], $0x4000  }
0x7f: {  	[sflag:s26] =	ssyncset.done $0x0  }
0x80: {  	[sflag:s26] =	ssyncadd.s32 $0xFFFFC000  }
0x81: {  	_ =	swait.ge [sflag:s28], $0x100  }
0x82: {  	[sflag:s28] =	ssyncset.done $0x0  }
0x83: {  	s10 =	sxor.u32 $0xFFFFFFFF, s8;
	[sflag:s28] =	ssyncadd.s32 $0xFFFFFF00  }
0x84: {  	s15 =	sadd.s32 $0xFFFFFD00, s9;
	s10 =	sand.u32 $0x800, s10;
	_ =	swait.ge [sflag:s6], $0x4000  }
0x85: {  	p1 =	seq.s32 s9, $0x5100;
	s10 =	sshrl.u32 s10, $0x2;
	[sflag:s6] =	ssyncset.done $0x0  }
.Ltmp3:
0x86: {  	s13 =	sor.u32 $0x14180, s10;
	[sflag:s6] =	ssyncadd.s32 $0xFFFFC000;
	(pc) =	sbr.rel @p1 .LBB2_6-.Ltmp3, $4  }
0x87: {  	[tilespmem:s29], [sflag:$0x2] =	stream.indirect.gather [hbm4b:s4+s24], $0x80, s13, s24, $0xb8;
	[tilespmem:$0x1F880] =	vst v63  }
0x88: {  	s13 =	sand.u32 $0x200, s15  }
0x89: {  	s10 =	sadd.s32 $0x14200, s10;
	s13 =	sor.u32 $0x14100, s13  }
0x8a: {  	[spmem:s1] =	stream.indirect.scatter.add.f32 [tilespmem:s25], [sflag:$0x5], $0x80, s13, s24, $0xb8;
	[tilespmem:$0x1F880] =	vst v63  }
0x8b: {  	s13 =	sadd.s32 $0xFFFFFF00, s9  }
0x8c: {  	s14 =	sadd.s32 s8, s19;
	s13 =	sand.u32 $0x200, s13  }
0x8d: {  	s15 =	sadd.s32 $0x1000, s14;
	s13 =	sor.u32 $0x14080, s13  }
0x8e: {  	[tilespmem:s13], [sflag:$0x3] =	stream.linear.gather [hbm4b:s15+s3], $0x100, $0x38;
	[tilespmem:$0x1F880] =	vst v63  }
0x8f: {  	_ =	swait.ge [sflag:s0], $0x4000  }
0x90: {  	[sflag:s0] =	ssyncset.done $0x0  }
0x91: {  	[sflag:s0] =	ssyncadd.s32 $0xFFFFC000  }
0x92: {  	_ =	swait.ge [sflag:s2], $0x100  }
0x93: {  	[sflag:s2] =	ssyncset.done $0x0  }
0x94: {  	[sflag:s2] =	ssyncadd.s32 $0xFFFFFF00  }
0x95: {  	_ =	swait.ge [sflag:s30], $0x4000  }
0x96: {  	[sflag:s30] =	ssyncset.done $0x0  }
0x97: {  	[sflag:s30] =	ssyncadd.s32 $0xFFFFC000  }
0x98: {  	[tilespmem:s25], [sflag:$0x1] =	stream.indirect.gather [hbm4b:s4+s24], $0x80, s13, s24, $0xb8;
	[tilespmem:$0x1F880] =	vst v63  }
.Ltmp4:
0x99: {  	_ = 	snop;
	(pc) =	sbr.rel .LBB2_4-.Ltmp4, $4  }
0x9a: {  	s8 =	sadd.s32 $0x800, s8;
	s13 =	sand.u32 $0x300, s9  }
0x9b: {  	[spmem:s1] =	stream.indirect.scatter.add.f32 [tilespmem:s29], [sflag:$0x6], $0x80, s10, s24, $0xb8;
	[tilespmem:$0x1F880] =	vst v63  }
0x9c: {  	s15 =	sadd.s32 $0x1400, s14;
	s9 =	sadd.s32 $0x200, s9;
	s10 =	sor.u32 $0x14080, s13  }
0x9d: {  	[tilespmem:s10], [sflag:$0x4] =	stream.linear.gather [hbm4b:s15+s3], $0x100, $0x38;
	[tilespmem:$0x1F880] =	vst v63  }
.LBB2_7:
0x9e: {  	_ =	sfence.sel $0x180000  }
0x9f: {  	[bflag:$0x0] =	sbarrier.arrive $0xFFFF  }
0xa0: {  	_ =	strace $0x9000004D  }
0xa1: {  	[bflag:$0x2] =	sbarrier.arrive $0xFFFF  }
0xa2: {  	s0 =	rddreg [dreg:$0x3]  }
0xa3: {  	s0 =	sadd.s32 @!p0 $0x100000, s0  }
0xa4: {  	[sflag:s0] =	ssyncadd.tile.s32 @!p0 $0x1;
	_ =	shalt  }
.Lfunc_end2:
_tile_overlayer_lowered:
.L_overlay_start_2:
0xa5: {  	(tag) =	ssettag $0x2  }
0xa6: {  	s0 =	rddreg [dreg:$0x0];
	s2 =	stileid.u32  }
0xa7: {  	s1 =	rddreg [dreg:$0x1];
	p0 =	sne.s32 s2, $0x0  }
0xa8: {  	s3 =	rddreg [dreg:$0x2];
	[bflag:$0x3] =	sbarrier.arrive $0xFFFF;
	s2 =	simm.s32 @!p0 $0x1C07  }
0xa9: {  	[timem:s3], [sflag:s2] =	dma.local @!p0 [hbm:s0], s1  }
0xaa: {  	s0 =	simm.s32 @!p0 $0x7  }
0xab: {  	_ =	swait.ge @!p0 [sflag:s0], s1  }
0xac: {  	s1 =	ssub.s32 @!p0 $0x0, s1;
	[sflag:s0] =	ssyncset.done @!p0 $0x0  }
0xad: {  	[sflag:s0] =	ssyncadd.s32 @!p0 s1  }
0xae: {  	[bflag:$0x3] =	sbarrier.arrive $0xFFFF  }
0xaf: {  	_ =	shalt  }

// kernel: kernel.9.cloned.1.call-start
scs
__scs_entry_jumppad:
0x0: {  	(pc) =	sbr.rel $0x88, $3  }
0x1: {  	(tag) =	ssettag $0x0;
	lr =	simm.s32 $0x1  }
0x2: {  	[smem:$0x3F97] =	sst lr;
	_ =	strace $0xD0000000  }
0x3: {  	_ = 	snop  }
0x4: {  	_ = 	snop  }
0x5: {  	_ = 	snop  }
0x6: {  	_ = 	snop  }
0x7: {  	_ = 	snop  }
__scs_overlays_trampoline_lowered:
0x8: {  	[smem:$0x3FA6] =	sst s0  }
0x9: {  	[smem:$0x3FA7] =	sst s1  }
0xa: {  	[smem:$0x3FA8] =	sst s2  }
0xb: {  	[smem:$0x3FA9] =	sst s3  }
0xc: {  	[smem:$0x3FAA] =	sst s4  }
0xd: {  	[smem:$0x3FAB] =	sst s5  }
0xe: {  	[smem:$0x3FAC] =	sst s6  }
0xf: {  	[smem:$0x3FAD] =	sst s7  }
0x10: {  	[smem:$0x3FAE] =	sst s8  }
0x11: {  	[smem:$0x3FAF] =	sst s9;
	s0 =	simm.s32 @!p0 $0x0  }
0x12: {  	s1 =	sld [smem:$0x3F95];
	s0 =	simm.s32 @p0 $0x1  }
0x13: {  	[smem:$0x3FB0] =	sst s0;
	s0 =	simm.s32 @!p1 $0x0  }
0x14: {  	s2 =	sld [smem:$0x3F94];
	s0 =	simm.s32 @p1 $0x1  }
0x15: {  	[smem:$0x3FB1] =	sst s0;
	s0 =	simm.s32 @!p2 $0x0  }
0x16: {  	s3 =	sld [smem:$0x3FDB];
	s0 =	simm.s32 @p2 $0x1  }
0x17: {  	s4 =	simm.s32 $0x1BF5;
	[smem:$0x3FB3] =	sst s0  }
0x18: {  	s0 =	sld [smem:$0x3F96];
	_ =	swait.ge [sflag:s4], $0x0  }
0x19: {  	s7 =	sld [smem:$0x3F97]  }
0x1a: {  	s8 =	sadd.s32 $0xFFFFE003, lr  }
0x1b: {  	s9 =	sadd.s32 $0xFFFFFEF7, lr;
	s5 =	simm.s32 $0xFFFFFFFF;
	p2 =	slt.u32 s8, $0xFFFFF086  }
0x1c: {  	p1 =	slt.u32 s9, $0xF7A;
	s5 =	simm.s32 @!p2 $0x0  }
0x1d: {  	s5 =	simm.s32 @p1 $0x1;
	p0 =	seq.s32 s7, s2  }
0x1e: {  	s7 =	smul.u32 @!p0 $0xF7A, s2;
	p2 =	seq.s32 @!p0 s5, $0x0  }
0x1f: {  	s9 =	smul.u32 $0xF7A, s1;
	s8 =	simm.s32 @!p0 $0x1BF5;
	p2 =	por !p2, p0  }
0x20: {  	[sflag:s8] =	ssyncset.s32 @!p0 $0xFFFFF086;
	s6 =	sadd.s32 @!p0 s3, s7;
	s7 =	simm.s32 @!p0 $0x108  }
0x21: {  	s3 =	sadd.s32 s3, s9;
	s6 =	sadd.s32 @!p0 $0x88, s6;
	s7 =	simm.s32 @p2 $0x1082  }
0x22: {  	[simem:s7], [sflag:s8] =	dma.local @!p0 [hbm:s6], $0xF7A  }
0x23: {  	s9 =	sor.u32 $0xD0000000, s2;
	s6 =	simm.s32 $0x108;
	_ =	swait.ge @!p0 [sflag:s8], $0x0  }
0x24: {  	s3 =	sadd.s32 $0x88, s3;
	s6 =	simm.s32 @!p1 $0x1082;
	[sflag:s4] =	ssyncset.s32 $0xFFFFF086  }
0x25: {  	[simem:s6], [sflag:s4] =	dma.local [hbm:s3], $0xF7A  }
0x26: {  	[smem:$0x3F97] =	sst s1;
	(tag) =	ssettag s2;
	_ =	strace s9  }
0x27: {  	s1 =	sld [smem:$0x3FA7]  }
0x28: {  	s2 =	sld [smem:$0x3FA8]  }
0x29: {  	s4 =	sld [smem:$0x3FAA]  }
0x2a: {  	p0 =	seq.s32 s5, $0x0;
	s5 =	sld [smem:$0x3FAB]  }
0x2b: {  	s6 =	sld [smem:$0x3FAC]  }
0x2c: {  	s7 =	sld [smem:$0x3FAD]  }
0x2d: {  	s3 =	simm.s32 $0x108;
	s8 =	sld [smem:$0x3FAE]  }
0x2e: {  	s3 =	simm.s32 @!p0 $0x1082;
	s9 =	sld [smem:$0x3FAF]  }
0x2f: {  	lr =	sadd.s32 s0, s3;
	s0 =	sld [smem:$0x3FA6]  }
0x30: {  	s3 =	sld [smem:$0x3FA9]  }
0x31: {  	[smem:$0x3FB2] =	sst s10  }
0x32: {  	s10 =	sld [smem:$0x3FB0];
	_ =	sdelay $0x3  }
0x33: {  	p0 =	seq.s32 s10, $0x1;
	s10 =	sld [smem:$0x3FB2];
	_ =	sdelay $0x3  }
0x34: {  	[smem:$0x3FB2] =	sst s10  }
0x35: {  	s10 =	sld [smem:$0x3FB1];
	_ =	sdelay $0x3  }
0x36: {  	p1 =	seq.s32 s10, $0x1;
	s10 =	sld [smem:$0x3FB2];
	_ =	sdelay $0x3  }
0x37: {  	[smem:$0x3FB2] =	sst s10  }
0x38: {  	s10 =	sld [smem:$0x3FB3]  }
0x39: {  	_ = 	snop;
	(pc) =	sbr.ind lr, $3  }
0x3a: {  	_ = 	snop  }
0x3b: {  	_ = 	snop  }
0x3c: {  	p2 =	seq.s32 s10, $0x1;
	s10 =	sld [smem:$0x3FB2]  }
0x3d: {  	_ =	shalt  }
0x3e: {  	_ =	shalt  }
0x3f: {  	_ =	shalt  }
0x40: {  	_ =	shalt  }
0x41: {  	_ =	shalt  }
0x42: {  	_ =	shalt  }
0x43: {  	_ =	shalt  }
0x44: {  	_ =	shalt  }
0x45: {  	_ =	shalt  }
0x46: {  	_ =	shalt  }
0x47: {  	_ =	shalt  }
0x48: {  	_ =	shalt  }
0x49: {  	_ =	shalt  }
0x4a: {  	_ =	shalt  }
0x4b: {  	_ =	shalt  }
0x4c: {  	_ =	shalt  }
0x4d: {  	_ =	shalt  }
0x4e: {  	_ =	shalt  }
0x4f: {  	_ =	shalt  }
0x50: {  	_ =	shalt  }
0x51: {  	_ =	shalt  }
0x52: {  	_ =	shalt  }
0x53: {  	_ =	shalt  }
0x54: {  	_ =	shalt  }
0x55: {  	_ =	shalt  }
0x56: {  	_ =	shalt  }
0x57: {  	_ =	shalt  }
0x58: {  	_ =	shalt  }
0x59: {  	_ =	shalt  }
0x5a: {  	_ =	shalt  }
0x5b: {  	_ =	shalt  }
0x5c: {  	_ =	shalt  }
0x5d: {  	_ =	shalt  }
0x5e: {  	_ =	shalt  }
0x5f: {  	_ =	shalt  }
0x60: {  	_ =	shalt  }
0x61: {  	_ =	shalt  }
0x62: {  	_ =	shalt  }
0x63: {  	_ =	shalt  }
0x64: {  	_ =	shalt  }
0x65: {  	_ =	shalt  }
0x66: {  	_ =	shalt  }
0x67: {  	_ =	shalt  }
0x68: {  	_ =	shalt  }
0x69: {  	_ =	shalt  }
0x6a: {  	_ =	shalt  }
0x6b: {  	_ =	shalt  }
0x6c: {  	_ =	shalt  }
0x6d: {  	_ =	shalt  }
0x6e: {  	_ =	shalt  }
0x6f: {  	_ =	shalt  }
0x70: {  	_ =	shalt  }
0x71: {  	_ =	shalt  }
0x72: {  	_ =	shalt  }
0x73: {  	_ =	shalt  }
0x74: {  	_ =	shalt  }
0x75: {  	_ =	shalt  }
0x76: {  	_ =	shalt  }
0x77: {  	_ =	shalt  }
0x78: {  	_ =	shalt  }
0x79: {  	_ =	shalt  }
0x7a: {  	_ =	shalt  }
0x7b: {  	_ =	shalt  }
0x7c: {  	_ =	shalt  }
0x7d: {  	_ =	shalt  }
0x7e: {  	_ =	shalt  }
0x7f: {  	_ =	shalt  }
0x80: {  	_ =	shalt  }
0x81: {  	_ =	shalt  }
0x82: {  	_ =	shalt  }
0x83: {  	_ =	shalt  }
0x84: {  	_ =	shalt  }
0x85: {  	_ =	shalt  }
0x86: {  	_ =	shalt  }
0x87: {  	_ =	shalt  }
.Lfunc_end0:
.L_simem_size_0:
called_computation_lowered:
.L_overlay_start_0:
0x88: {  	s2 =	sld [smem:$0x3FD9]  }
0x89: {  	s3 =	sld [smem:$0x3FFE];
	_ =	sdelay $0x1  }
0x8a: {  	s1 =	srdreg.scid  }
0x8b: {  	s0 =	sand.u32 $0x1, s1  }
0x8c: {  	s17 =	sshll.u32 s0, $0xA;
	s2 =	sadd.s32 s3, s2  }
0x8d: {  	s2 =	sadd.s32 s2, s17  }
0x8e: {  	[smem:$0x3FBE] =	sst s2  }
0x8f: {  	_ = 	snop  }
0x90: {  	s2 =	sld [smem:$0x3FD0];
	(tm) =	ssettm $0x1  }
0x91: {  	s18 =	sld [smem:$0x3FFB];
	_ =	sdelay $0x3  }
0x92: {  	_ =	strace s18  }
0x93: {  	s3 =	sld [smem:$0x3FFC];
	_ =	sdelay $0x3  }
0x94: {  	_ =	strace s3  }
0x95: {  	s3 =	sld [smem:$0x3FFD];
	_ =	sdelay $0x3  }
0x96: {  	_ =	strace s3  }
0x97: {  	_ =	strace $0x8FFFFFFF  }
0x98: {  	s19 =	sld [smem:$0x3FDB];
	_ =	sdelay $0x1  }
0x99: {  	s4 =	simm.s32 $_scs_section_size  }
0x9a: {  	s5 =	simm.s32 $_size__tile_overlayer_lowered;
	s6 =	simm.s32 $_tile_overlayer_lowered  }
0x9b: {  	s22 =	simm.s32 $0x1BFF;
	s21 =	sshll.u32 s6, $0x1;
	s3 =	sadd.s32 s4, s19  }
0x9c: {  	s7 =	simm.s32 $0x0;
	s20 =	sshll.u32 s5, $0x1;
	s5 =	sadd.s32 s21, s3  }
0x9d: {  	[timem:s7], [sflag:s22] =	dma.local [hbm:s5], s20  }
0x9e: {  	_ =	swait.ge [sflag:s22], s20  }
0x9f: {  	s4 =	ssub.s32 $0x0, s20;
	[sflag:s22] =	ssyncset.done $0x0  }
0xa0: {  	[sflag:s22] =	ssyncadd.s32 s4;
	_ =	sdelay $0x1  }
0xa1: {  	s23 =	simm.s32 $0x1B8B  }
0xa2: {  	_ =	swait.ge [sflag:s23], $0x1  }
0xa3: {  	[sflag:s23] =	ssyncset.done $0x0  }
0xa4: {  	s25 =	simm.s32 $0x1B8E;
	s24 =	sld [smem:$0x3FFE];
	[sflag:s23] =	ssyncadd.s32 $0xFFFFFFFF  }
0xa5: {  	s26 =	simm.s32 $execute0_lowered;
	[smem:$0x3FD2] =	sst s25  }
0xa6: {  	s5 =	sshll.u32 s26, $0x1;
	_ =	strace $0x80000046;
	[dreg:$0x1] =	wrdreg $0xFFFFFFFF  }
0xa7: {  	s28 =	simm.s32 $_size_execute0_lowered;
	s3 =	sadd.s32 s3, s5;
	[dreg:$0x0] =	wrdreg $0x0  }
0xa8: {  	s5 =	sshll.u32 s28, $0x1;
	[dreg:$0x2] =	wrdreg s3  }
0xa9: {  	[dreg:$0x3] =	wrdreg s5  }
0xaa: {  	[dreg:$0x4] =	wrdreg $0xC0  }
0xab: {  	_ =	task [dreg:s7], $0x5FFFF  }
0xac: {  	[dreg:$0x1] =	wrdreg $0xFFFFFFFF  }
0xad: {  	[dreg:$0x0] =	wrdreg $0x60  }
0xae: {  	[dreg:$0x2] =	wrdreg s2  }
0xaf: {  	[dreg:$0x3] =	wrdreg s24  }
0xb0: {  	[dreg:$0x4] =	wrdreg $0x0  }
0xb1: {  	[dreg:$0x5] =	wrdreg $0x9  }
0xb2: {  	_ =	task.clear_ibuf [dreg:s7], $0x6FFFF;
	_ =	strace $0x90000046  }
0xb3: {  	s29 =	simm.s32 $0x9;
	_ =	strace $0x80000048  }
0xb4: {  	_ =	swait.ge [sflag:s29], $0x1  }
0xb5: {  	[sflag:s29] =	ssyncadd.s32 $0xFFFFFFFF  }
0xb6: {  	_ =	strace $0x90000048  }
0xb7: {  	_ =	sfence  }
0xb8: {  	s30 =	sld [smem:$0x0];
	_ =	sdelay $0x2  }
0xb9: {  	s31 =	sshll.u32 s1, $0xD;
	s1 =	sshrl.u32 s1, $0x2  }
0xba: {  	s3 =	sand.u32 $0x4000, s31;
	s1 =	sadd.s32 s1, s30  }
0xbb: {  	s0 =	sor.u32 s3, s0;
	s1 =	sshll.u32 s1, $0x11  }
0xbc: {  	s0 =	sor.u32 s1, s0  }
0xbd: {  	s0 =	sadd.s32 $0x8F2B, s0  }
0xbe: {  	[sflag:s0] =	ssyncadd.remote.s32 $0x1  }
0xbf: {  	_ =	sfence.sel $0xFFFF  }
0xc0: {  	[dreg:$0x0] =	wrdreg $0xFFFFFFFF;
	(pc) =	sbr.abs _section_cstart, $3  }
0xc1: {  	[dreg:$0x1] =	wrdreg $0xFFFFFFFF  }
0xc2: {  	_ =	task.clear_ibuf [dreg:s7], $0x2FFFF;
	_ =	strace $0x9FFFFFFF  }
0xc3: {  	(tm) =	ssettm $0x7FFFFFFF  }
tec
execute0_lowered:
.L_overlay_start_1:
0x0: {  	(tag) =	ssettag $0x1  }
0x1: {  	s0 =	rddreg [dreg:$0x0]  }
0x2: {  	s4 =	rddreg [dreg:$0x1]  }
0x3: {  	s1 =	rddreg [dreg:$0x2]  }
0x4: {  	s5 =	srdreg.scid;
	s2 =	stileid.u32;
	s3 =	simm.s32 $0x0  }
0x5: {  	s22 =	simm.s32 $0x14180;
	s23 =	simm.s32 $0x80;
	s24 =	simm.s32 $0x14100  }
0x6: {  	s25 =	simm.s32 $0x14280;
	s28 =	simm.s32 $0x1;
	s29 =	simm.s32 $0x2  }
0x7: {  	s30 =	simm.s32 $0x0;
	s8 =	sand.u32 $0x1, s5;
	s26 =	smul.u32 $0x4E000, s2  }
0x8: {  	[smem:$0x7FF] =	sst s3;
	s16 =	sadd.s32 $0x2E00, s4;
	s19 =	sshll.u32 s2, $0x5  }
0x9: {  	s14 =	smul.u32 $0x13800, s2;
	s10 =	sadd.s32 $0x138000, s1;
	p0 =	sne.s32 s2, $0x0  }
0xa: {  	s6 =	ssub.s32 $0x2, s8;
	_ =	strace $0x80000047;
	s18 =	sshll.u32 s8, $0x9  }
0xb: {  	s15 =	smul.u32 $0x138800, s8;
	s7 =	sshrl.u32 s6, $0x1;
	s5 =	sshrl.u32 s26, $0x2  }
0xc: {  	s11 =	sor.u32 s19, s18;
	s26 =	simm.s32 $0x14200;
	s17 =	ssub.s32 s6, s7  }
0xd: {  	s4 =	sadd.s32 s5, s1;
	s11 =	sadd.s32 s0, s11;
	s20 =	sadd.s32 s14, s15  }
0xe: {  	s21 =	sshrl.u32 s15, $0x3;
	s0 =	sadd.s32 s18, s0;
	s5 =	sadd.s32 $0x3400, s4  }
0xf: {  	s31 =	sadd.s32 $0x6800, s4;
	s7 =	sadd.s32 $0x9C00, s4;
	s8 =	sadd.s32 $0xD000, s4  }
0x10: {  	s9 =	sadd.s32 $0x10400, s4;
	s12 =	sadd.s32 $0x400, s11;
	s13 =	sadd.s32 $0x800, s11  }
0x11: {  	s14 =	sadd.s32 $0xC00, s11;
	s20 =	sshrl.u32 s20, $0x3;
	s17 =	smax.u32 s17, $0x1  }
0x12: {  	s18 =	sadd.s32 s19, s0;
	s19 =	simm.s32 $0x1C280;
	[dreg:$0x4] =	wrdreg s5  }
0x13: {  	[dreg:$0x5] =	wrdreg s31;
	s15 =	sadd.s32 s16, s20;
	s16 =	sadd.s32 s16, s21  }
0x14: {  	v0 =	vimm.f32 $0.0e+00;
	v1 =	vimm.f32 $1.000000000e+00;
	s20 =	simm.s32 $0x3;
	s21 =	simm.s32 $0x14080;
	s16 =	sadd.s32 $0x27000, s16  }
.LBB2_1:
0x15: {  	s31 =	simm.s32 $0x0;
	s0 =	simm.s32 $0x200  }
.LBB2_2:
0x16: {  	p1 =	sne.s32 s0, $0xCE00;
	[tilespmem:s31+$0x1C2F0] =	vst v0  }
0x17: {  	[tilespmem:s31+$0x1C280] =	vst v0  }
0x18: {  	[tilespmem:s31+$0x1C290] =	vst v0  }
.Ltmp0:
0x19: {  	[tilespmem:s31+$0x1C2A0] =	vst v0;
	(pc) =	sbr.rel @p1 .LBB2_2-.Ltmp0, $4  }
0x1a: {  	[tilespmem:s31+$0x1C2B0] =	vst v0  }
0x1b: {  	[tilespmem:s31+$0x1C2C0] =	vst v0  }
0x1c: {  	[tilespmem:s31+$0x1C2D0] =	vst v0  }
0x1d: {  	[tilespmem:s31+$0x1C2E0] =	vst v0;
	s31 =	sshra.s32 s0, $0x2;
	s0 =	sadd.s32 $0x200, s0  }
0x1e: {  	[tilespmem:s31+$0x1C2F0] =	vst v0  }
0x1f: {  	[tilespmem:s31+$0x1C280] =	vst v0  }
0x20: {  	[tilespmem:s31+$0x1C290] =	vst v0  }
0x21: {  	[tilespmem:s31+$0x1C2A0] =	vst v0  }
0x22: {  	[tilespmem:s31+$0x1C2B0] =	vst v0  }
0x23: {  	[tilespmem:s31+$0x1C2C0] =	vst v0  }
0x24: {  	[tilespmem:s31+$0x1C2D0] =	vst v0  }
0x25: {  	[tilespmem:s31+$0x1C2E0] =	vst v0  }
0x26: {  	[spmem:s4] =	stream.linear.scatter [tilespmem:s19], [sflag:$0x3], $0x3400, $0x38;
	[tilespmem:$0x1F680] =	vst v63  }
0x27: {  	_ =	swait.ge [sflag:s20], $0x3400  }
0x28: {  	[sflag:s20] =	ssyncset.done $0x0  }
0x29: {  	s0 =	rddreg [dreg:$0x4];
	[sflag:s20] =	ssyncadd.s32 $0xFFFFCC00  }
0x2a: {  	[spmem:s0] =	stream.linear.scatter [tilespmem:s19], [sflag:$0x3], $0x3400, $0x38;
	[tilespmem:$0x1F680] =	vst v63  }
0x2b: {  	_ =	swait.ge [sflag:s20], $0x3400  }
0x2c: {  	[sflag:s20] =	ssyncset.done $0x0  }
0x2d: {  	s6 =	rddreg [dreg:$0x5];
	[sflag:s20] =	ssyncadd.s32 $0xFFFFCC00  }
0x2e: {  	[spmem:s6] =	stream.linear.scatter [tilespmem:s19], [sflag:$0x3], $0x3400, $0x38;
	[tilespmem:$0x1F680] =	vst v63  }
0x2f: {  	_ =	swait.ge [sflag:s20], $0x3400  }
0x30: {  	[sflag:s20] =	ssyncset.done $0x0  }
0x31: {  	[sflag:s20] =	ssyncadd.s32 $0xFFFFCC00  }
0x32: {  	[spmem:s7] =	stream.linear.scatter [tilespmem:s19], [sflag:$0x3], $0x3400, $0x38;
	[tilespmem:$0x1F680] =	vst v63  }
0x33: {  	_ =	swait.ge [sflag:s20], $0x3400  }
0x34: {  	[sflag:s20] =	ssyncset.done $0x0  }
0x35: {  	[sflag:s20] =	ssyncadd.s32 $0xFFFFCC00  }
0x36: {  	[spmem:s8] =	stream.linear.scatter [tilespmem:s19], [sflag:$0x3], $0x3400, $0x38;
	[tilespmem:$0x1F680] =	vst v63  }
0x37: {  	_ =	swait.ge [sflag:s20], $0x3400  }
0x38: {  	[sflag:s20] =	ssyncset.done $0x0  }
0x39: {  	[sflag:s20] =	ssyncadd.s32 $0xFFFFCC00  }
0x3a: {  	[spmem:s9] =	stream.linear.scatter [tilespmem:s19], [sflag:$0x3], $0x3400, $0x38;
	[tilespmem:$0x1F680] =	vst v63  }
0x3b: {  	_ =	swait.ge [sflag:s20], $0x3400  }
0x3c: {  	[sflag:s20] =	ssyncset.done $0x0  }
0x3d: {  	s0 =	simm.s32 @!p0 $0x1C280;
	[sflag:s20] =	ssyncadd.s32 $0xFFFFCC00  }
0x3e: {  	[spmem:s10] =	stream.linear.scatter @!p0 [tilespmem:s0], [sflag:$0x3], $0x800, $0x38;
	[tilespmem:$0x1F680] =	vst v63  }
0x3f: {  	s0 =	simm.s32 @!p0 $0x3  }
0x40: {  	_ =	swait.ge @!p0 [sflag:s0], $0x800  }
0x41: {  	[sflag:s0] =	ssyncset.done @!p0 $0x0  }
0x42: {  	s31 =	simm.s32 $0x0;
	[sflag:s0] =	ssyncadd.s32 @!p0 $0xFFFFF800;
	s0 =	simm.s32 $0x200  }
.LBB2_4:
0x43: {  	p1 =	sne.s32 s0, $0xFE00;
	[tilespmem:s31+$0x142F0] =	vst v1  }
0x44: {  	[tilespmem:s31+$0x14280] =	vst v1  }
0x45: {  	[tilespmem:s31+$0x14290] =	vst v1  }
.Ltmp1:
0x46: {  	[tilespmem:s31+$0x142A0] =	vst v1;
	(pc) =	sbr.rel @p1 .LBB2_4-.Ltmp1, $4  }
0x47: {  	[tilespmem:s31+$0x142B0] =	vst v1  }
0x48: {  	[tilespmem:s31+$0x142C0] =	vst v1  }
0x49: {  	[tilespmem:s31+$0x142D0] =	vst v1  }
0x4a: {  	[tilespmem:s31+$0x142E0] =	vst v1;
	s31 =	sshra.s32 s0, $0x2;
	s0 =	sadd.s32 $0x200, s0  }
0x4b: {  	[tilespmem:s31+$0x142F0] =	vst v1  }
0x4c: {  	[tilespmem:s31+$0x14280] =	vst v1  }
0x4d: {  	[tilespmem:s31+$0x14290] =	vst v1  }
0x4e: {  	[tilespmem:s31+$0x142A0] =	vst v1  }
0x4f: {  	[tilespmem:s31+$0x142B0] =	vst v1  }
0x50: {  	[tilespmem:s31+$0x142C0] =	vst v1  }
0x51: {  	[tilespmem:s31+$0x142D0] =	vst v1  }
0x52: {  	[tilespmem:s31+$0x142E0] =	vst v1  }
0x53: {  	[bflag:$0x0] =	sbarrier.arrive $0xFFFF  }
0x54: {  	[tilespmem:s21], [sflag:$0x3] =	stream.linear.gather [hbm4b:s11+s3], $0x100, $0x38;
	[tilespmem:$0x1F680] =	vst v63  }
0x55: {  	_ =	swait.ge [sflag:s20], $0x100  }
0x56: {  	[sflag:s20] =	ssyncset.done $0x0  }
0x57: {  	[sflag:s20] =	ssyncadd.s32 $0xFFFFFF00  }
0x58: {  	[tilespmem:s22], [sflag:$0x3] =	stream.linear.gather [hbm4b:s12+s3], $0x100, $0x38;
	[tilespmem:$0x1F680] =	vst v63  }
0x59: {  	_ =	swait.ge [sflag:s20], $0x100  }
0x5a: {  	[sflag:s20] =	ssyncset.done $0x0  }
0x5b: {  	[sflag:s20] =	ssyncadd.s32 $0xFFFFFF00  }
0x5c: {  	[spmem:s1] =	stream.indirect.scatter.add.f32 [tilespmem:s25], [sflag:$0x3], $0x80, s24, s23, $0xb8;
	[tilespmem:$0x1F680] =	vst v63  }
0x5d: {  	_ =	swait.ge [sflag:s20], $0x4000  }
0x5e: {  	[sflag:s20] =	ssyncset.done $0x0  }
0x5f: {  	[sflag:s20] =	ssyncadd.s32 $0xFFFFC000  }
0x60: {  	[tilespmem:s21], [sflag:$0x1] =	stream.linear.gather [hbm4b:s13+s3], $0x100, $0x38;
	[tilespmem:$0x1F680] =	vst v63  }
0x61: {  	_ = 	snop  }
0x62: {  	[spmem:s1] =	stream.indirect.scatter.add.f32 [tilespmem:s25], [sflag:$0x3], $0x80, s26, s23, $0xb8;
	[tilespmem:$0x1F680] =	vst v63  }
0x63: {  	_ =	swait.ge [sflag:s20], $0x4000  }
0x64: {  	[sflag:s20] =	ssyncset.done $0x0  }
0x65: {  	[sflag:s20] =	ssyncadd.s32 $0xFFFFC000  }
0x66: {  	[tilespmem:s22], [sflag:$0x2] =	stream.linear.gather [hbm4b:s14+s3], $0x100, $0x38;
	[tilespmem:$0x1F680] =	vst v63  }
0x67: {  	_ =	swait.ge [sflag:s28], $0x100  }
0x68: {  	[sflag:s28] =	ssyncset.done $0x0  }
0x69: {  	[sflag:s28] =	ssyncadd.s32 $0xFFFFFF00  }
0x6a: {  	[spmem:s1] =	stream.indirect.scatter.add.f32 [tilespmem:s25], [sflag:$0x3], $0x80, s24, s23, $0xb8;
	[tilespmem:$0x1F680] =	vst v63  }
0x6b: {  	_ =	swait.ge [sflag:s20], $0x4000  }
0x6c: {  	s0 =	sadd.s32 $0xFFFED000, s18;
	[sflag:s20] =	ssyncset.done $0x0  }
0x6d: {  	s31 =	sadd.s32 $0x14000, s0;
	[sflag:s20] =	ssyncadd.s32 $0xFFFFC000  }
0x6e: {  	[tilespmem:s21], [sflag:$0x1] =	stream.linear.gather [hbm4b:s31+s3], $0x100, $0x38;
	[tilespmem:$0x1F680] =	vst v63  }
0x6f: {  	_ =	swait.ge [sflag:s29], $0x100  }
0x70: {  	[sflag:s29] =	ssyncset.done $0x0  }
0x71: {  	[sflag:s29] =	ssyncadd.s32 $0xFFFFFF00  }
0x72: {  	[spmem:s1] =	stream.indirect.scatter.add.f32 [tilespmem:s25], [sflag:$0x3], $0x80, s26, s23, $0xb8;
	[tilespmem:$0x1F680] =	vst v63  }
0x73: {  	_ =	swait.ge [sflag:s20], $0x4000  }
0x74: {  	[sflag:s20] =	ssyncset.done $0x0  }
0x75: {  	s0 =	sadd.s32 $0x14400, s0;
	[sflag:s20] =	ssyncadd.s32 $0xFFFFC000  }
0x76: {  	[tilespmem:s22], [sflag:$0x2] =	stream.linear.gather [hbm4b:s0+s3], $0x100, $0x38;
	[tilespmem:$0x1F680] =	vst v63  }
0x77: {  	_ =	swait.ge [sflag:s28], $0x100  }
0x78: {  	[sflag:s28] =	ssyncset.done $0x0  }
0x79: {  	[sflag:s28] =	ssyncadd.s32 $0xFFFFFF00  }
0x7a: {  	[spmem:s1] =	stream.indirect.scatter.add.f32 [tilespmem:s25], [sflag:$0x3], $0x80, s24, s23, $0xb8;
	[tilespmem:$0x1F680] =	vst v63  }
0x7b: {  	_ =	swait.ge [sflag:s20], $0x4000  }
0x7c: {  	s31 =	sadd.s32 $0xFFFED800, s18;
	s0 =	simm.s32 $0xFFFEE000;
	[sflag:s20] =	ssyncset.done $0x0  }
.LBB2_6:
0x7d: {  	s2 =	sadd.s32 $0x14000, s31  }
0x7e: {  	[sflag:s20] =	ssyncadd.s32 $0xFFFFC000;
	s5 =	smov.u32 s0;
	s6 =	sadd.s32 $0x800, s0  }
0x7f: {  	[tilespmem:s21], [sflag:$0x1] =	stream.linear.gather [hbm4b:s2+s3], $0x100, $0x38;
	[tilespmem:$0x1F680] =	vst v63  }
0x80: {  	p1 =	sne.s32 s0, $0xFFFFF800;
	_ =	swait.ge [sflag:s29], $0x100  }
0x81: {  	[sflag:s29] =	ssyncset.done $0x0  }
0x82: {  	[sflag:s29] =	ssyncadd.s32 $0xFFFFFF00  }
0x83: {  	[spmem:s1] =	stream.indirect.scatter.add.f32 [tilespmem:s25], [sflag:$0x3], $0x80, s26, s23, $0xb8;
	[tilespmem:$0x1F680] =	vst v63  }
0x84: {  	_ =	swait.ge [sflag:s20], $0x4000  }
0x85: {  	[sflag:s20] =	ssyncset.done $0x0  }
0x86: {  	s0 =	sadd.s32 $0x14400, s31;
	[sflag:s20] =	ssyncadd.s32 $0xFFFFC000  }
0x87: {  	[tilespmem:s22], [sflag:$0x2] =	stream.linear.gather [hbm4b:s0+s3], $0x100, $0x38;
	[tilespmem:$0x1F680] =	vst v63  }
0x88: {  	_ =	swait.ge [sflag:s28], $0x100  }
.Ltmp2:
0x89: {  	[sflag:s28] =	ssyncset.done $0x0;
	(pc) =	sbr.rel @p1 .LBB2_6-.Ltmp2, $4  }
0x8a: {  	[sflag:s28] =	ssyncadd.s32 $0xFFFFFF00  }
0x8b: {  	[spmem:s1] =	stream.indirect.scatter.add.f32 [tilespmem:s25], [sflag:$0x3], $0x80, s24, s23, $0xb8;
	[tilespmem:$0x1F680] =	vst v63  }
0x8c: {  	_ =	swait.ge [sflag:s20], $0x4000  }
0x8d: {  	s31 =	sadd.s32 s5, s18;
	s0 =	smov.u32 s6;
	[sflag:s20] =	ssyncset.done $0x0  }
0x8e: {  	s0 =	sadd.s32 $0x14000, s31;
	[sflag:s20] =	ssyncadd.s32 $0xFFFFC000  }
0x8f: {  	[tilespmem:s21], [sflag:$0x1] =	stream.linear.gather [hbm4b:s0+s3], $0x100, $0x38;
	[tilespmem:$0x1F680] =	vst v63  }
0x90: {  	_ =	swait.ge [sflag:s29], $0x100  }
0x91: {  	[sflag:s29] =	ssyncset.done $0x0  }
0x92: {  	[sflag:s29] =	ssyncadd.s32 $0xFFFFFF00  }
0x93: {  	[spmem:s1] =	stream.indirect.scatter.add.f32 [tilespmem:s25], [sflag:$0x3], $0x80, s26, s23, $0xb8;
	[tilespmem:$0x1F680] =	vst v63  }
0x94: {  	_ =	swait.ge [sflag:s20], $0x4000  }
0x95: {  	[sflag:s20] =	ssyncset.done $0x0  }
0x96: {  	s6 =	sadd.s32 $0x14400, s31;
	[sflag:s20] =	ssyncadd.s32 $0xFFFFC000  }
0x97: {  	[tilespmem:s22], [sflag:$0x2] =	stream.linear.gather [hbm4b:s6+s3], $0x100, $0x38;
	[tilespmem:$0x1F680] =	vst v63  }
0x98: {  	_ =	swait.ge [sflag:s28], $0x100  }
0x99: {  	[sflag:s28] =	ssyncset.done $0x0  }
0x9a: {  	[sflag:s28] =	ssyncadd.s32 $0xFFFFFF00  }
0x9b: {  	[spmem:s1] =	stream.indirect.scatter.add.f32 [tilespmem:s25], [sflag:$0x3], $0x80, s24, s23, $0xb8;
	[tilespmem:$0x1F680] =	vst v63  }
0x9c: {  	_ =	swait.ge [sflag:s20], $0x4000  }
0x9d: {  	[sflag:s20] =	ssyncset.done $0x0  }
0x9e: {  	[sflag:s20] =	ssyncadd.s32 $0xFFFFC000  }
0x9f: {  	_ =	swait.ge [sflag:s29], $0x100  }
0xa0: {  	[sflag:s29] =	ssyncset.done $0x0  }
0xa1: {  	[sflag:s29] =	ssyncadd.s32 $0xFFFFFF00  }
0xa2: {  	[spmem:s1] =	stream.indirect.scatter.add.f32 [tilespmem:s25], [sflag:$0x3], $0x80, s26, s23, $0xb8;
	[tilespmem:$0x1F680] =	vst v63  }
0xa3: {  	_ =	swait.ge [sflag:s20], $0x4000  }
0xa4: {  	s31 =	stileid.u32;
	[sflag:s20] =	ssyncset.done $0x0  }
0xa5: {  	s0 =	sshll.u32 s31, $0x6;
	[sflag:s20] =	ssyncadd.s32 $0xFFFFC000  }
0xa6: {  	s2 =	sshrl.u32 s4, $0x3;
	s0 =	sor.u32 $0x1C03, s0;
	[bflag:$0x0] =	sbarrier.arrive $0xFFFF  }
0xa7: {  	[hbm:s15], [sflag:s0] =	dma.local [spmem:s2], $0x2700  }
0xa8: {  	_ =	swait.ge [sflag:s20], $0x2700  }
0xa9: {  	s30 =	sadd.s32 $0x1, s30;
	[sflag:s20] =	ssyncset.done $0x0  }
0xaa: {  	p1 =	sne.s32 s30, s17;
	s2 =	sshrl.u32 @!p0 s10, $0x3;
	[sflag:s20] =	ssyncadd.s32 $0xFFFFD900  }
0xab: {  	[hbm:s16], [sflag:s0] =	dma.local @!p0 [spmem:s2], $0x100  }
.Ltmp3:
0xac: {  	_ = 	snop;
	(pc) =	sbr.rel @p1 .LBB2_1-.Ltmp3, $4  }
0xad: {  	s0 =	simm.s32 @!p0 $0x3  }
0xae: {  	_ =	swait.ge @!p0 [sflag:s0], $0x100  }
0xaf: {  	[sflag:s0] =	ssyncset.done @!p0 $0x0  }
0xb0: {  	[sflag:s0] =	ssyncadd.s32 @!p0 $0xFFFFFF00  }
0xb1: {  	_ =	sfence.sel $0x180000  }
0xb2: {  	[bflag:$0x0] =	sbarrier.arrive $0xFFFF  }
0xb3: {  	_ =	strace $0x90000047  }
0xb4: {  	[bflag:$0x2] =	sbarrier.arrive $0xFFFF  }
0xb5: {  	s0 =	rddreg [dreg:$0x3]  }
0xb6: {  	s0 =	sadd.s32 @!p0 $0x100000, s0  }
0xb7: {  	[sflag:s0] =	ssyncadd.tile.s32 @!p0 $0x1;
	_ =	shalt  }
.Lfunc_end2:
_tile_overlayer_lowered:
.L_overlay_start_2:
0xb8: {  	(tag) =	ssettag $0x2  }
0xb9: {  	s0 =	rddreg [dreg:$0x0];
	s2 =	stileid.u32  }
0xba: {  	s1 =	rddreg [dreg:$0x1];
	p0 =	sne.s32 s2, $0x0  }
0xbb: {  	s3 =	rddreg [dreg:$0x2];
	[bflag:$0x3] =	sbarrier.arrive $0xFFFF;
	s2 =	simm.s32 @!p0 $0x1C03  }
0xbc: {  	[timem:s3], [sflag:s2] =	dma.local @!p0 [hbm:s0], s1  }
0xbd: {  	s0 =	simm.s32 @!p0 $0x3  }
0xbe: {  	_ =	swait.ge @!p0 [sflag:s0], s1  }
0xbf: {  	s1 =	ssub.s32 @!p0 $0x0, s1;
	[sflag:s0] =	ssyncset.done @!p0 $0x0  }
0xc0: {  	[sflag:s0] =	ssyncadd.s32 @!p0 s1  }
0xc1: {  	[bflag:$0x3] =	sbarrier.arrive $0xFFFF  }
0xc2: {  	_ =	shalt  }

</sc_bundles>
